<compile_context>
chip_gen: v7x
topology: tpu7x:2x2x1
jax: 0.10.2.dev20260603
libtpu: 0.0.44.dev20260713+nightly
codegen_flags: <defaults>
</compile_context>

<pallas_src>
import jax
import jax.numpy as jnp
from jax import lax
from jax.experimental import pallas as pl
from jax.experimental.pallas import tpu as pltpu
from jax.experimental.pallas import tpu_sc as plsc

N = 10000
E = 320000
C_IN = 128
C_OUT = 128

NC = 2
NS = 16
NW = NC * NS
EPW = E // NW
CH = 80
NCHUNK = EPW // CH
NPAD = 10240
RPT = NPAD // NS


def _precompute_body(x_ref, w1_ref, b1_ref, wr_ref, p_ref, q_ref, r_ref):
    xb = x_ref[...]
    p_ref[...] = (jnp.dot(xb, w1_ref[0:C_IN, :],
                          preferred_element_type=jnp.float32) + b1_ref[...])
    q_ref[...] = jnp.dot(xb, w1_ref[C_IN:2 * C_IN, :],
                         preferred_element_type=jnp.float32)
    r_ref[...] = jnp.dot(xb, wr_ref[...], preferred_element_type=jnp.float32)


def _precompute(x, W1, b1, W_root):
    blk = 2000
    grid = N // blk
    out = jax.ShapeDtypeStruct((N, C_OUT), jnp.float32)
    return pl.pallas_call(
        _precompute_body,
        grid=(grid,),
        in_specs=[
            pl.BlockSpec((blk, C_IN), lambda i: (i, 0)),
            pl.BlockSpec((2 * C_IN, C_OUT), lambda i: (0, 0)),
            pl.BlockSpec((1, C_OUT), lambda i: (0, 0)),
            pl.BlockSpec((C_IN, C_OUT), lambda i: (0, 0)),
        ],
        out_specs=[
            pl.BlockSpec((blk, C_OUT), lambda i: (i, 0)),
            pl.BlockSpec((blk, C_OUT), lambda i: (i, 0)),
            pl.BlockSpec((blk, C_OUT), lambda i: (i, 0)),
        ],
        out_shape=[out, out, out],
    )(x, W1, b1.reshape(1, C_OUT), W_root)


NPAIR = (NCHUNK - 1) // 2
BAT = 5
NBAT = NCHUNK // BAT
NBAT_TOT = NW * NBAT


def _edge_body(p_hbm, q_hbm, idx5_hbm, s_out, cnt_parts,
               idx5, pbufA, pbufB, clocal,
               gsemA, gsemB, ssemA, ssemB):
    c = lax.axis_index("c")
    s = lax.axis_index("s")
    w = c * NS + s

    zvec = jnp.zeros((16,), jnp.float32)

    def _zero_row(i, _):
        for j in range(C_OUT // 16):
            pbufA[i, pl.ds(j * 16, 16)] = zvec
        return 0

    lax.fori_loop(0, CH, _zero_row, 0)

    def _zfill(k, _):
        pltpu.sync_copy(pbufA, s_out.at[pl.ds(s * RPT + k * CH, CH)])
        return 0

    lax.fori_loop(0, RPT // CH, _zfill, 0)

    def _zcnt(i, _):
        clocal[pl.ds(i * 16, 16)] = zvec
        return 0

    lax.fori_loop(0, NPAD // 16, _zcnt, 0)
    plsc.subcore_barrier()

    ones16 = jnp.ones((16,), jnp.float32)

    def _relu_rows(pbuf):
        def _relu_row(r, _):
            for t in range(C_OUT // 16):
                sl = pl.ds(t * 16, 16)
                pbuf[r, sl] = jnp.maximum(pbuf[r, sl], 0.0)
            return 0

        lax.fori_loop(0, CH, _relu_row, 0)

    def _counts(hf, sl):
        for k in range(CH // 16):
            idx16 = idx5[hf, sl, 0, pl.ds(k * 16, 16)]
            plsc.addupdate_scatter(clocal, [idx16], ones16)

    bbase = w * NBAT

    def _didx(cl, half=None):
        b = cl // BAT
        r = idx5.at[jnp.bitwise_and(b, 1), cl - b * BAT, 0]
        return r if half is None else r.at[pl.ds(half * (CH // 2), CH // 2)]

    def _sidx(cl, half=None):
        b = cl // BAT
        r = idx5.at[jnp.bitwise_and(b, 1), cl - b * BAT, 1]
        return r if half is None else r.at[pl.ds(half * (CH // 2), CH // 2)]

    def _refill(cl):
        b = cl // BAT

        @pl.when(cl == b * BAT)
        def _():
            nb = jnp.minimum(bbase + b + 1, NBAT_TOT - 1)
            pltpu.sync_copy(idx5_hbm.at[nb],
                            idx5.at[jnp.bitwise_and(b + 1, 1)])

    def _phase(cl, pbuf, gsem, ssem, o_pbuf, o_gsem):
        b = cl // BAT
        hf = jnp.bitwise_and(b, 1)
        sl = cl - b * BAT
        pltpu.make_async_copy(q_hbm.at[_sidx(cl)], pbuf, gsem).wait()
        _relu_rows(pbuf)
        pltpu.make_async_copy(p_hbm.at[_didx(cl + 1)], o_pbuf,
                              o_gsem).wait()
        for hh in range(2):
            pltpu.async_copy(q_hbm.at[_sidx(cl + 1, hh)],
                             o_pbuf.at[pl.ds(hh * (CH // 2), CH // 2)],
                             o_gsem, add=True)
        pltpu.async_copy(pbuf, s_out.at[_didx(cl)], ssem, add=True)
        _counts(hf, sl)
        _refill(cl)
        pltpu.make_async_copy(pbuf, s_out.at[_didx(cl)], ssem).wait()
        for hh in range(2):
            pltpu.async_copy(p_hbm.at[_didx(cl + 2, hh)],
                             pbuf.at[pl.ds(hh * (CH // 2), CH // 2)], gsem)

    pltpu.sync_copy(idx5_hbm.at[bbase], idx5.at[0])
    pltpu.async_copy(p_hbm.at[_didx(0)], pbufA, gsemA).wait()
    pltpu.async_copy(q_hbm.at[_sidx(0)], pbufA, gsemA, add=True)
    for hh in range(2):
        pltpu.async_copy(p_hbm.at[_didx(1, hh)],
                         pbufB.at[pl.ds(hh * (CH // 2), CH // 2)], gsemB)

    def _pair(jj, _):
        _phase(2 * jj, pbufA, gsemA, ssemA, pbufB, gsemB)
        _phase(2 * jj + 1, pbufB, gsemB, ssemB, pbufA, gsemA)
        return 0

    lax.fori_loop(0, NPAIR, _pair, 0)

    last = NCHUNK - 1
    pltpu.make_async_copy(q_hbm.at[_sidx(last)], pbufA, gsemA).wait()
    _relu_rows(pbufA)
    pltpu.async_copy(pbufA, s_out.at[_didx(last)], ssemA, add=True)
    _counts(jnp.bitwise_and(last // BAT, 1), last % BAT)
    pltpu.make_async_copy(pbufA, s_out.at[_didx(last)], ssemA).wait()
    pltpu.make_async_copy(p_hbm.at[_didx(last)], pbufB, gsemB).wait()

    pltpu.sync_copy(clocal, cnt_parts.at[s])
    plsc.subcore_barrier()


def _edge_kernel_body(p_hbm, q_hbm, idx5_hbm, s_hbm, cnt_hbm,
                      s_sh, cnt_parts, idx5, pbufA, pbufB,
                      clocal, cwork, cvec, gsemA, gsemB, ssemA, ssemB):
    c = lax.axis_index("c")
    s = lax.axis_index("s")
    _edge_body(p_hbm, q_hbm, idx5_hbm, s_sh, cnt_parts,
               idx5, pbufA, pbufB, clocal,
               gsemA, gsemB, ssemA, ssemB)

    def _publish(k, _):
        base = s * RPT + k * CH
        pltpu.sync_copy(s_sh.at[pl.ds(base, CH)], pbufA)
        pltpu.sync_copy(pbufA, s_hbm.at[c, pl.ds(base, CH)])
        return 0

    lax.fori_loop(0, RPT // CH, _publish, 0)

    def _czero(i, _):
        cvec[pl.ds(i * 16, 16)] = jnp.zeros((16,), jnp.float32)
        return 0

    lax.fori_loop(0, RPT // 16, _czero, 0)
    for t in range(NS):
        pltpu.sync_copy(cnt_parts.at[t, pl.ds(s * RPT, RPT)], cwork)

        def _cadd(i, _):
            sl = pl.ds(i * 16, 16)
            cvec[sl] = cvec[sl] + cwork[sl]
            return 0

        lax.fori_loop(0, RPT // 16, _cadd, 0)
    pltpu.sync_copy(cvec, cnt_hbm.at[c, s])


def _edge_aggregate(P, Q, idx5_in):
    mesh = plsc.VectorSubcoreMesh(core_axis_name="c", subcore_axis_name="s",
                                  num_cores=NC, num_subcores=NS)
    f = pl.kernel(
        _edge_kernel_body,
        out_type=[
            jax.ShapeDtypeStruct((NC, NPAD, C_OUT), jnp.float32),
            jax.ShapeDtypeStruct((NC, NS, RPT), jnp.float32),
        ],
        mesh=mesh,
        compiler_params=pltpu.CompilerParams(needs_layout_passes=False),
        scratch_types=[
            pltpu.VMEM_SHARED((NPAD, C_OUT), jnp.float32),
            pltpu.VMEM_SHARED((NS, NPAD), jnp.float32),
            pltpu.VMEM((2, BAT, 2, CH), jnp.int32),
            pltpu.VMEM((CH, C_OUT), jnp.float32),
            pltpu.VMEM((CH, C_OUT), jnp.float32),
            pltpu.VMEM((NPAD,), jnp.float32),
            pltpu.VMEM((RPT,), jnp.float32),
            pltpu.VMEM((RPT,), jnp.float32),
            pltpu.SemaphoreType.DMA,
            pltpu.SemaphoreType.DMA,
            pltpu.SemaphoreType.DMA,
            pltpu.SemaphoreType.DMA,
        ],
    )
    return f(P, Q, idx5_in)


def _combine_body(s_ref, c_ref, r_ref, w2_ref, b2_ref, g_ref, be_ref,
                  out_ref):
    S = s_ref[0][0:N, :] + s_ref[1][0:N, :]
    cnt = c_ref[0][0:N, :] + c_ref[1][0:N, :]
    mc = jnp.maximum(cnt, 1.0)
    ind = jnp.minimum(cnt, 1.0)
    agg = (jnp.dot(S / mc, w2_ref[...], preferred_element_type=jnp.float32)
           + b2_ref[...] * ind)
    o = agg + r_ref[...]
    mean = jnp.mean(o, axis=0, keepdims=True)
    var = jnp.mean((o - mean) ** 2, axis=0, keepdims=True)
    o = (o - mean) * lax.rsqrt(var + 1e-5) * g_ref[...] + be_ref[...]
    out_ref[...] = jnp.maximum(o, 0.0)


def _combine(S2, CNT2, R, W2, b2, gamma, beta):
    return pl.pallas_call(
        _combine_body,
        out_shape=jax.ShapeDtypeStruct((N, C_OUT), jnp.float32),
    )(S2, CNT2, R, W2, b2.reshape(1, C_OUT), gamma.reshape(1, C_OUT),
      beta.reshape(1, C_OUT))


def kernel(x, edge_index, edge_attr, batch, W1, b1, W2, b2, W_root,
           gamma, beta):
    src = edge_index[0]
    dst = edge_index[1]
    idx5_in = jnp.concatenate(
        [dst.reshape(NBAT_TOT, BAT, 1, CH), src.reshape(NBAT_TOT, BAT, 1, CH)],
        axis=2)
    P, Q, R = _precompute(x, W1, b1, W_root)
    S2, CNTRAW = _edge_aggregate(P, Q, idx5_in)
    CNT2 = CNTRAW.reshape(NC, NPAD, 1)
    out = _combine(S2, CNT2, R, W2, b2, gamma, beta)
    return (out, edge_index, edge_attr, batch)

# --- scband reference (transcript-rebuilt; emitter-appended) ---
"""Pipeline reference for scband-node-feats-convv2-nn-82798379532678 (READ-ONLY COPY).

The authoritative reference and input builder live on the scoring server;
editing this copy changes nothing except your own understanding.
"""

import jax, jax.numpy as jnp
import numpy as np

N = 10000
E = 320000
IN_C = 128
OUT_C = 128
D_EDGE = 4
NUM_GRAPHS = 64


def setup_inputs(seed: int = 0) -> dict:
    key = jax.random.key(seed)
    ks = jax.random.split(key, 12)
    x = jax.random.normal(ks[0], (N, IN_C), dtype=jnp.float32)
    edge_index = jax.random.randint(ks[1], (2, E), 0, N, dtype=jnp.int32)
    edge_attr = jax.random.normal(ks[2], (E, D_EDGE), dtype=jnp.float32)
    batch = jnp.sort(jax.random.randint(ks[3], (N,), 0, NUM_GRAPHS, dtype=jnp.int32))
    # mlp = Seq(Linear(2*in_c, out_c), ReLU(), Linear(out_c, out_c))
    W1 = jax.random.normal(ks[4], (2 * IN_C, OUT_C), dtype=jnp.float32) * 0.05
    b1 = jnp.zeros((OUT_C,), dtype=jnp.float32)
    W2 = jax.random.normal(ks[5], (OUT_C, OUT_C), dtype=jnp.float32) * 0.05
    b2 = jnp.zeros((OUT_C,), dtype=jnp.float32)
    # root weight linear (root_weight=True)
    W_root = jax.random.normal(ks[6], (IN_C, OUT_C), dtype=jnp.float32) * 0.05
    # BatchNorm1d(out_c) affine params
    gamma = jnp.ones((OUT_C,), dtype=jnp.float32)
    beta = jnp.zeros((OUT_C,), dtype=jnp.float32)
    return {"x": x, "edge_index": edge_index, "edge_attr": edge_attr,
            "batch": batch, "W1": W1, "b1": b1, "W2": W2, "b2": b2,
            "W_root": W_root, "gamma": gamma, "beta": beta}


def reference(x, edge_index, edge_attr, batch, W1, b1, W2, b2, W_root, gamma, beta):
    # NodeFeatsConvv2: per-edge MLP on concat(x_dst, x_src), mean-aggregated at dst,
    # plus root linear transform (root_weight=True). dropout=False -> no dropout_adj.
    src = edge_index[0]
    dst = edge_index[1]
    h = jnp.concatenate([jnp.take(x, dst, axis=0), jnp.take(x, src, axis=0)], axis=-1)
    m = jnp.maximum(h @ W1 + b1, 0.0)
    m = m @ W2 + b2
    agg = jax.ops.segment_sum(m, dst, num_segments=N)
    cnt = jax.ops.segment_sum(jnp.ones((E, 1), dtype=jnp.float32), dst, num_segments=N)
    agg = agg / jnp.maximum(cnt, 1.0)
    out = agg + x @ W_root
    # BatchNorm1d in training mode: batch statistics over node dim
    mean = jnp.mean(out, axis=0)
    var = jnp.var(out, axis=0)
    out = (out - mean) / jnp.sqrt(var + 1e-5) * gamma + beta
    # activation() -> ReLU
    out = jnp.maximum(out, 0.0)
    return (out, edge_index, edge_attr, batch)

if __name__ == "__main__":
    import jax
    _d = setup_inputs()
    print(jax.jit(kernel)(*tuple(_d.values())))

</pallas_src>

<mosaic_0001>
#map = affine_map<(d0, d1) -> (0, 0)>
#map1 = affine_map<(d0, d1) -> (0, 0, 0, 0)>
#map2 = affine_map<(d0, d1) -> (0, 0, 0)>
module attributes {stable_mosaic.version = 14 : i64} {
  func.func @_edge_kernel_body(%arg0: i32, %arg1: i32, %arg2: memref<10000x128xf32, #tpu.memory_space<hbm>>, %arg3: memref<10000x128xf32, #tpu.memory_space<hbm>>, %arg4: memref<800x5x2x80xi32, #tpu.memory_space<hbm>>, %arg5: memref<2x10240x128xf32, #tpu.memory_space<hbm>>, %arg6: memref<2x16x640xf32, #tpu.memory_space<hbm>>, %arg7: memref<10240x128xf32, #tpu.memory_space<vmem_shared>>, %arg8: memref<16x10240xf32, #tpu.memory_space<vmem_shared>>, %arg9: memref<2x5x2x80xi32, #tpu.memory_space<vmem>>, %arg10: memref<80x128xf32, #tpu.memory_space<vmem>>, %arg11: memref<80x128xf32, #tpu.memory_space<vmem>>, %arg12: memref<10240xf32, #tpu.memory_space<vmem>>, %arg13: memref<640xf32, #tpu.memory_space<vmem>>, %arg14: memref<640xf32, #tpu.memory_space<vmem>>, %arg15: memref<!tpu.dma_semaphore, #tpu.memory_space<semaphore_mem>>, %arg16: memref<!tpu.dma_semaphore, #tpu.memory_space<semaphore_mem>>, %arg17: memref<!tpu.dma_semaphore, #tpu.memory_space<semaphore_mem>>, %arg18: memref<!tpu.dma_semaphore, #tpu.memory_space<semaphore_mem>>) attributes {dimension_semantics = [#tpu.dimension_semantics<core_parallel>, #tpu.dimension_semantics<subcore_parallel>], iteration_bounds = array<i64: 2, 16>, scalar_prefetch = 0 : i64, scratch_operands = 12 : i64, tpu.core_type = #tpu.core_type<sc_vector_subcore>, window_params = [{transform_indices = #map}, {transform_indices = #map}, {transform_indices = #map1}, {transform_indices = #map2}, {transform_indices = #map2}]} {
    %mul3A = arith.constant 16 : i32
    %mul3A_0 = arith.muli %arg0, %mul3A : i32
    %add3A = arith.addi %mul3A_0, %arg1 : i32
    %broadcast_in_dim3A = arith.constant 0.000000e+00 : f32
    %broadcast_in_dim3A_1 = vector.broadcast %broadcast_in_dim3A : f32 to vector<16xf32>
    %scan3A = arith.constant 0 : i32
    %scan3A_2 = arith.constant 0 : i32
    %scan3A_3 = arith.constant 80 : i32
    %scan3A_4 = arith.addi %scan3A_2, %scan3A_3 : i32
    %scan3A_5 = arith.constant 1 : i32
    %scan3A_6 = scf.for %scan3A_355 = %scan3A_2 to %scan3A_4 step %scan3A_5 iter_args(%scan3A_356 = %scan3A) -> (i32)  : i32 {
      %swap3A = arith.index_cast %scan3A_355 : i32 to index
      %swap3A_357 = arith.constant 0 : index
      %swap3A_358 = tpu.vector_load %arg10[%swap3A, %swap3A_357] {strides = array<i32>} : memref<80x128xf32, #tpu.memory_space<vmem>>, vector<16xf32>,
      tpu.vector_store %arg10[%swap3A, %swap3A_357], %broadcast_in_dim3A_1 {strides = array<i32>} : memref<80x128xf32, #tpu.memory_space<vmem>>, vector<16xf32>,
      %swap3A_359 = arith.index_cast %scan3A_355 : i32 to index
      %swap3A_360 = arith.constant 16 : index
      %swap3A_361 = tpu.vector_load %arg10[%swap3A_359, %swap3A_360] {strides = array<i32>} : memref<80x128xf32, #tpu.memory_space<vmem>>, vector<16xf32>,
      tpu.vector_store %arg10[%swap3A_359, %swap3A_360], %broadcast_in_dim3A_1 {strides = array<i32>} : memref<80x128xf32, #tpu.memory_space<vmem>>, vector<16xf32>,
      %swap3A_362 = arith.index_cast %scan3A_355 : i32 to index
      %swap3A_363 = arith.constant 32 : index
      %swap3A_364 = tpu.vector_load %arg10[%swap3A_362, %swap3A_363] {strides = array<i32>} : memref<80x128xf32, #tpu.memory_space<vmem>>, vector<16xf32>,
      tpu.vector_store %arg10[%swap3A_362, %swap3A_363], %broadcast_in_dim3A_1 {strides = array<i32>} : memref<80x128xf32, #tpu.memory_space<vmem>>, vector<16xf32>,
      %swap3A_365 = arith.index_cast %scan3A_355 : i32 to index
      %swap3A_366 = arith.constant 48 : index
      %swap3A_367 = tpu.vector_load %arg10[%swap3A_365, %swap3A_366] {strides = array<i32>} : memref<80x128xf32, #tpu.memory_space<vmem>>, vector<16xf32>,
      tpu.vector_store %arg10[%swap3A_365, %swap3A_366], %broadcast_in_dim3A_1 {strides = array<i32>} : memref<80x128xf32, #tpu.memory_space<vmem>>, vector<16xf32>,
      %swap3A_368 = arith.index_cast %scan3A_355 : i32 to index
      %swap3A_369 = arith.constant 64 : index
      %swap3A_370 = tpu.vector_load %arg10[%swap3A_368, %swap3A_369] {strides = array<i32>} : memref<80x128xf32, #tpu.memory_space<vmem>>, vector<16xf32>,
      tpu.vector_store %arg10[%swap3A_368, %swap3A_369], %broadcast_in_dim3A_1 {strides = array<i32>} : memref<80x128xf32, #tpu.memory_space<vmem>>, vector<16xf32>,
      %swap3A_371 = arith.index_cast %scan3A_355 : i32 to index
      %swap3A_372 = arith.constant 80 : index
      %swap3A_373 = tpu.vector_load %arg10[%swap3A_371, %swap3A_372] {strides = array<i32>} : memref<80x128xf32, #tpu.memory_space<vmem>>, vector<16xf32>,
      tpu.vector_store %arg10[%swap3A_371, %swap3A_372], %broadcast_in_dim3A_1 {strides = array<i32>} : memref<80x128xf32, #tpu.memory_space<vmem>>, vector<16xf32>,
      %swap3A_374 = arith.index_cast %scan3A_355 : i32 to index
      %swap3A_375 = arith.constant 96 : index
      %swap3A_376 = tpu.vector_load %arg10[%swap3A_374, %swap3A_375] {strides = array<i32>} : memref<80x128xf32, #tpu.memory_space<vmem>>, vector<16xf32>,
      tpu.vector_store %arg10[%swap3A_374, %swap3A_375], %broadcast_in_dim3A_1 {strides = array<i32>} : memref<80x128xf32, #tpu.memory_space<vmem>>, vector<16xf32>,
      %swap3A_377 = arith.index_cast %scan3A_355 : i32 to index
      %swap3A_378 = arith.constant 112 : index
      %swap3A_379 = tpu.vector_load %arg10[%swap3A_377, %swap3A_378] {strides = array<i32>} : memref<80x128xf32, #tpu.memory_space<vmem>>, vector<16xf32>,
      tpu.vector_store %arg10[%swap3A_377, %swap3A_378], %broadcast_in_dim3A_1 {strides = array<i32>} : memref<80x128xf32, #tpu.memory_space<vmem>>, vector<16xf32>,
      %scan3A_380 = arith.constant 0 : i32
      scf.yield %scan3A_380 : i32
    }
    %scan3A_7 = arith.constant 80 : i32
    %scan3A_8 = arith.constant 0 : i32
    %scan3A_9 = arith.constant 0 : i32
    %scan3A_10 = arith.constant 8 : i32
    %scan3A_11 = arith.addi %scan3A_9, %scan3A_10 : i32
    %scan3A_12 = arith.constant 1 : i32
    %scan3A_13 = scf.for %scan3A_355 = %scan3A_9 to %scan3A_11 step %scan3A_12 iter_args(%scan3A_356 = %scan3A_8) -> (i32)  : i32 {
      %mul3A_357 = arith.constant 640 : i32
      %mul3A_358 = arith.muli %arg1, %mul3A_357 : i32
      %mul3A_359 = arith.constant 80 : i32
      %mul3A_360 = arith.muli %scan3A_355, %mul3A_359 : i32
      %add3A_361 = arith.addi %mul3A_358, %mul3A_360 : i32
      "tpu.region"() ({
        %run_scoped3A_363 = tpu.sem_alloc : memref<!tpu.dma_semaphore, #tpu.memory_space<semaphore_mem>>
        %dma_start3A_364 = arith.constant 0 : i32
        %dma_start3A_365 = tpu.memref_slice %arg7[%add3A_361, %dma_start3A_364] : memref<10240x128xf32, #tpu.memory_space<vmem_shared>> -> memref<80x128xf32, #tpu.memory_space<vmem_shared>>
        %dma_start3A_366 = arith.constant 0 : i32
        %dma_start3A_367 = tpu.memref_slice %arg7[%add3A_361, %dma_start3A_366] : memref<10240x128xf32, #tpu.memory_space<vmem_shared>> -> memref<80x128xf32, #tpu.memory_space<vmem_shared>>
        tpu.enqueue_dma source(%arg10 : memref<80x128xf32, #tpu.memory_space<vmem>>) target(%dma_start3A_367 : memref<80x128xf32, #tpu.memory_space<vmem_shared>>) target_semaphore(%run_scoped3A_363 : memref<!tpu.dma_semaphore, #tpu.memory_space<semaphore_mem>>)
        %dma_wait3A_368 = arith.constant 0 : i32
        %dma_wait3A_369 = tpu.memref_slice %arg7[%add3A_361, %dma_wait3A_368] : memref<10240x128xf32, #tpu.memory_space<vmem_shared>> -> memref<80x128xf32, #tpu.memory_space<vmem_shared>>
        %dma_wait3A_370 = arith.constant 0 : i32
        %dma_wait3A_371 = tpu.memref_slice %arg7[%add3A_361, %dma_wait3A_370] : memref<10240x128xf32, #tpu.memory_space<vmem_shared>> -> memref<80x128xf32, #tpu.memory_space<vmem_shared>>
        tpu.wait_dma2 semaphore(%run_scoped3A_363 : memref<!tpu.dma_semaphore, #tpu.memory_space<semaphore_mem>>) src(%arg10 : memref<80x128xf32, #tpu.memory_space<vmem>>) dst(%dma_wait3A_371 : memref<80x128xf32, #tpu.memory_space<vmem_shared>>)
        tpu.yield
      }) : () -> ()
      %scan3A_362 = arith.constant 0 : i32
      scf.yield %scan3A_362 : i32
    }
    %scan3A_14 = arith.constant 8 : i32
    %scan3A_15 = arith.constant 0 : i32
    %scan3A_16 = arith.constant 0 : i32
    %scan3A_17 = arith.constant 640 : i32
    %scan3A_18 = arith.addi %scan3A_16, %scan3A_17 : i32
    %scan3A_19 = arith.constant 1 : i32
    %scan3A_20 = scf.for %scan3A_355 = %scan3A_16 to %scan3A_18 step %scan3A_19 iter_args(%scan3A_356 = %scan3A_15) -> (i32)  : i32 {
      %mul3A_357 = arith.constant 16 : i32
      %mul3A_358 = arith.muli %scan3A_355, %mul3A_357 : i32
      %swap3A = arith.index_cast %mul3A_358 : i32 to index
      %swap3A_359 = tpu.vector_load %arg12[%swap3A] {strides = array<i32>} : memref<10240xf32, #tpu.memory_space<vmem>>, vector<16xf32>,
      tpu.vector_store %arg12[%swap3A], %broadcast_in_dim3A_1 {strides = array<i32>} : memref<10240xf32, #tpu.memory_space<vmem>>, vector<16xf32>,
      %scan3A_360 = arith.constant 0 : i32
      scf.yield %scan3A_360 : i32
    }
    %scan3A_21 = arith.constant 640 : i32
    %barrier3A = arith.constant 0 : index
    tpu.barrier barrier_id(%barrier3A)
    %broadcast_in_dim3A_22 = arith.constant 1.000000e+00 : f32
    %broadcast_in_dim3A_23 = vector.broadcast %broadcast_in_dim3A_22 : f32 to vector<16xf32>
    %mul3A_24 = arith.constant 25 : i32
    %mul3A_25 = arith.muli %add3A, %mul3A_24 : i32
    %run_scoped3A = arith.constant 0 : i32
    "tpu.region"() ({
      %run_scoped3A_355 = tpu.sem_alloc : memref<!tpu.dma_semaphore, #tpu.memory_space<semaphore_mem>>
      %dma_start3A_356 = arith.constant 0 : i32
      %dma_start3A_357 = arith.constant 0 : i32
      %dma_start3A_358 = arith.constant 0 : i32
      %dma_start3A_359 = tpu.memref_slice %arg9[%run_scoped3A, %dma_start3A_356, %dma_start3A_357, %dma_start3A_358] : memref<2x5x2x80xi32, #tpu.memory_space<vmem>> -> memref<1x5x2x80xi32, #tpu.memory_space<vmem>>
      %dma_start3A_360 = tpu.memref_squeeze %dma_start3A_359 : memref<1x5x2x80xi32, #tpu.memory_space<vmem>> -> memref<5x2x80xi32, #tpu.memory_space<vmem>>
      %dma_start3A_361 = arith.constant 0 : i32
      %dma_start3A_362 = arith.constant 0 : i32
      %dma_start3A_363 = arith.constant 0 : i32
      %dma_start3A_364 = tpu.memref_slice %arg4[%mul3A_25, %dma_start3A_361, %dma_start3A_362, %dma_start3A_363] : memref<800x5x2x80xi32, #tpu.memory_space<hbm>> -> memref<1x5x2x80xi32, #tpu.memory_space<hbm>>
      %dma_start3A_365 = tpu.memref_squeeze %dma_start3A_364 : memref<1x5x2x80xi32, #tpu.memory_space<hbm>> -> memref<5x2x80xi32, #tpu.memory_space<hbm>>
      %dma_start3A_366 = arith.constant 0 : i32
      %dma_start3A_367 = arith.constant 0 : i32
      %dma_start3A_368 = arith.constant 0 : i32
      %dma_start3A_369 = tpu.memref_slice %arg9[%run_scoped3A, %dma_start3A_366, %dma_start3A_367, %dma_start3A_368] : memref<2x5x2x80xi32, #tpu.memory_space<vmem>> -> memref<1x5x2x80xi32, #tpu.memory_space<vmem>>
      %dma_start3A_370 = tpu.memref_squeeze %dma_start3A_369 : memref<1x5x2x80xi32, #tpu.memory_space<vmem>> -> memref<5x2x80xi32, #tpu.memory_space<vmem>>
      %dma_start3A_371 = arith.constant 0 : i32
      %dma_start3A_372 = arith.constant 0 : i32
      %dma_start3A_373 = arith.constant 0 : i32
      %dma_start3A_374 = tpu.memref_slice %arg4[%mul3A_25, %dma_start3A_371, %dma_start3A_372, %dma_start3A_373] : memref<800x5x2x80xi32, #tpu.memory_space<hbm>> -> memref<1x5x2x80xi32, #tpu.memory_space<hbm>>
      %dma_start3A_375 = tpu.memref_squeeze %dma_start3A_374 : memref<1x5x2x80xi32, #tpu.memory_space<hbm>> -> memref<5x2x80xi32, #tpu.memory_space<hbm>>
      tpu.enqueue_dma source(%dma_start3A_375 : memref<5x2x80xi32, #tpu.memory_space<hbm>>) target(%dma_start3A_370 : memref<5x2x80xi32, #tpu.memory_space<vmem>>) target_semaphore(%run_scoped3A_355 : memref<!tpu.dma_semaphore, #tpu.memory_space<semaphore_mem>>)
      %dma_wait3A_376 = arith.constant 0 : i32
      %dma_wait3A_377 = arith.constant 0 : i32
      %dma_wait3A_378 = arith.constant 0 : i32
      %dma_wait3A_379 = tpu.memref_slice %arg9[%run_scoped3A, %dma_wait3A_376, %dma_wait3A_377, %dma_wait3A_378] : memref<2x5x2x80xi32, #tpu.memory_space<vmem>> -> memref<1x5x2x80xi32, #tpu.memory_space<vmem>>
      %dma_wait3A_380 = tpu.memref_squeeze %dma_wait3A_379 : memref<1x5x2x80xi32, #tpu.memory_space<vmem>> -> memref<5x2x80xi32, #tpu.memory_space<vmem>>
      %dma_wait3A_381 = arith.constant 0 : i32
      %dma_wait3A_382 = arith.constant 0 : i32
      %dma_wait3A_383 = arith.constant 0 : i32
      %dma_wait3A_384 = tpu.memref_slice %arg4[%mul3A_25, %dma_wait3A_381, %dma_wait3A_382, %dma_wait3A_383] : memref<800x5x2x80xi32, #tpu.memory_space<hbm>> -> memref<1x5x2x80xi32, #tpu.memory_space<hbm>>
      %dma_wait3A_385 = tpu.memref_squeeze %dma_wait3A_384 : memref<1x5x2x80xi32, #tpu.memory_space<hbm>> -> memref<5x2x80xi32, #tpu.memory_space<hbm>>
      %dma_wait3A_386 = arith.constant 0 : i32
      %dma_wait3A_387 = arith.constant 0 : i32
      %dma_wait3A_388 = arith.constant 0 : i32
      %dma_wait3A_389 = tpu.memref_slice %arg9[%run_scoped3A, %dma_wait3A_386, %dma_wait3A_387, %dma_wait3A_388] : memref<2x5x2x80xi32, #tpu.memory_space<vmem>> -> memref<1x5x2x80xi32, #tpu.memory_space<vmem>>
      %dma_wait3A_390 = tpu.memref_squeeze %dma_wait3A_389 : memref<1x5x2x80xi32, #tpu.memory_space<vmem>> -> memref<5x2x80xi32, #tpu.memory_space<vmem>>
      %dma_wait3A_391 = arith.constant 0 : i32
      %dma_wait3A_392 = arith.constant 0 : i32
      %dma_wait3A_393 = arith.constant 0 : i32
      %dma_wait3A_394 = tpu.memref_slice %arg4[%mul3A_25, %dma_wait3A_391, %dma_wait3A_392, %dma_wait3A_393] : memref<800x5x2x80xi32, #tpu.memory_space<hbm>> -> memref<1x5x2x80xi32, #tpu.memory_space<hbm>>
      %dma_wait3A_395 = tpu.memref_squeeze %dma_wait3A_394 : memref<1x5x2x80xi32, #tpu.memory_space<hbm>> -> memref<5x2x80xi32, #tpu.memory_space<hbm>>
      tpu.wait_dma2 semaphore(%run_scoped3A_355 : memref<!tpu.dma_semaphore, #tpu.memory_space<semaphore_mem>>) src(%dma_wait3A_395 : memref<5x2x80xi32, #tpu.memory_space<hbm>>) dst(%dma_wait3A_390 : memref<5x2x80xi32, #tpu.memory_space<vmem>>)
      tpu.yield
    }) : () -> ()
    %and3A = arith.constant 0 : i32
    %and3A_26 = arith.constant 1 : i32
    %and3A_27 = arith.andi %and3A, %and3A_26 : i32
    %dma_start3A = arith.constant 0 : i32
    %dma_start3A_28 = arith.constant 0 : i32
    %dma_start3A_29 = arith.constant 0 : i32
    %dma_start3A_30 = tpu.memref_slice %arg9[%and3A_27, %dma_start3A, %dma_start3A_28, %dma_start3A_29] : memref<2x5x2x80xi32, #tpu.memory_space<vmem>> -> memref<1x1x1x80xi32, #tpu.memory_space<vmem>>
    %dma_start3A_31 = tpu.memref_squeeze %dma_start3A_30 : memref<1x1x1x80xi32, #tpu.memory_space<vmem>> -> memref<80xi32, #tpu.memory_space<vmem>>
    %dma_start3A_32 = arith.constant 0 : i32
    %dma_start3A_33 = arith.constant 0 : i32
    %dma_start3A_34 = tpu.memref_slice %arg2[%dma_start3A_32, %dma_start3A_33] : memref<10000x128xf32, #tpu.memory_space<hbm>> -> memref<10000x128xf32, #tpu.memory_space<hbm>>
    tpu.enqueue_indirect_dma source(%dma_start3A_34 : memref<10000x128xf32, #tpu.memory_space<hbm>>) target(%arg10 : memref<80x128xf32, #tpu.memory_space<vmem>>) offsets(%dma_start3A_31 : memref<80xi32, #tpu.memory_space<vmem>>) semaphore(%arg15 : memref<!tpu.dma_semaphore, #tpu.memory_space<semaphore_mem>>)
    %dma_wait3A = arith.constant 0 : i32
    %dma_wait3A_35 = arith.constant 0 : i32
    %dma_wait3A_36 = arith.constant 0 : i32
    %dma_wait3A_37 = tpu.memref_slice %arg9[%and3A_27, %dma_wait3A, %dma_wait3A_35, %dma_wait3A_36] : memref<2x5x2x80xi32, #tpu.memory_space<vmem>> -> memref<1x1x1x80xi32, #tpu.memory_space<vmem>>
    %dma_wait3A_38 = tpu.memref_squeeze %dma_wait3A_37 : memref<1x1x1x80xi32, #tpu.memory_space<vmem>> -> memref<80xi32, #tpu.memory_space<vmem>>
    %dma_wait3A_39 = arith.constant 0 : i32
    %dma_wait3A_40 = arith.constant 0 : i32
    %dma_wait3A_41 = tpu.memref_slice %arg2[%dma_wait3A_39, %dma_wait3A_40] : memref<10000x128xf32, #tpu.memory_space<hbm>> -> memref<10000x128xf32, #tpu.memory_space<hbm>>
    tpu.wait_indirect_dma semaphore(%arg15 : memref<!tpu.dma_semaphore, #tpu.memory_space<semaphore_mem>>) src(%dma_wait3A_41 : memref<10000x128xf32, #tpu.memory_space<hbm>>) dst(%arg10 : memref<80x128xf32, #tpu.memory_space<vmem>>)
    %and3A_42 = arith.constant 0 : i32
    %and3A_43 = arith.constant 1 : i32
    %and3A_44 = arith.andi %and3A_42, %and3A_43 : i32
    %dma_start3A_45 = arith.constant 0 : i32
    %dma_start3A_46 = arith.constant 1 : i32
    %dma_start3A_47 = arith.constant 0 : i32
    %dma_start3A_48 = tpu.memref_slice %arg9[%and3A_44, %dma_start3A_45, %dma_start3A_46, %dma_start3A_47] : memref<2x5x2x80xi32, #tpu.memory_space<vmem>> -> memref<1x1x1x80xi32, #tpu.memory_space<vmem>>
    %dma_start3A_49 = tpu.memref_squeeze %dma_start3A_48 : memref<1x1x1x80xi32, #tpu.memory_space<vmem>> -> memref<80xi32, #tpu.memory_space<vmem>>
    %dma_start3A_50 = arith.constant 0 : i32
    %dma_start3A_51 = arith.constant 0 : i32
    %dma_start3A_52 = tpu.memref_slice %arg3[%dma_start3A_50, %dma_start3A_51] : memref<10000x128xf32, #tpu.memory_space<hbm>> -> memref<10000x128xf32, #tpu.memory_space<hbm>>
    tpu.enqueue_indirect_dma source(%dma_start3A_52 : memref<10000x128xf32, #tpu.memory_space<hbm>>) target(%arg10 : memref<80x128xf32, #tpu.memory_space<vmem>>) offsets(%dma_start3A_49 : memref<80xi32, #tpu.memory_space<vmem>>) semaphore(%arg15 : memref<!tpu.dma_semaphore, #tpu.memory_space<semaphore_mem>>) {add = true}
    %and3A_53 = arith.constant 0 : i32
    %and3A_54 = arith.constant 1 : i32
    %and3A_55 = arith.andi %and3A_53, %and3A_54 : i32
    %dma_start3A_56 = arith.constant 1 : i32
    %dma_start3A_57 = arith.constant 0 : i32
    %dma_start3A_58 = arith.constant 0 : i32
    %dma_start3A_59 = arith.constant 0 : i32
    %dma_start3A_60 = tpu.memref_slice %arg11[%dma_start3A_58, %dma_start3A_59] : memref<80x128xf32, #tpu.memory_space<vmem>> -> memref<40x128xf32, #tpu.memory_space<vmem>>
    %dma_start3A_61 = arith.constant 0 : i32
    %dma_start3A_62 = tpu.memref_slice %arg9[%and3A_55, %dma_start3A_56, %dma_start3A_57, %dma_start3A_61] : memref<2x5x2x80xi32, #tpu.memory_space<vmem>> -> memref<1x1x1x80xi32, #tpu.memory_space<vmem>>
    %dma_start3A_63 = tpu.memref_squeeze %dma_start3A_62 : memref<1x1x1x80xi32, #tpu.memory_space<vmem>> -> memref<80xi32, #tpu.memory_space<vmem>>
    %dma_start3A_64 = arith.constant 0 : i32
    %dma_start3A_65 = tpu.memref_slice %dma_start3A_63[%dma_start3A_64] : memref<80xi32, #tpu.memory_space<vmem>> -> memref<40xi32, #tpu.memory_space<vmem>>
    %dma_start3A_66 = arith.constant 0 : i32
    %dma_start3A_67 = arith.constant 0 : i32
    %dma_start3A_68 = tpu.memref_slice %arg2[%dma_start3A_66, %dma_start3A_67] : memref<10000x128xf32, #tpu.memory_space<hbm>> -> memref<10000x128xf32, #tpu.memory_space<hbm>>
    tpu.enqueue_indirect_dma source(%dma_start3A_68 : memref<10000x128xf32, #tpu.memory_space<hbm>>) target(%dma_start3A_60 : memref<40x128xf32, #tpu.memory_space<vmem>>) offsets(%dma_start3A_65 : memref<40xi32, #tpu.memory_space<vmem>>) semaphore(%arg16 : memref<!tpu.dma_semaphore, #tpu.memory_space<semaphore_mem>>)
    %and3A_69 = arith.constant 0 : i32
    %and3A_70 = arith.constant 1 : i32
    %and3A_71 = arith.andi %and3A_69, %and3A_70 : i32
    %dma_start3A_72 = arith.constant 1 : i32
    %dma_start3A_73 = arith.constant 0 : i32
    %dma_start3A_74 = arith.constant 40 : i32
    %dma_start3A_75 = arith.constant 0 : i32
    %dma_start3A_76 = tpu.memref_slice %arg11[%dma_start3A_74, %dma_start3A_75] : memref<80x128xf32, #tpu.memory_space<vmem>> -> memref<40x128xf32, #tpu.memory_space<vmem>>
    %dma_start3A_77 = arith.constant 0 : i32
    %dma_start3A_78 = tpu.memref_slice %arg9[%and3A_71, %dma_start3A_72, %dma_start3A_73, %dma_start3A_77] : memref<2x5x2x80xi32, #tpu.memory_space<vmem>> -> memref<1x1x1x80xi32, #tpu.memory_space<vmem>>
    %dma_start3A_79 = tpu.memref_squeeze %dma_start3A_78 : memref<1x1x1x80xi32, #tpu.memory_space<vmem>> -> memref<80xi32, #tpu.memory_space<vmem>>
    %dma_start3A_80 = arith.constant 40 : i32
    %dma_start3A_81 = tpu.memref_slice %dma_start3A_79[%dma_start3A_80] : memref<80xi32, #tpu.memory_space<vmem>> -> memref<40xi32, #tpu.memory_space<vmem>>
    %dma_start3A_82 = arith.constant 0 : i32
    %dma_start3A_83 = arith.constant 0 : i32
    %dma_start3A_84 = tpu.memref_slice %arg2[%dma_start3A_82, %dma_start3A_83] : memref<10000x128xf32, #tpu.memory_space<hbm>> -> memref<10000x128xf32, #tpu.memory_space<hbm>>
    tpu.enqueue_indirect_dma source(%dma_start3A_84 : memref<10000x128xf32, #tpu.memory_space<hbm>>) target(%dma_start3A_76 : memref<40x128xf32, #tpu.memory_space<vmem>>) offsets(%dma_start3A_81 : memref<40xi32, #tpu.memory_space<vmem>>) semaphore(%arg16 : memref<!tpu.dma_semaphore, #tpu.memory_space<semaphore_mem>>)
    %scan3A_85 = arith.constant 0 : i32
    %scan3A_86 = arith.constant 0 : i32
    %scan3A_87 = arith.constant 62 : i32
    %scan3A_88 = arith.addi %scan3A_86, %scan3A_87 : i32
    %scan3A_89 = arith.constant 1 : i32
    %scan3A_90 = scf.for %scan3A_355 = %scan3A_86 to %scan3A_88 step %scan3A_89 iter_args(%scan3A_356 = %scan3A_85) -> (i32)  : i32 {
      %mul3A_357 = arith.constant 2 : i32
      %mul3A_358 = arith.muli %mul3A_357, %scan3A_355 : i32
      %jit3A = arith.constant 5 : i32
      %div3A = arith.divsi %mul3A_358, %jit3A : i32
      %sign3A = arith.constant 0 : i32
      %sign3A_359 = arith.cmpi sgt, %mul3A_358, %sign3A : i32
      %sign3A_360 = arith.extui %sign3A_359 : i1 to i32
      %sign3A_361 = arith.constant 0 : i32
      %sign3A_362 = arith.cmpi slt, %mul3A_358, %sign3A_361 : i32
      %sign3A_363 = arith.extui %sign3A_362 : i1 to i32
      %sign3A_364 = arith.subi %sign3A_360, %sign3A_363 : i32
      %sign3A_365 = arith.constant 0 : i32
      %sign3A_366 = arith.cmpi sgt, %jit3A, %sign3A_365 : i32
      %sign3A_367 = arith.extui %sign3A_366 : i1 to i32
      %sign3A_368 = arith.constant 0 : i32
      %sign3A_369 = arith.cmpi slt, %jit3A, %sign3A_368 : i32
      %sign3A_370 = arith.extui %sign3A_369 : i1 to i32
      %sign3A_371 = arith.subi %sign3A_367, %sign3A_370 : i32
      %ne3A = arith.cmpi ne, %sign3A_364, %sign3A_371 : i32
      %rem3A = arith.remsi %mul3A_358, %jit3A : i32
      %ne3A_372 = arith.constant 0 : i32
      %ne3A_373 = arith.cmpi ne, %rem3A, %ne3A_372 : i32
      %and3A_374 = arith.andi %ne3A, %ne3A_373 : i1
      %sub3A = arith.constant 1 : i32
      %sub3A_375 = arith.subi %div3A, %sub3A : i32
      %select_n3A = arith.select %and3A_374, %sub3A_375, %div3A : i32
      %and3A_376 = arith.constant 1 : i32
      %and3A_377 = arith.andi %select_n3A, %and3A_376 : i32
      %mul3A_378 = arith.constant 5 : i32
      %mul3A_379 = arith.muli %select_n3A, %mul3A_378 : i32
      %sub3A_380 = arith.subi %mul3A_358, %mul3A_379 : i32
      %jit3A_381 = arith.constant 5 : i32
      %div3A_382 = arith.divsi %mul3A_358, %jit3A_381 : i32
      %sign3A_383 = arith.constant 0 : i32
      %sign3A_384 = arith.cmpi sgt, %mul3A_358, %sign3A_383 : i32
      %sign3A_385 = arith.extui %sign3A_384 : i1 to i32
      %sign3A_386 = arith.constant 0 : i32
      %sign3A_387 = arith.cmpi slt, %mul3A_358, %sign3A_386 : i32
      %sign3A_388 = arith.extui %sign3A_387 : i1 to i32
      %sign3A_389 = arith.subi %sign3A_385, %sign3A_388 : i32
      %sign3A_390 = arith.constant 0 : i32
      %sign3A_391 = arith.cmpi sgt, %jit3A_381, %sign3A_390 : i32
      %sign3A_392 = arith.extui %sign3A_391 : i1 to i32
      %sign3A_393 = arith.constant 0 : i32
      %sign3A_394 = arith.cmpi slt, %jit3A_381, %sign3A_393 : i32
      %sign3A_395 = arith.extui %sign3A_394 : i1 to i32
      %sign3A_396 = arith.subi %sign3A_392, %sign3A_395 : i32
      %ne3A_397 = arith.cmpi ne, %sign3A_389, %sign3A_396 : i32
      %rem3A_398 = arith.remsi %mul3A_358, %jit3A_381 : i32
      %ne3A_399 = arith.constant 0 : i32
      %ne3A_400 = arith.cmpi ne, %rem3A_398, %ne3A_399 : i32
      %and3A_401 = arith.andi %ne3A_397, %ne3A_400 : i1
      %sub3A_402 = arith.constant 1 : i32
      %sub3A_403 = arith.subi %div3A_382, %sub3A_402 : i32
      %select_n3A_404 = arith.select %and3A_401, %sub3A_403, %div3A_382 : i32
      %and3A_405 = arith.constant 1 : i32
      %and3A_406 = arith.andi %select_n3A_404, %and3A_405 : i32
      %mul3A_407 = arith.constant 5 : i32
      %mul3A_408 = arith.muli %select_n3A_404, %mul3A_407 : i32
      %sub3A_409 = arith.subi %mul3A_358, %mul3A_408 : i32
      %dma_wait3A_410 = arith.constant 1 : i32
      %dma_wait3A_411 = arith.constant 0 : i32
      %dma_wait3A_412 = tpu.memref_slice %arg9[%and3A_406, %sub3A_409, %dma_wait3A_410, %dma_wait3A_411] : memref<2x5x2x80xi32, #tpu.memory_space<vmem>> -> memref<1x1x1x80xi32, #tpu.memory_space<vmem>>
      %dma_wait3A_413 = tpu.memref_squeeze %dma_wait3A_412 : memref<1x1x1x80xi32, #tpu.memory_space<vmem>> -> memref<80xi32, #tpu.memory_space<vmem>>
      %dma_wait3A_414 = arith.constant 0 : i32
      %dma_wait3A_415 = arith.constant 0 : i32
      %dma_wait3A_416 = tpu.memref_slice %arg3[%dma_wait3A_414, %dma_wait3A_415] : memref<10000x128xf32, #tpu.memory_space<hbm>> -> memref<10000x128xf32, #tpu.memory_space<hbm>>
      tpu.wait_indirect_dma semaphore(%arg15 : memref<!tpu.dma_semaphore, #tpu.memory_space<semaphore_mem>>) src(%dma_wait3A_416 : memref<10000x128xf32, #tpu.memory_space<hbm>>) dst(%arg10 : memref<80x128xf32, #tpu.memory_space<vmem>>)
      %scan3A_417 = arith.constant 0 : i32
      %scan3A_418 = arith.constant 0 : i32
      %scan3A_419 = arith.constant 80 : i32
      %scan3A_420 = arith.addi %scan3A_418, %scan3A_419 : i32
      %scan3A_421 = arith.constant 1 : i32
      %scan3A_422 = scf.for %scan3A_1182 = %scan3A_418 to %scan3A_420 step %scan3A_421 iter_args(%scan3A_1183 = %scan3A_417) -> (i32)  : i32 {
        %get3A_1184 = arith.index_cast %scan3A_1182 : i32 to index
        %get3A_1185 = arith.constant 0 : index
        %get3A_1186 = tpu.vector_load %arg10[%get3A_1184, %get3A_1185] {strides = array<i32>} : memref<80x128xf32, #tpu.memory_space<vmem>>, vector<16xf32>,
        %max3A = arith.constant 0.000000e+00 : f32
        %max3A_1187 = vector.broadcast %max3A : f32 to vector<16xf32>
        %max3A_1188 = arith.maximumf %get3A_1186, %max3A_1187 : vector<16xf32>
        %swap3A = arith.index_cast %scan3A_1182 : i32 to index
        %swap3A_1189 = arith.constant 0 : index
        %swap3A_1190 = tpu.vector_load %arg10[%swap3A, %swap3A_1189] {strides = array<i32>} : memref<80x128xf32, #tpu.memory_space<vmem>>, vector<16xf32>,
        tpu.vector_store %arg10[%swap3A, %swap3A_1189], %max3A_1188 {strides = array<i32>} : memref<80x128xf32, #tpu.memory_space<vmem>>, vector<16xf32>,
        %get3A_1191 = arith.index_cast %scan3A_1182 : i32 to index
        %get3A_1192 = arith.constant 16 : index
        %get3A_1193 = tpu.vector_load %arg10[%get3A_1191, %get3A_1192] {strides = array<i32>} : memref<80x128xf32, #tpu.memory_space<vmem>>, vector<16xf32>,
        %max3A_1194 = arith.constant 0.000000e+00 : f32
        %max3A_1195 = vector.broadcast %max3A_1194 : f32 to vector<16xf32>
        %max3A_1196 = arith.maximumf %get3A_1193, %max3A_1195 : vector<16xf32>
        %swap3A_1197 = arith.index_cast %scan3A_1182 : i32 to index
        %swap3A_1198 = arith.constant 16 : index
        %swap3A_1199 = tpu.vector_load %arg10[%swap3A_1197, %swap3A_1198] {strides = array<i32>} : memref<80x128xf32, #tpu.memory_space<vmem>>, vector<16xf32>,
        tpu.vector_store %arg10[%swap3A_1197, %swap3A_1198], %max3A_1196 {strides = array<i32>} : memref<80x128xf32, #tpu.memory_space<vmem>>, vector<16xf32>,
        %get3A_1200 = arith.index_cast %scan3A_1182 : i32 to index
        %get3A_1201 = arith.constant 32 : index
        %get3A_1202 = tpu.vector_load %arg10[%get3A_1200, %get3A_1201] {strides = array<i32>} : memref<80x128xf32, #tpu.memory_space<vmem>>, vector<16xf32>,
        %max3A_1203 = arith.constant 0.000000e+00 : f32
        %max3A_1204 = vector.broadcast %max3A_1203 : f32 to vector<16xf32>
        %max3A_1205 = arith.maximumf %get3A_1202, %max3A_1204 : vector<16xf32>
        %swap3A_1206 = arith.index_cast %scan3A_1182 : i32 to index
        %swap3A_1207 = arith.constant 32 : index
        %swap3A_1208 = tpu.vector_load %arg10[%swap3A_1206, %swap3A_1207] {strides = array<i32>} : memref<80x128xf32, #tpu.memory_space<vmem>>, vector<16xf32>,
        tpu.vector_store %arg10[%swap3A_1206, %swap3A_1207], %max3A_1205 {strides = array<i32>} : memref<80x128xf32, #tpu.memory_space<vmem>>, vector<16xf32>,
        %get3A_1209 = arith.index_cast %scan3A_1182 : i32 to index
        %get3A_1210 = arith.constant 48 : index
        %get3A_1211 = tpu.vector_load %arg10[%get3A_1209, %get3A_1210] {strides = array<i32>} : memref<80x128xf32, #tpu.memory_space<vmem>>, vector<16xf32>,
        %max3A_1212 = arith.constant 0.000000e+00 : f32
        %max3A_1213 = vector.broadcast %max3A_1212 : f32 to vector<16xf32>
        %max3A_1214 = arith.maximumf %get3A_1211, %max3A_1213 : vector<16xf32>
        %swap3A_1215 = arith.index_cast %scan3A_1182 : i32 to index
        %swap3A_1216 = arith.constant 48 : index
        %swap3A_1217 = tpu.vector_load %arg10[%swap3A_1215, %swap3A_1216] {strides = array<i32>} : memref<80x128xf32, #tpu.memory_space<vmem>>, vector<16xf32>,
        tpu.vector_store %arg10[%swap3A_1215, %swap3A_1216], %max3A_1214 {strides = array<i32>} : memref<80x128xf32, #tpu.memory_space<vmem>>, vector<16xf32>,
        %get3A_1218 = arith.index_cast %scan3A_1182 : i32 to index
        %get3A_1219 = arith.constant 64 : index
        %get3A_1220 = tpu.vector_load %arg10[%get3A_1218, %get3A_1219] {strides = array<i32>} : memref<80x128xf32, #tpu.memory_space<vmem>>, vector<16xf32>,
        %max3A_1221 = arith.constant 0.000000e+00 : f32
        %max3A_1222 = vector.broadcast %max3A_1221 : f32 to vector<16xf32>
        %max3A_1223 = arith.maximumf %get3A_1220, %max3A_1222 : vector<16xf32>
        %swap3A_1224 = arith.index_cast %scan3A_1182 : i32 to index
        %swap3A_1225 = arith.constant 64 : index
        %swap3A_1226 = tpu.vector_load %arg10[%swap3A_1224, %swap3A_1225] {strides = array<i32>} : memref<80x128xf32, #tpu.memory_space<vmem>>, vector<16xf32>,
        tpu.vector_store %arg10[%swap3A_1224, %swap3A_1225], %max3A_1223 {strides = array<i32>} : memref<80x128xf32, #tpu.memory_space<vmem>>, vector<16xf32>,
        %get3A_1227 = arith.index_cast %scan3A_1182 : i32 to index
        %get3A_1228 = arith.constant 80 : index
        %get3A_1229 = tpu.vector_load %arg10[%get3A_1227, %get3A_1228] {strides = array<i32>} : memref<80x128xf32, #tpu.memory_space<vmem>>, vector<16xf32>,
        %max3A_1230 = arith.constant 0.000000e+00 : f32
        %max3A_1231 = vector.broadcast %max3A_1230 : f32 to vector<16xf32>
        %max3A_1232 = arith.maximumf %get3A_1229, %max3A_1231 : vector<16xf32>
        %swap3A_1233 = arith.index_cast %scan3A_1182 : i32 to index
        %swap3A_1234 = arith.constant 80 : index
        %swap3A_1235 = tpu.vector_load %arg10[%swap3A_1233, %swap3A_1234] {strides = array<i32>} : memref<80x128xf32, #tpu.memory_space<vmem>>, vector<16xf32>,
        tpu.vector_store %arg10[%swap3A_1233, %swap3A_1234], %max3A_1232 {strides = array<i32>} : memref<80x128xf32, #tpu.memory_space<vmem>>, vector<16xf32>,
        %get3A_1236 = arith.index_cast %scan3A_1182 : i32 to index
        %get3A_1237 = arith.constant 96 : index
        %get3A_1238 = tpu.vector_load %arg10[%get3A_1236, %get3A_1237] {strides = array<i32>} : memref<80x128xf32, #tpu.memory_space<vmem>>, vector<16xf32>,
        %max3A_1239 = arith.constant 0.000000e+00 : f32
        %max3A_1240 = vector.broadcast %max3A_1239 : f32 to vector<16xf32>
        %max3A_1241 = arith.maximumf %get3A_1238, %max3A_1240 : vector<16xf32>
        %swap3A_1242 = arith.index_cast %scan3A_1182 : i32 to index
        %swap3A_1243 = arith.constant 96 : index
        %swap3A_1244 = tpu.vector_load %arg10[%swap3A_1242, %swap3A_1243] {strides = array<i32>} : memref<80x128xf32, #tpu.memory_space<vmem>>, vector<16xf32>,
        tpu.vector_store %arg10[%swap3A_1242, %swap3A_1243], %max3A_1241 {strides = array<i32>} : memref<80x128xf32, #tpu.memory_space<vmem>>, vector<16xf32>,
        %get3A_1245 = arith.index_cast %scan3A_1182 : i32 to index
        %get3A_1246 = arith.constant 112 : index
        %get3A_1247 = tpu.vector_load %arg10[%get3A_1245, %get3A_1246] {strides = array<i32>} : memref<80x128xf32, #tpu.memory_space<vmem>>, vector<16xf32>,
        %max3A_1248 = arith.constant 0.000000e+00 : f32
        %max3A_1249 = vector.broadcast %max3A_1248 : f32 to vector<16xf32>
        %max3A_1250 = arith.maximumf %get3A_1247, %max3A_1249 : vector<16xf32>
        %swap3A_1251 = arith.index_cast %scan3A_1182 : i32 to index
        %swap3A_1252 = arith.constant 112 : index
        %swap3A_1253 = tpu.vector_load %arg10[%swap3A_1251, %swap3A_1252] {strides = array<i32>} : memref<80x128xf32, #tpu.memory_space<vmem>>, vector<16xf32>,
        tpu.vector_store %arg10[%swap3A_1251, %swap3A_1252], %max3A_1250 {strides = array<i32>} : memref<80x128xf32, #tpu.memory_space<vmem>>, vector<16xf32>,
        %scan3A_1254 = arith.constant 0 : i32
        scf.yield %scan3A_1254 : i32
      }
      %scan3A_423 = arith.constant 80 : i32
      %add3A_424 = arith.constant 1 : i32
      %add3A_425 = arith.addi %mul3A_358, %add3A_424 : i32
      %jit3A_426 = arith.constant 5 : i32
      %div3A_427 = arith.divsi %add3A_425, %jit3A_426 : i32
      %sign3A_428 = arith.constant 0 : i32
      %sign3A_429 = arith.cmpi sgt, %add3A_425, %sign3A_428 : i32
      %sign3A_430 = arith.extui %sign3A_429 : i1 to i32
      %sign3A_431 = arith.constant 0 : i32
      %sign3A_432 = arith.cmpi slt, %add3A_425, %sign3A_431 : i32
      %sign3A_433 = arith.extui %sign3A_432 : i1 to i32
      %sign3A_434 = arith.subi %sign3A_430, %sign3A_433 : i32
      %sign3A_435 = arith.constant 0 : i32
      %sign3A_436 = arith.cmpi sgt, %jit3A_426, %sign3A_435 : i32
      %sign3A_437 = arith.extui %sign3A_436 : i1 to i32
      %sign3A_438 = arith.constant 0 : i32
      %sign3A_439 = arith.cmpi slt, %jit3A_426, %sign3A_438 : i32
      %sign3A_440 = arith.extui %sign3A_439 : i1 to i32
      %sign3A_441 = arith.subi %sign3A_437, %sign3A_440 : i32
      %ne3A_442 = arith.cmpi ne, %sign3A_434, %sign3A_441 : i32
      %rem3A_443 = arith.remsi %add3A_425, %jit3A_426 : i32
      %ne3A_444 = arith.constant 0 : i32
      %ne3A_445 = arith.cmpi ne, %rem3A_443, %ne3A_444 : i32
      %and3A_446 = arith.andi %ne3A_442, %ne3A_445 : i1
      %sub3A_447 = arith.constant 1 : i32
      %sub3A_448 = arith.subi %div3A_427, %sub3A_447 : i32
      %select_n3A_449 = arith.select %and3A_446, %sub3A_448, %div3A_427 : i32
      %and3A_450 = arith.constant 1 : i32
      %and3A_451 = arith.andi %select_n3A_449, %and3A_450 : i32
      %mul3A_452 = arith.constant 5 : i32
      %mul3A_453 = arith.muli %select_n3A_449, %mul3A_452 : i32
      %sub3A_454 = arith.subi %add3A_425, %mul3A_453 : i32
      %dma_wait3A_455 = arith.constant 0 : i32
      %dma_wait3A_456 = arith.constant 0 : i32
      %dma_wait3A_457 = tpu.memref_slice %arg9[%and3A_451, %sub3A_454, %dma_wait3A_455, %dma_wait3A_456] : memref<2x5x2x80xi32, #tpu.memory_space<vmem>> -> memref<1x1x1x80xi32, #tpu.memory_space<vmem>>
      %dma_wait3A_458 = tpu.memref_squeeze %dma_wait3A_457 : memref<1x1x1x80xi32, #tpu.memory_space<vmem>> -> memref<80xi32, #tpu.memory_space<vmem>>
      %dma_wait3A_459 = arith.constant 0 : i32
      %dma_wait3A_460 = arith.constant 0 : i32
      %dma_wait3A_461 = tpu.memref_slice %arg2[%dma_wait3A_459, %dma_wait3A_460] : memref<10000x128xf32, #tpu.memory_space<hbm>> -> memref<10000x128xf32, #tpu.memory_space<hbm>>
      tpu.wait_indirect_dma semaphore(%arg16 : memref<!tpu.dma_semaphore, #tpu.memory_space<semaphore_mem>>) src(%dma_wait3A_461 : memref<10000x128xf32, #tpu.memory_space<hbm>>) dst(%arg11 : memref<80x128xf32, #tpu.memory_space<vmem>>)
      %add3A_462 = arith.constant 1 : i32
      %add3A_463 = arith.addi %mul3A_358, %add3A_462 : i32
      %jit3A_464 = arith.constant 5 : i32
      %div3A_465 = arith.divsi %add3A_463, %jit3A_464 : i32
      %sign3A_466 = arith.constant 0 : i32
      %sign3A_467 = arith.cmpi sgt, %add3A_463, %sign3A_466 : i32
      %sign3A_468 = arith.extui %sign3A_467 : i1 to i32
      %sign3A_469 = arith.constant 0 : i32
      %sign3A_470 = arith.cmpi slt, %add3A_463, %sign3A_469 : i32
      %sign3A_471 = arith.extui %sign3A_470 : i1 to i32
      %sign3A_472 = arith.subi %sign3A_468, %sign3A_471 : i32
      %sign3A_473 = arith.constant 0 : i32
      %sign3A_474 = arith.cmpi sgt, %jit3A_464, %sign3A_473 : i32
      %sign3A_475 = arith.extui %sign3A_474 : i1 to i32
      %sign3A_476 = arith.constant 0 : i32
      %sign3A_477 = arith.cmpi slt, %jit3A_464, %sign3A_476 : i32
      %sign3A_478 = arith.extui %sign3A_477 : i1 to i32
      %sign3A_479 = arith.subi %sign3A_475, %sign3A_478 : i32
      %ne3A_480 = arith.cmpi ne, %sign3A_472, %sign3A_479 : i32
      %rem3A_481 = arith.remsi %add3A_463, %jit3A_464 : i32
      %ne3A_482 = arith.constant 0 : i32
      %ne3A_483 = arith.cmpi ne, %rem3A_481, %ne3A_482 : i32
      %and3A_484 = arith.andi %ne3A_480, %ne3A_483 : i1
      %sub3A_485 = arith.constant 1 : i32
      %sub3A_486 = arith.subi %div3A_465, %sub3A_485 : i32
      %select_n3A_487 = arith.select %and3A_484, %sub3A_486, %div3A_465 : i32
      %and3A_488 = arith.constant 1 : i32
      %and3A_489 = arith.andi %select_n3A_487, %and3A_488 : i32
      %mul3A_490 = arith.constant 5 : i32
      %mul3A_491 = arith.muli %select_n3A_487, %mul3A_490 : i32
      %sub3A_492 = arith.subi %add3A_463, %mul3A_491 : i32
      %dma_start3A_493 = arith.constant 1 : i32
      %dma_start3A_494 = arith.constant 0 : i32
      %dma_start3A_495 = arith.constant 0 : i32
      %dma_start3A_496 = tpu.memref_slice %arg11[%dma_start3A_494, %dma_start3A_495] : memref<80x128xf32, #tpu.memory_space<vmem>> -> memref<40x128xf32, #tpu.memory_space<vmem>>
      %dma_start3A_497 = arith.constant 0 : i32
      %dma_start3A_498 = tpu.memref_slice %arg9[%and3A_489, %sub3A_492, %dma_start3A_493, %dma_start3A_497] : memref<2x5x2x80xi32, #tpu.memory_space<vmem>> -> memref<1x1x1x80xi32, #tpu.memory_space<vmem>>
      %dma_start3A_499 = tpu.memref_squeeze %dma_start3A_498 : memref<1x1x1x80xi32, #tpu.memory_space<vmem>> -> memref<80xi32, #tpu.memory_space<vmem>>
      %dma_start3A_500 = arith.constant 0 : i32
      %dma_start3A_501 = tpu.memref_slice %dma_start3A_499[%dma_start3A_500] : memref<80xi32, #tpu.memory_space<vmem>> -> memref<40xi32, #tpu.memory_space<vmem>>
      %dma_start3A_502 = arith.constant 0 : i32
      %dma_start3A_503 = arith.constant 0 : i32
      %dma_start3A_504 = tpu.memref_slice %arg3[%dma_start3A_502, %dma_start3A_503] : memref<10000x128xf32, #tpu.memory_space<hbm>> -> memref<10000x128xf32, #tpu.memory_space<hbm>>
      tpu.enqueue_indirect_dma source(%dma_start3A_504 : memref<10000x128xf32, #tpu.memory_space<hbm>>) target(%dma_start3A_496 : memref<40x128xf32, #tpu.memory_space<vmem>>) offsets(%dma_start3A_501 : memref<40xi32, #tpu.memory_space<vmem>>) semaphore(%arg16 : memref<!tpu.dma_semaphore, #tpu.memory_space<semaphore_mem>>) {add = true}
      %add3A_505 = arith.constant 1 : i32
      %add3A_506 = arith.addi %mul3A_358, %add3A_505 : i32
      %jit3A_507 = arith.constant 5 : i32
      %div3A_508 = arith.divsi %add3A_506, %jit3A_507 : i32
      %sign3A_509 = arith.constant 0 : i32
      %sign3A_510 = arith.cmpi sgt, %add3A_506, %sign3A_509 : i32
      %sign3A_511 = arith.extui %sign3A_510 : i1 to i32
      %sign3A_512 = arith.constant 0 : i32
      %sign3A_513 = arith.cmpi slt, %add3A_506, %sign3A_512 : i32
      %sign3A_514 = arith.extui %sign3A_513 : i1 to i32
      %sign3A_515 = arith.subi %sign3A_511, %sign3A_514 : i32
      %sign3A_516 = arith.constant 0 : i32
      %sign3A_517 = arith.cmpi sgt, %jit3A_507, %sign3A_516 : i32
      %sign3A_518 = arith.extui %sign3A_517 : i1 to i32
      %sign3A_519 = arith.constant 0 : i32
      %sign3A_520 = arith.cmpi slt, %jit3A_507, %sign3A_519 : i32
      %sign3A_521 = arith.extui %sign3A_520 : i1 to i32
      %sign3A_522 = arith.subi %sign3A_518, %sign3A_521 : i32
      %ne3A_523 = arith.cmpi ne, %sign3A_515, %sign3A_522 : i32
      %rem3A_524 = arith.remsi %add3A_506, %jit3A_507 : i32
      %ne3A_525 = arith.constant 0 : i32
      %ne3A_526 = arith.cmpi ne, %rem3A_524, %ne3A_525 : i32
      %and3A_527 = arith.andi %ne3A_523, %ne3A_526 : i1
      %sub3A_528 = arith.constant 1 : i32
      %sub3A_529 = arith.subi %div3A_508, %sub3A_528 : i32
      %select_n3A_530 = arith.select %and3A_527, %sub3A_529, %div3A_508 : i32
      %and3A_531 = arith.constant 1 : i32
      %and3A_532 = arith.andi %select_n3A_530, %and3A_531 : i32
      %mul3A_533 = arith.constant 5 : i32
      %mul3A_534 = arith.muli %select_n3A_530, %mul3A_533 : i32
      %sub3A_535 = arith.subi %add3A_506, %mul3A_534 : i32
      %dma_start3A_536 = arith.constant 1 : i32
      %dma_start3A_537 = arith.constant 40 : i32
      %dma_start3A_538 = arith.constant 0 : i32
      %dma_start3A_539 = tpu.memref_slice %arg11[%dma_start3A_537, %dma_start3A_538] : memref<80x128xf32, #tpu.memory_space<vmem>> -> memref<40x128xf32, #tpu.memory_space<vmem>>
      %dma_start3A_540 = arith.constant 0 : i32
      %dma_start3A_541 = tpu.memref_slice %arg9[%and3A_532, %sub3A_535, %dma_start3A_536, %dma_start3A_540] : memref<2x5x2x80xi32, #tpu.memory_space<vmem>> -> memref<1x1x1x80xi32, #tpu.memory_space<vmem>>
      %dma_start3A_542 = tpu.memref_squeeze %dma_start3A_541 : memref<1x1x1x80xi32, #tpu.memory_space<vmem>> -> memref<80xi32, #tpu.memory_space<vmem>>
      %dma_start3A_543 = arith.constant 40 : i32
      %dma_start3A_544 = tpu.memref_slice %dma_start3A_542[%dma_start3A_543] : memref<80xi32, #tpu.memory_space<vmem>> -> memref<40xi32, #tpu.memory_space<vmem>>
      %dma_start3A_545 = arith.constant 0 : i32
      %dma_start3A_546 = arith.constant 0 : i32
      %dma_start3A_547 = tpu.memref_slice %arg3[%dma_start3A_545, %dma_start3A_546] : memref<10000x128xf32, #tpu.memory_space<hbm>> -> memref<10000x128xf32, #tpu.memory_space<hbm>>
      tpu.enqueue_indirect_dma source(%dma_start3A_547 : memref<10000x128xf32, #tpu.memory_space<hbm>>) target(%dma_start3A_539 : memref<40x128xf32, #tpu.memory_space<vmem>>) offsets(%dma_start3A_544 : memref<40xi32, #tpu.memory_space<vmem>>) semaphore(%arg16 : memref<!tpu.dma_semaphore, #tpu.memory_space<semaphore_mem>>) {add = true}
      %jit3A_548 = arith.constant 5 : i32
      %div3A_549 = arith.divsi %mul3A_358, %jit3A_548 : i32
      %sign3A_550 = arith.constant 0 : i32
      %sign3A_551 = arith.cmpi sgt, %mul3A_358, %sign3A_550 : i32
      %sign3A_552 = arith.extui %sign3A_551 : i1 to i32
      %sign3A_553 = arith.constant 0 : i32
      %sign3A_554 = arith.cmpi slt, %mul3A_358, %sign3A_553 : i32
      %sign3A_555 = arith.extui %sign3A_554 : i1 to i32
      %sign3A_556 = arith.subi %sign3A_552, %sign3A_555 : i32
      %sign3A_557 = arith.constant 0 : i32
      %sign3A_558 = arith.cmpi sgt, %jit3A_548, %sign3A_557 : i32
      %sign3A_559 = arith.extui %sign3A_558 : i1 to i32
      %sign3A_560 = arith.constant 0 : i32
      %sign3A_561 = arith.cmpi slt, %jit3A_548, %sign3A_560 : i32
      %sign3A_562 = arith.extui %sign3A_561 : i1 to i32
      %sign3A_563 = arith.subi %sign3A_559, %sign3A_562 : i32
      %ne3A_564 = arith.cmpi ne, %sign3A_556, %sign3A_563 : i32
      %rem3A_565 = arith.remsi %mul3A_358, %jit3A_548 : i32
      %ne3A_566 = arith.constant 0 : i32
      %ne3A_567 = arith.cmpi ne, %rem3A_565, %ne3A_566 : i32
      %and3A_568 = arith.andi %ne3A_564, %ne3A_567 : i1
      %sub3A_569 = arith.constant 1 : i32
      %sub3A_570 = arith.subi %div3A_549, %sub3A_569 : i32
      %select_n3A_571 = arith.select %and3A_568, %sub3A_570, %div3A_549 : i32
      %and3A_572 = arith.constant 1 : i32
      %and3A_573 = arith.andi %select_n3A_571, %and3A_572 : i32
      %mul3A_574 = arith.constant 5 : i32
      %mul3A_575 = arith.muli %select_n3A_571, %mul3A_574 : i32
      %sub3A_576 = arith.subi %mul3A_358, %mul3A_575 : i32
      %dma_start3A_577 = arith.constant 0 : i32
      %dma_start3A_578 = arith.constant 0 : i32
      %dma_start3A_579 = tpu.memref_slice %arg9[%and3A_573, %sub3A_576, %dma_start3A_577, %dma_start3A_578] : memref<2x5x2x80xi32, #tpu.memory_space<vmem>> -> memref<1x1x1x80xi32, #tpu.memory_space<vmem>>
      %dma_start3A_580 = tpu.memref_squeeze %dma_start3A_579 : memref<1x1x1x80xi32, #tpu.memory_space<vmem>> -> memref<80xi32, #tpu.memory_space<vmem>>
      %dma_start3A_581 = arith.constant 0 : i32
      %dma_start3A_582 = arith.constant 0 : i32
      %dma_start3A_583 = tpu.memref_slice %arg7[%dma_start3A_581, %dma_start3A_582] : memref<10240x128xf32, #tpu.memory_space<vmem_shared>> -> memref<10240x128xf32, #tpu.memory_space<vmem_shared>>
      tpu.enqueue_indirect_dma source(%arg10 : memref<80x128xf32, #tpu.memory_space<vmem>>) target(%dma_start3A_583 : memref<10240x128xf32, #tpu.memory_space<vmem_shared>>) offsets(%dma_start3A_580 : memref<80xi32, #tpu.memory_space<vmem>>) semaphore(%arg17 : memref<!tpu.dma_semaphore, #tpu.memory_space<semaphore_mem>>) {add = true}
      %get3A_584 = arith.constant 0 : i32
      %get3A_585 = arith.index_cast %and3A_377 : i32 to index
      %get3A_586 = arith.index_cast %sub3A_380 : i32 to index
      %get3A_587 = arith.index_cast %get3A_584 : i32 to index
      %get3A_588 = arith.constant 0 : index
      %get3A_589 = tpu.vector_load %arg9[%get3A_585, %get3A_586, %get3A_587, %get3A_588] {strides = array<i32>} : memref<2x5x2x80xi32, #tpu.memory_space<vmem>>, vector<16xi32>,
      tpu.vector_store_idx %arg12[%get3A_589], %broadcast_in_dim3A_23 {add = true} : memref<10240xf32, #tpu.memory_space<vmem>>[vector<16xi32>], vector<16xf32>,
      %get3A_590 = arith.constant 0 : i32
      %get3A_591 = arith.index_cast %and3A_377 : i32 to index
      %get3A_592 = arith.index_cast %sub3A_380 : i32 to index
      %get3A_593 = arith.index_cast %get3A_590 : i32 to index
      %get3A_594 = arith.constant 16 : index
      %get3A_595 = tpu.vector_load %arg9[%get3A_591, %get3A_592, %get3A_593, %get3A_594] {strides = array<i32>} : memref<2x5x2x80xi32, #tpu.memory_space<vmem>>, vector<16xi32>,
      tpu.vector_store_idx %arg12[%get3A_595], %broadcast_in_dim3A_23 {add = true} : memref<10240xf32, #tpu.memory_space<vmem>>[vector<16xi32>], vector<16xf32>,
      %get3A_596 = arith.constant 0 : i32
      %get3A_597 = arith.index_cast %and3A_377 : i32 to index
      %get3A_598 = arith.index_cast %sub3A_380 : i32 to index
      %get3A_599 = arith.index_cast %get3A_596 : i32 to index
      %get3A_600 = arith.constant 32 : index
      %get3A_601 = tpu.vector_load %arg9[%get3A_597, %get3A_598, %get3A_599, %get3A_600] {strides = array<i32>} : memref<2x5x2x80xi32, #tpu.memory_space<vmem>>, vector<16xi32>,
      tpu.vector_store_idx %arg12[%get3A_601], %broadcast_in_dim3A_23 {add = true} : memref<10240xf32, #tpu.memory_space<vmem>>[vector<16xi32>], vector<16xf32>,
      %get3A_602 = arith.constant 0 : i32
      %get3A_603 = arith.index_cast %and3A_377 : i32 to index
      %get3A_604 = arith.index_cast %sub3A_380 : i32 to index
      %get3A_605 = arith.index_cast %get3A_602 : i32 to index
      %get3A_606 = arith.constant 48 : index
      %get3A_607 = tpu.vector_load %arg9[%get3A_603, %get3A_604, %get3A_605, %get3A_606] {strides = array<i32>} : memref<2x5x2x80xi32, #tpu.memory_space<vmem>>, vector<16xi32>,
      tpu.vector_store_idx %arg12[%get3A_607], %broadcast_in_dim3A_23 {add = true} : memref<10240xf32, #tpu.memory_space<vmem>>[vector<16xi32>], vector<16xf32>,
      %get3A_608 = arith.constant 0 : i32
      %get3A_609 = arith.index_cast %and3A_377 : i32 to index
      %get3A_610 = arith.index_cast %sub3A_380 : i32 to index
      %get3A_611 = arith.index_cast %get3A_608 : i32 to index
      %get3A_612 = arith.constant 64 : index
      %get3A_613 = tpu.vector_load %arg9[%get3A_609, %get3A_610, %get3A_611, %get3A_612] {strides = array<i32>} : memref<2x5x2x80xi32, #tpu.memory_space<vmem>>, vector<16xi32>,
      tpu.vector_store_idx %arg12[%get3A_613], %broadcast_in_dim3A_23 {add = true} : memref<10240xf32, #tpu.memory_space<vmem>>[vector<16xi32>], vector<16xf32>,
      %jit3A_614 = arith.constant 5 : i32
      %div3A_615 = arith.divsi %mul3A_358, %jit3A_614 : i32
      %sign3A_616 = arith.constant 0 : i32
      %sign3A_617 = arith.cmpi sgt, %mul3A_358, %sign3A_616 : i32
      %sign3A_618 = arith.extui %sign3A_617 : i1 to i32
      %sign3A_619 = arith.constant 0 : i32
      %sign3A_620 = arith.cmpi slt, %mul3A_358, %sign3A_619 : i32
      %sign3A_621 = arith.extui %sign3A_620 : i1 to i32
      %sign3A_622 = arith.subi %sign3A_618, %sign3A_621 : i32
      %sign3A_623 = arith.constant 0 : i32
      %sign3A_624 = arith.cmpi sgt, %jit3A_614, %sign3A_623 : i32
      %sign3A_625 = arith.extui %sign3A_624 : i1 to i32
      %sign3A_626 = arith.constant 0 : i32
      %sign3A_627 = arith.cmpi slt, %jit3A_614, %sign3A_626 : i32
      %sign3A_628 = arith.extui %sign3A_627 : i1 to i32
      %sign3A_629 = arith.subi %sign3A_625, %sign3A_628 : i32
      %ne3A_630 = arith.cmpi ne, %sign3A_622, %sign3A_629 : i32
      %rem3A_631 = arith.remsi %mul3A_358, %jit3A_614 : i32
      %ne3A_632 = arith.constant 0 : i32
      %ne3A_633 = arith.cmpi ne, %rem3A_631, %ne3A_632 : i32
      %and3A_634 = arith.andi %ne3A_630, %ne3A_633 : i1
      %sub3A_635 = arith.constant 1 : i32
      %sub3A_636 = arith.subi %div3A_615, %sub3A_635 : i32
      %select_n3A_637 = arith.select %and3A_634, %sub3A_636, %div3A_615 : i32
      %mul3A_638 = arith.constant 5 : i32
      %mul3A_639 = arith.muli %select_n3A_637, %mul3A_638 : i32
      %eq3A = arith.cmpi eq, %mul3A_358, %mul3A_639 : i32
      %convert_element_type3A = arith.extui %eq3A : i1 to i32
      %cond3A = arith.constant 0 : i32
      %cond3A_640 = arith.cmpi ne, %convert_element_type3A, %cond3A : i32
      scf.if %cond3A_640 {
        %add3A_1182 = arith.addi %mul3A_25, %select_n3A_637 : i32
        %add3A_1183 = arith.constant 1 : i32
        %add3A_1184 = arith.addi %add3A_1182, %add3A_1183 : i32
        %min3A = arith.constant 799 : i32
        %min3A_1185 = arith.minsi %add3A_1184, %min3A : i32
        %add3A_1186 = arith.constant 1 : i32
        %add3A_1187 = arith.addi %select_n3A_637, %add3A_1186 : i32
        %and3A_1188 = arith.constant 1 : i32
        %and3A_1189 = arith.andi %add3A_1187, %and3A_1188 : i32
        "tpu.region"() ({
          %run_scoped3A_1190 = tpu.sem_alloc : memref<!tpu.dma_semaphore, #tpu.memory_space<semaphore_mem>>
          %dma_start3A_1191 = arith.constant 0 : i32
          %dma_start3A_1192 = arith.constant 0 : i32
          %dma_start3A_1193 = arith.constant 0 : i32
          %dma_start3A_1194 = tpu.memref_slice %arg9[%and3A_1189, %dma_start3A_1191, %dma_start3A_1192, %dma_start3A_1193] : memref<2x5x2x80xi32, #tpu.memory_space<vmem>> -> memref<1x5x2x80xi32, #tpu.memory_space<vmem>>
          %dma_start3A_1195 = tpu.memref_squeeze %dma_start3A_1194 : memref<1x5x2x80xi32, #tpu.memory_space<vmem>> -> memref<5x2x80xi32, #tpu.memory_space<vmem>>
          %dma_start3A_1196 = arith.constant 0 : i32
          %dma_start3A_1197 = arith.constant 0 : i32
          %dma_start3A_1198 = arith.constant 0 : i32
          %dma_start3A_1199 = tpu.memref_slice %arg4[%min3A_1185, %dma_start3A_1196, %dma_start3A_1197, %dma_start3A_1198] : memref<800x5x2x80xi32, #tpu.memory_space<hbm>> -> memref<1x5x2x80xi32, #tpu.memory_space<hbm>>
          %dma_start3A_1200 = tpu.memref_squeeze %dma_start3A_1199 : memref<1x5x2x80xi32, #tpu.memory_space<hbm>> -> memref<5x2x80xi32, #tpu.memory_space<hbm>>
          %dma_start3A_1201 = arith.constant 0 : i32
          %dma_start3A_1202 = arith.constant 0 : i32
          %dma_start3A_1203 = arith.constant 0 : i32
          %dma_start3A_1204 = tpu.memref_slice %arg9[%and3A_1189, %dma_start3A_1201, %dma_start3A_1202, %dma_start3A_1203] : memref<2x5x2x80xi32, #tpu.memory_space<vmem>> -> memref<1x5x2x80xi32, #tpu.memory_space<vmem>>
          %dma_start3A_1205 = tpu.memref_squeeze %dma_start3A_1204 : memref<1x5x2x80xi32, #tpu.memory_space<vmem>> -> memref<5x2x80xi32, #tpu.memory_space<vmem>>
          %dma_start3A_1206 = arith.constant 0 : i32
          %dma_start3A_1207 = arith.constant 0 : i32
          %dma_start3A_1208 = arith.constant 0 : i32
          %dma_start3A_1209 = tpu.memref_slice %arg4[%min3A_1185, %dma_start3A_1206, %dma_start3A_1207, %dma_start3A_1208] : memref<800x5x2x80xi32, #tpu.memory_space<hbm>> -> memref<1x5x2x80xi32, #tpu.memory_space<hbm>>
          %dma_start3A_1210 = tpu.memref_squeeze %dma_start3A_1209 : memref<1x5x2x80xi32, #tpu.memory_space<hbm>> -> memref<5x2x80xi32, #tpu.memory_space<hbm>>
          tpu.enqueue_dma source(%dma_start3A_1210 : memref<5x2x80xi32, #tpu.memory_space<hbm>>) target(%dma_start3A_1205 : memref<5x2x80xi32, #tpu.memory_space<vmem>>) target_semaphore(%run_scoped3A_1190 : memref<!tpu.dma_semaphore, #tpu.memory_space<semaphore_mem>>)
          %dma_wait3A_1211 = arith.constant 0 : i32
          %dma_wait3A_1212 = arith.constant 0 : i32
          %dma_wait3A_1213 = arith.constant 0 : i32
          %dma_wait3A_1214 = tpu.memref_slice %arg9[%and3A_1189, %dma_wait3A_1211, %dma_wait3A_1212, %dma_wait3A_1213] : memref<2x5x2x80xi32, #tpu.memory_space<vmem>> -> memref<1x5x2x80xi32, #tpu.memory_space<vmem>>
          %dma_wait3A_1215 = tpu.memref_squeeze %dma_wait3A_1214 : memref<1x5x2x80xi32, #tpu.memory_space<vmem>> -> memref<5x2x80xi32, #tpu.memory_space<vmem>>
          %dma_wait3A_1216 = arith.constant 0 : i32
          %dma_wait3A_1217 = arith.constant 0 : i32
          %dma_wait3A_1218 = arith.constant 0 : i32
          %dma_wait3A_1219 = tpu.memref_slice %arg4[%min3A_1185, %dma_wait3A_1216, %dma_wait3A_1217, %dma_wait3A_1218] : memref<800x5x2x80xi32, #tpu.memory_space<hbm>> -> memref<1x5x2x80xi32, #tpu.memory_space<hbm>>
          %dma_wait3A_1220 = tpu.memref_squeeze %dma_wait3A_1219 : memref<1x5x2x80xi32, #tpu.memory_space<hbm>> -> memref<5x2x80xi32, #tpu.memory_space<hbm>>
          %dma_wait3A_1221 = arith.constant 0 : i32
          %dma_wait3A_1222 = arith.constant 0 : i32
          %dma_wait3A_1223 = arith.constant 0 : i32
          %dma_wait3A_1224 = tpu.memref_slice %arg9[%and3A_1189, %dma_wait3A_1221, %dma_wait3A_1222, %dma_wait3A_1223] : memref<2x5x2x80xi32, #tpu.memory_space<vmem>> -> memref<1x5x2x80xi32, #tpu.memory_space<vmem>>
          %dma_wait3A_1225 = tpu.memref_squeeze %dma_wait3A_1224 : memref<1x5x2x80xi32, #tpu.memory_space<vmem>> -> memref<5x2x80xi32, #tpu.memory_space<vmem>>
          %dma_wait3A_1226 = arith.constant 0 : i32
          %dma_wait3A_1227 = arith.constant 0 : i32
          %dma_wait3A_1228 = arith.constant 0 : i32
          %dma_wait3A_1229 = tpu.memref_slice %arg4[%min3A_1185, %dma_wait3A_1226, %dma_wait3A_1227, %dma_wait3A_1228] : memref<800x5x2x80xi32, #tpu.memory_space<hbm>> -> memref<1x5x2x80xi32, #tpu.memory_space<hbm>>
          %dma_wait3A_1230 = tpu.memref_squeeze %dma_wait3A_1229 : memref<1x5x2x80xi32, #tpu.memory_space<hbm>> -> memref<5x2x80xi32, #tpu.memory_space<hbm>>
          tpu.wait_dma2 semaphore(%run_scoped3A_1190 : memref<!tpu.dma_semaphore, #tpu.memory_space<semaphore_mem>>) src(%dma_wait3A_1230 : memref<5x2x80xi32, #tpu.memory_space<hbm>>) dst(%dma_wait3A_1225 : memref<5x2x80xi32, #tpu.memory_space<vmem>>)
          tpu.yield
        }) : () -> ()
      } else {
      }
      %jit3A_641 = arith.constant 5 : i32
      %div3A_642 = arith.divsi %mul3A_358, %jit3A_641 : i32
      %sign3A_643 = arith.constant 0 : i32
      %sign3A_644 = arith.cmpi sgt, %mul3A_358, %sign3A_643 : i32
      %sign3A_645 = arith.extui %sign3A_644 : i1 to i32
      %sign3A_646 = arith.constant 0 : i32
      %sign3A_647 = arith.cmpi slt, %mul3A_358, %sign3A_646 : i32
      %sign3A_648 = arith.extui %sign3A_647 : i1 to i32
      %sign3A_649 = arith.subi %sign3A_645, %sign3A_648 : i32
      %sign3A_650 = arith.constant 0 : i32
      %sign3A_651 = arith.cmpi sgt, %jit3A_641, %sign3A_650 : i32
      %sign3A_652 = arith.extui %sign3A_651 : i1 to i32
      %sign3A_653 = arith.constant 0 : i32
      %sign3A_654 = arith.cmpi slt, %jit3A_641, %sign3A_653 : i32
      %sign3A_655 = arith.extui %sign3A_654 : i1 to i32
      %sign3A_656 = arith.subi %sign3A_652, %sign3A_655 : i32
      %ne3A_657 = arith.cmpi ne, %sign3A_649, %sign3A_656 : i32
      %rem3A_658 = arith.remsi %mul3A_358, %jit3A_641 : i32
      %ne3A_659 = arith.constant 0 : i32
      %ne3A_660 = arith.cmpi ne, %rem3A_658, %ne3A_659 : i32
      %and3A_661 = arith.andi %ne3A_657, %ne3A_660 : i1
      %sub3A_662 = arith.constant 1 : i32
      %sub3A_663 = arith.subi %div3A_642, %sub3A_662 : i32
      %select_n3A_664 = arith.select %and3A_661, %sub3A_663, %div3A_642 : i32
      %and3A_665 = arith.constant 1 : i32
      %and3A_666 = arith.andi %select_n3A_664, %and3A_665 : i32
      %mul3A_667 = arith.constant 5 : i32
      %mul3A_668 = arith.muli %select_n3A_664, %mul3A_667 : i32
      %sub3A_669 = arith.subi %mul3A_358, %mul3A_668 : i32
      %dma_wait3A_670 = arith.constant 0 : i32
      %dma_wait3A_671 = arith.constant 0 : i32
      %dma_wait3A_672 = tpu.memref_slice %arg9[%and3A_666, %sub3A_669, %dma_wait3A_670, %dma_wait3A_671] : memref<2x5x2x80xi32, #tpu.memory_space<vmem>> -> memref<1x1x1x80xi32, #tpu.memory_space<vmem>>
      %dma_wait3A_673 = tpu.memref_squeeze %dma_wait3A_672 : memref<1x1x1x80xi32, #tpu.memory_space<vmem>> -> memref<80xi32, #tpu.memory_space<vmem>>
      %dma_wait3A_674 = arith.constant 0 : i32
      %dma_wait3A_675 = arith.constant 0 : i32
      %dma_wait3A_676 = tpu.memref_slice %arg7[%dma_wait3A_674, %dma_wait3A_675] : memref<10240x128xf32, #tpu.memory_space<vmem_shared>> -> memref<10240x128xf32, #tpu.memory_space<vmem_shared>>
      tpu.wait_indirect_dma semaphore(%arg17 : memref<!tpu.dma_semaphore, #tpu.memory_space<semaphore_mem>>) src(%arg10 : memref<80x128xf32, #tpu.memory_space<vmem>>) dst(%dma_wait3A_676 : memref<10240x128xf32, #tpu.memory_space<vmem_shared>>)
      %add3A_677 = arith.constant 2 : i32
      %add3A_678 = arith.addi %mul3A_358, %add3A_677 : i32
      %jit3A_679 = arith.constant 5 : i32
      %div3A_680 = arith.divsi %add3A_678, %jit3A_679 : i32
      %sign3A_681 = arith.constant 0 : i32
      %sign3A_682 = arith.cmpi sgt, %add3A_678, %sign3A_681 : i32
      %sign3A_683 = arith.extui %sign3A_682 : i1 to i32
      %sign3A_684 = arith.constant 0 : i32
      %sign3A_685 = arith.cmpi slt, %add3A_678, %sign3A_684 : i32
      %sign3A_686 = arith.extui %sign3A_685 : i1 to i32
      %sign3A_687 = arith.subi %sign3A_683, %sign3A_686 : i32
      %sign3A_688 = arith.constant 0 : i32
      %sign3A_689 = arith.cmpi sgt, %jit3A_679, %sign3A_688 : i32
      %sign3A_690 = arith.extui %sign3A_689 : i1 to i32
      %sign3A_691 = arith.constant 0 : i32
      %sign3A_692 = arith.cmpi slt, %jit3A_679, %sign3A_691 : i32
      %sign3A_693 = arith.extui %sign3A_692 : i1 to i32
      %sign3A_694 = arith.subi %sign3A_690, %sign3A_693 : i32
      %ne3A_695 = arith.cmpi ne, %sign3A_687, %sign3A_694 : i32
      %rem3A_696 = arith.remsi %add3A_678, %jit3A_679 : i32
      %ne3A_697 = arith.constant 0 : i32
      %ne3A_698 = arith.cmpi ne, %rem3A_696, %ne3A_697 : i32
      %and3A_699 = arith.andi %ne3A_695, %ne3A_698 : i1
      %sub3A_700 = arith.constant 1 : i32
      %sub3A_701 = arith.subi %div3A_680, %sub3A_700 : i32
      %select_n3A_702 = arith.select %and3A_699, %sub3A_701, %div3A_680 : i32
      %and3A_703 = arith.constant 1 : i32
      %and3A_704 = arith.andi %select_n3A_702, %and3A_703 : i32
      %mul3A_705 = arith.constant 5 : i32
      %mul3A_706 = arith.muli %select_n3A_702, %mul3A_705 : i32
      %sub3A_707 = arith.subi %add3A_678, %mul3A_706 : i32
      %dma_start3A_708 = arith.constant 0 : i32
      %dma_start3A_709 = arith.constant 0 : i32
      %dma_start3A_710 = arith.constant 0 : i32
      %dma_start3A_711 = tpu.memref_slice %arg10[%dma_start3A_709, %dma_start3A_710] : memref<80x128xf32, #tpu.memory_space<vmem>> -> memref<40x128xf32, #tpu.memory_space<vmem>>
      %dma_start3A_712 = arith.constant 0 : i32
      %dma_start3A_713 = tpu.memref_slice %arg9[%and3A_704, %sub3A_707, %dma_start3A_708, %dma_start3A_712] : memref<2x5x2x80xi32, #tpu.memory_space<vmem>> -> memref<1x1x1x80xi32, #tpu.memory_space<vmem>>
      %dma_start3A_714 = tpu.memref_squeeze %dma_start3A_713 : memref<1x1x1x80xi32, #tpu.memory_space<vmem>> -> memref<80xi32, #tpu.memory_space<vmem>>
      %dma_start3A_715 = arith.constant 0 : i32
      %dma_start3A_716 = tpu.memref_slice %dma_start3A_714[%dma_start3A_715] : memref<80xi32, #tpu.memory_space<vmem>> -> memref<40xi32, #tpu.memory_space<vmem>>
      %dma_start3A_717 = arith.constant 0 : i32
      %dma_start3A_718 = arith.constant 0 : i32
      %dma_start3A_719 = tpu.memref_slice %arg2[%dma_start3A_717, %dma_start3A_718] : memref<10000x128xf32, #tpu.memory_space<hbm>> -> memref<10000x128xf32, #tpu.memory_space<hbm>>
      tpu.enqueue_indirect_dma source(%dma_start3A_719 : memref<10000x128xf32, #tpu.memory_space<hbm>>) target(%dma_start3A_711 : memref<40x128xf32, #tpu.memory_space<vmem>>) offsets(%dma_start3A_716 : memref<40xi32, #tpu.memory_space<vmem>>) semaphore(%arg15 : memref<!tpu.dma_semaphore, #tpu.memory_space<semaphore_mem>>)
      %add3A_720 = arith.constant 2 : i32
      %add3A_721 = arith.addi %mul3A_358, %add3A_720 : i32
      %jit3A_722 = arith.constant 5 : i32
      %div3A_723 = arith.divsi %add3A_721, %jit3A_722 : i32
      %sign3A_724 = arith.constant 0 : i32
      %sign3A_725 = arith.cmpi sgt, %add3A_721, %sign3A_724 : i32
      %sign3A_726 = arith.extui %sign3A_725 : i1 to i32
      %sign3A_727 = arith.constant 0 : i32
      %sign3A_728 = arith.cmpi slt, %add3A_721, %sign3A_727 : i32
      %sign3A_729 = arith.extui %sign3A_728 : i1 to i32
      %sign3A_730 = arith.subi %sign3A_726, %sign3A_729 : i32
      %sign3A_731 = arith.constant 0 : i32
      %sign3A_732 = arith.cmpi sgt, %jit3A_722, %sign3A_731 : i32
      %sign3A_733 = arith.extui %sign3A_732 : i1 to i32
      %sign3A_734 = arith.constant 0 : i32
      %sign3A_735 = arith.cmpi slt, %jit3A_722, %sign3A_734 : i32
      %sign3A_736 = arith.extui %sign3A_735 : i1 to i32
      %sign3A_737 = arith.subi %sign3A_733, %sign3A_736 : i32
      %ne3A_738 = arith.cmpi ne, %sign3A_730, %sign3A_737 : i32
      %rem3A_739 = arith.remsi %add3A_721, %jit3A_722 : i32
      %ne3A_740 = arith.constant 0 : i32
      %ne3A_741 = arith.cmpi ne, %rem3A_739, %ne3A_740 : i32
      %and3A_742 = arith.andi %ne3A_738, %ne3A_741 : i1
      %sub3A_743 = arith.constant 1 : i32
      %sub3A_744 = arith.subi %div3A_723, %sub3A_743 : i32
      %select_n3A_745 = arith.select %and3A_742, %sub3A_744, %div3A_723 : i32
      %and3A_746 = arith.constant 1 : i32
      %and3A_747 = arith.andi %select_n3A_745, %and3A_746 : i32
      %mul3A_748 = arith.constant 5 : i32
      %mul3A_749 = arith.muli %select_n3A_745, %mul3A_748 : i32
      %sub3A_750 = arith.subi %add3A_721, %mul3A_749 : i32
      %dma_start3A_751 = arith.constant 0 : i32
      %dma_start3A_752 = arith.constant 40 : i32
      %dma_start3A_753 = arith.constant 0 : i32
      %dma_start3A_754 = tpu.memref_slice %arg10[%dma_start3A_752, %dma_start3A_753] : memref<80x128xf32, #tpu.memory_space<vmem>> -> memref<40x128xf32, #tpu.memory_space<vmem>>
      %dma_start3A_755 = arith.constant 0 : i32
      %dma_start3A_756 = tpu.memref_slice %arg9[%and3A_747, %sub3A_750, %dma_start3A_751, %dma_start3A_755] : memref<2x5x2x80xi32, #tpu.memory_space<vmem>> -> memref<1x1x1x80xi32, #tpu.memory_space<vmem>>
      %dma_start3A_757 = tpu.memref_squeeze %dma_start3A_756 : memref<1x1x1x80xi32, #tpu.memory_space<vmem>> -> memref<80xi32, #tpu.memory_space<vmem>>
      %dma_start3A_758 = arith.constant 40 : i32
      %dma_start3A_759 = tpu.memref_slice %dma_start3A_757[%dma_start3A_758] : memref<80xi32, #tpu.memory_space<vmem>> -> memref<40xi32, #tpu.memory_space<vmem>>
      %dma_start3A_760 = arith.constant 0 : i32
      %dma_start3A_761 = arith.constant 0 : i32
      %dma_start3A_762 = tpu.memref_slice %arg2[%dma_start3A_760, %dma_start3A_761] : memref<10000x128xf32, #tpu.memory_space<hbm>> -> memref<10000x128xf32, #tpu.memory_space<hbm>>
      tpu.enqueue_indirect_dma source(%dma_start3A_762 : memref<10000x128xf32, #tpu.memory_space<hbm>>) target(%dma_start3A_754 : memref<40x128xf32, #tpu.memory_space<vmem>>) offsets(%dma_start3A_759 : memref<40xi32, #tpu.memory_space<vmem>>) semaphore(%arg15 : memref<!tpu.dma_semaphore, #tpu.memory_space<semaphore_mem>>)
      %mul3A_763 = arith.constant 2 : i32
      %mul3A_764 = arith.muli %mul3A_763, %scan3A_355 : i32
      %add3A_765 = arith.constant 1 : i32
      %add3A_766 = arith.addi %mul3A_764, %add3A_765 : i32
      %jit3A_767 = arith.constant 5 : i32
      %div3A_768 = arith.divsi %add3A_766, %jit3A_767 : i32
      %sign3A_769 = arith.constant 0 : i32
      %sign3A_770 = arith.cmpi sgt, %add3A_766, %sign3A_769 : i32
      %sign3A_771 = arith.extui %sign3A_770 : i1 to i32
      %sign3A_772 = arith.constant 0 : i32
      %sign3A_773 = arith.cmpi slt, %add3A_766, %sign3A_772 : i32
      %sign3A_774 = arith.extui %sign3A_773 : i1 to i32
      %sign3A_775 = arith.subi %sign3A_771, %sign3A_774 : i32
      %sign3A_776 = arith.constant 0 : i32
      %sign3A_777 = arith.cmpi sgt, %jit3A_767, %sign3A_776 : i32
      %sign3A_778 = arith.extui %sign3A_777 : i1 to i32
      %sign3A_779 = arith.constant 0 : i32
      %sign3A_780 = arith.cmpi slt, %jit3A_767, %sign3A_779 : i32
      %sign3A_781 = arith.extui %sign3A_780 : i1 to i32
      %sign3A_782 = arith.subi %sign3A_778, %sign3A_781 : i32
      %ne3A_783 = arith.cmpi ne, %sign3A_775, %sign3A_782 : i32
      %rem3A_784 = arith.remsi %add3A_766, %jit3A_767 : i32
      %ne3A_785 = arith.constant 0 : i32
      %ne3A_786 = arith.cmpi ne, %rem3A_784, %ne3A_785 : i32
      %and3A_787 = arith.andi %ne3A_783, %ne3A_786 : i1
      %sub3A_788 = arith.constant 1 : i32
      %sub3A_789 = arith.subi %div3A_768, %sub3A_788 : i32
      %select_n3A_790 = arith.select %and3A_787, %sub3A_789, %div3A_768 : i32
      %and3A_791 = arith.constant 1 : i32
      %and3A_792 = arith.andi %select_n3A_790, %and3A_791 : i32
      %mul3A_793 = arith.constant 5 : i32
      %mul3A_794 = arith.muli %select_n3A_790, %mul3A_793 : i32
      %sub3A_795 = arith.subi %add3A_766, %mul3A_794 : i32
      %jit3A_796 = arith.constant 5 : i32
      %div3A_797 = arith.divsi %add3A_766, %jit3A_796 : i32
      %sign3A_798 = arith.constant 0 : i32
      %sign3A_799 = arith.cmpi sgt, %add3A_766, %sign3A_798 : i32
      %sign3A_800 = arith.extui %sign3A_799 : i1 to i32
      %sign3A_801 = arith.constant 0 : i32
      %sign3A_802 = arith.cmpi slt, %add3A_766, %sign3A_801 : i32
      %sign3A_803 = arith.extui %sign3A_802 : i1 to i32
      %sign3A_804 = arith.subi %sign3A_800, %sign3A_803 : i32
      %sign3A_805 = arith.constant 0 : i32
      %sign3A_806 = arith.cmpi sgt, %jit3A_796, %sign3A_805 : i32
      %sign3A_807 = arith.extui %sign3A_806 : i1 to i32
      %sign3A_808 = arith.constant 0 : i32
      %sign3A_809 = arith.cmpi slt, %jit3A_796, %sign3A_808 : i32
      %sign3A_810 = arith.extui %sign3A_809 : i1 to i32
      %sign3A_811 = arith.subi %sign3A_807, %sign3A_810 : i32
      %ne3A_812 = arith.cmpi ne, %sign3A_804, %sign3A_811 : i32
      %rem3A_813 = arith.remsi %add3A_766, %jit3A_796 : i32
      %ne3A_814 = arith.constant 0 : i32
      %ne3A_815 = arith.cmpi ne, %rem3A_813, %ne3A_814 : i32
      %and3A_816 = arith.andi %ne3A_812, %ne3A_815 : i1
      %sub3A_817 = arith.constant 1 : i32
      %sub3A_818 = arith.subi %div3A_797, %sub3A_817 : i32
      %select_n3A_819 = arith.select %and3A_816, %sub3A_818, %div3A_797 : i32
      %and3A_820 = arith.constant 1 : i32
      %and3A_821 = arith.andi %select_n3A_819, %and3A_820 : i32
      %mul3A_822 = arith.constant 5 : i32
      %mul3A_823 = arith.muli %select_n3A_819, %mul3A_822 : i32
      %sub3A_824 = arith.subi %add3A_766, %mul3A_823 : i32
      %dma_wait3A_825 = arith.constant 1 : i32
      %dma_wait3A_826 = arith.constant 0 : i32
      %dma_wait3A_827 = tpu.memref_slice %arg9[%and3A_821, %sub3A_824, %dma_wait3A_825, %dma_wait3A_826] : memref<2x5x2x80xi32, #tpu.memory_space<vmem>> -> memref<1x1x1x80xi32, #tpu.memory_space<vmem>>
      %dma_wait3A_828 = tpu.memref_squeeze %dma_wait3A_827 : memref<1x1x1x80xi32, #tpu.memory_space<vmem>> -> memref<80xi32, #tpu.memory_space<vmem>>
      %dma_wait3A_829 = arith.constant 0 : i32
      %dma_wait3A_830 = arith.constant 0 : i32
      %dma_wait3A_831 = tpu.memref_slice %arg3[%dma_wait3A_829, %dma_wait3A_830] : memref<10000x128xf32, #tpu.memory_space<hbm>> -> memref<10000x128xf32, #tpu.memory_space<hbm>>
      tpu.wait_indirect_dma semaphore(%arg16 : memref<!tpu.dma_semaphore, #tpu.memory_space<semaphore_mem>>) src(%dma_wait3A_831 : memref<10000x128xf32, #tpu.memory_space<hbm>>) dst(%arg11 : memref<80x128xf32, #tpu.memory_space<vmem>>)
      %scan3A_832 = arith.constant 0 : i32
      %scan3A_833 = arith.constant 0 : i32
      %scan3A_834 = arith.constant 80 : i32
      %scan3A_835 = arith.addi %scan3A_833, %scan3A_834 : i32
      %scan3A_836 = arith.constant 1 : i32
      %scan3A_837 = scf.for %scan3A_1182 = %scan3A_833 to %scan3A_835 step %scan3A_836 iter_args(%scan3A_1183 = %scan3A_832) -> (i32)  : i32 {
        %get3A_1184 = arith.index_cast %scan3A_1182 : i32 to index
        %get3A_1185 = arith.constant 0 : index
        %get3A_1186 = tpu.vector_load %arg11[%get3A_1184, %get3A_1185] {strides = array<i32>} : memref<80x128xf32, #tpu.memory_space<vmem>>, vector<16xf32>,
        %max3A = arith.constant 0.000000e+00 : f32
        %max3A_1187 = vector.broadcast %max3A : f32 to vector<16xf32>
        %max3A_1188 = arith.maximumf %get3A_1186, %max3A_1187 : vector<16xf32>
        %swap3A = arith.index_cast %scan3A_1182 : i32 to index
        %swap3A_1189 = arith.constant 0 : index
        %swap3A_1190 = tpu.vector_load %arg11[%swap3A, %swap3A_1189] {strides = array<i32>} : memref<80x128xf32, #tpu.memory_space<vmem>>, vector<16xf32>,
        tpu.vector_store %arg11[%swap3A, %swap3A_1189], %max3A_1188 {strides = array<i32>} : memref<80x128xf32, #tpu.memory_space<vmem>>, vector<16xf32>,
        %get3A_1191 = arith.index_cast %scan3A_1182 : i32 to index
        %get3A_1192 = arith.constant 16 : index
        %get3A_1193 = tpu.vector_load %arg11[%get3A_1191, %get3A_1192] {strides = array<i32>} : memref<80x128xf32, #tpu.memory_space<vmem>>, vector<16xf32>,
        %max3A_1194 = arith.constant 0.000000e+00 : f32
        %max3A_1195 = vector.broadcast %max3A_1194 : f32 to vector<16xf32>
        %max3A_1196 = arith.maximumf %get3A_1193, %max3A_1195 : vector<16xf32>
        %swap3A_1197 = arith.index_cast %scan3A_1182 : i32 to index
        %swap3A_1198 = arith.constant 16 : index
        %swap3A_1199 = tpu.vector_load %arg11[%swap3A_1197, %swap3A_1198] {strides = array<i32>} : memref<80x128xf32, #tpu.memory_space<vmem>>, vector<16xf32>,
        tpu.vector_store %arg11[%swap3A_1197, %swap3A_1198], %max3A_1196 {strides = array<i32>} : memref<80x128xf32, #tpu.memory_space<vmem>>, vector<16xf32>,
        %get3A_1200 = arith.index_cast %scan3A_1182 : i32 to index
        %get3A_1201 = arith.constant 32 : index
        %get3A_1202 = tpu.vector_load %arg11[%get3A_1200, %get3A_1201] {strides = array<i32>} : memref<80x128xf32, #tpu.memory_space<vmem>>, vector<16xf32>,
        %max3A_1203 = arith.constant 0.000000e+00 : f32
        %max3A_1204 = vector.broadcast %max3A_1203 : f32 to vector<16xf32>
        %max3A_1205 = arith.maximumf %get3A_1202, %max3A_1204 : vector<16xf32>
        %swap3A_1206 = arith.index_cast %scan3A_1182 : i32 to index
        %swap3A_1207 = arith.constant 32 : index
        %swap3A_1208 = tpu.vector_load %arg11[%swap3A_1206, %swap3A_1207] {strides = array<i32>} : memref<80x128xf32, #tpu.memory_space<vmem>>, vector<16xf32>,
        tpu.vector_store %arg11[%swap3A_1206, %swap3A_1207], %max3A_1205 {strides = array<i32>} : memref<80x128xf32, #tpu.memory_space<vmem>>, vector<16xf32>,
        %get3A_1209 = arith.index_cast %scan3A_1182 : i32 to index
        %get3A_1210 = arith.constant 48 : index
        %get3A_1211 = tpu.vector_load %arg11[%get3A_1209, %get3A_1210] {strides = array<i32>} : memref<80x128xf32, #tpu.memory_space<vmem>>, vector<16xf32>,
        %max3A_1212 = arith.constant 0.000000e+00 : f32
        %max3A_1213 = vector.broadcast %max3A_1212 : f32 to vector<16xf32>
        %max3A_1214 = arith.maximumf %get3A_1211, %max3A_1213 : vector<16xf32>
        %swap3A_1215 = arith.index_cast %scan3A_1182 : i32 to index
        %swap3A_1216 = arith.constant 48 : index
        %swap3A_1217 = tpu.vector_load %arg11[%swap3A_1215, %swap3A_1216] {strides = array<i32>} : memref<80x128xf32, #tpu.memory_space<vmem>>, vector<16xf32>,
        tpu.vector_store %arg11[%swap3A_1215, %swap3A_1216], %max3A_1214 {strides = array<i32>} : memref<80x128xf32, #tpu.memory_space<vmem>>, vector<16xf32>,
        %get3A_1218 = arith.index_cast %scan3A_1182 : i32 to index
        %get3A_1219 = arith.constant 64 : index
        %get3A_1220 = tpu.vector_load %arg11[%get3A_1218, %get3A_1219] {strides = array<i32>} : memref<80x128xf32, #tpu.memory_space<vmem>>, vector<16xf32>,
        %max3A_1221 = arith.constant 0.000000e+00 : f32
        %max3A_1222 = vector.broadcast %max3A_1221 : f32 to vector<16xf32>
        %max3A_1223 = arith.maximumf %get3A_1220, %max3A_1222 : vector<16xf32>
        %swap3A_1224 = arith.index_cast %scan3A_1182 : i32 to index
        %swap3A_1225 = arith.constant 64 : index
        %swap3A_1226 = tpu.vector_load %arg11[%swap3A_1224, %swap3A_1225] {strides = array<i32>} : memref<80x128xf32, #tpu.memory_space<vmem>>, vector<16xf32>,
        tpu.vector_store %arg11[%swap3A_1224, %swap3A_1225], %max3A_1223 {strides = array<i32>} : memref<80x128xf32, #tpu.memory_space<vmem>>, vector<16xf32>,
        %get3A_1227 = arith.index_cast %scan3A_1182 : i32 to index
        %get3A_1228 = arith.constant 80 : index
        %get3A_1229 = tpu.vector_load %arg11[%get3A_1227, %get3A_1228] {strides = array<i32>} : memref<80x128xf32, #tpu.memory_space<vmem>>, vector<16xf32>,
        %max3A_1230 = arith.constant 0.000000e+00 : f32
        %max3A_1231 = vector.broadcast %max3A_1230 : f32 to vector<16xf32>
        %max3A_1232 = arith.maximumf %get3A_1229, %max3A_1231 : vector<16xf32>
        %swap3A_1233 = arith.index_cast %scan3A_1182 : i32 to index
        %swap3A_1234 = arith.constant 80 : index
        %swap3A_1235 = tpu.vector_load %arg11[%swap3A_1233, %swap3A_1234] {strides = array<i32>} : memref<80x128xf32, #tpu.memory_space<vmem>>, vector<16xf32>,
        tpu.vector_store %arg11[%swap3A_1233, %swap3A_1234], %max3A_1232 {strides = array<i32>} : memref<80x128xf32, #tpu.memory_space<vmem>>, vector<16xf32>,
        %get3A_1236 = arith.index_cast %scan3A_1182 : i32 to index
        %get3A_1237 = arith.constant 96 : index
        %get3A_1238 = tpu.vector_load %arg11[%get3A_1236, %get3A_1237] {strides = array<i32>} : memref<80x128xf32, #tpu.memory_space<vmem>>, vector<16xf32>,
        %max3A_1239 = arith.constant 0.000000e+00 : f32
        %max3A_1240 = vector.broadcast %max3A_1239 : f32 to vector<16xf32>
        %max3A_1241 = arith.maximumf %get3A_1238, %max3A_1240 : vector<16xf32>
        %swap3A_1242 = arith.index_cast %scan3A_1182 : i32 to index
        %swap3A_1243 = arith.constant 96 : index
        %swap3A_1244 = tpu.vector_load %arg11[%swap3A_1242, %swap3A_1243] {strides = array<i32>} : memref<80x128xf32, #tpu.memory_space<vmem>>, vector<16xf32>,
        tpu.vector_store %arg11[%swap3A_1242, %swap3A_1243], %max3A_1241 {strides = array<i32>} : memref<80x128xf32, #tpu.memory_space<vmem>>, vector<16xf32>,
        %get3A_1245 = arith.index_cast %scan3A_1182 : i32 to index
        %get3A_1246 = arith.constant 112 : index
        %get3A_1247 = tpu.vector_load %arg11[%get3A_1245, %get3A_1246] {strides = array<i32>} : memref<80x128xf32, #tpu.memory_space<vmem>>, vector<16xf32>,
        %max3A_1248 = arith.constant 0.000000e+00 : f32
        %max3A_1249 = vector.broadcast %max3A_1248 : f32 to vector<16xf32>
        %max3A_1250 = arith.maximumf %get3A_1247, %max3A_1249 : vector<16xf32>
        %swap3A_1251 = arith.index_cast %scan3A_1182 : i32 to index
        %swap3A_1252 = arith.constant 112 : index
        %swap3A_1253 = tpu.vector_load %arg11[%swap3A_1251, %swap3A_1252] {strides = array<i32>} : memref<80x128xf32, #tpu.memory_space<vmem>>, vector<16xf32>,
        tpu.vector_store %arg11[%swap3A_1251, %swap3A_1252], %max3A_1250 {strides = array<i32>} : memref<80x128xf32, #tpu.memory_space<vmem>>, vector<16xf32>,
        %scan3A_1254 = arith.constant 0 : i32
        scf.yield %scan3A_1254 : i32
      }
      %scan3A_838 = arith.constant 80 : i32
      %add3A_839 = arith.constant 1 : i32
      %add3A_840 = arith.addi %add3A_766, %add3A_839 : i32
      %jit3A_841 = arith.constant 5 : i32
      %div3A_842 = arith.divsi %add3A_840, %jit3A_841 : i32
      %sign3A_843 = arith.constant 0 : i32
      %sign3A_844 = arith.cmpi sgt, %add3A_840, %sign3A_843 : i32
      %sign3A_845 = arith.extui %sign3A_844 : i1 to i32
      %sign3A_846 = arith.constant 0 : i32
      %sign3A_847 = arith.cmpi slt, %add3A_840, %sign3A_846 : i32
      %sign3A_848 = arith.extui %sign3A_847 : i1 to i32
      %sign3A_849 = arith.subi %sign3A_845, %sign3A_848 : i32
      %sign3A_850 = arith.constant 0 : i32
      %sign3A_851 = arith.cmpi sgt, %jit3A_841, %sign3A_850 : i32
      %sign3A_852 = arith.extui %sign3A_851 : i1 to i32
      %sign3A_853 = arith.constant 0 : i32
      %sign3A_854 = arith.cmpi slt, %jit3A_841, %sign3A_853 : i32
      %sign3A_855 = arith.extui %sign3A_854 : i1 to i32
      %sign3A_856 = arith.subi %sign3A_852, %sign3A_855 : i32
      %ne3A_857 = arith.cmpi ne, %sign3A_849, %sign3A_856 : i32
      %rem3A_858 = arith.remsi %add3A_840, %jit3A_841 : i32
      %ne3A_859 = arith.constant 0 : i32
      %ne3A_860 = arith.cmpi ne, %rem3A_858, %ne3A_859 : i32
      %and3A_861 = arith.andi %ne3A_857, %ne3A_860 : i1
      %sub3A_862 = arith.constant 1 : i32
      %sub3A_863 = arith.subi %div3A_842, %sub3A_862 : i32
      %select_n3A_864 = arith.select %and3A_861, %sub3A_863, %div3A_842 : i32
      %and3A_865 = arith.constant 1 : i32
      %and3A_866 = arith.andi %select_n3A_864, %and3A_865 : i32
      %mul3A_867 = arith.constant 5 : i32
      %mul3A_868 = arith.muli %select_n3A_864, %mul3A_867 : i32
      %sub3A_869 = arith.subi %add3A_840, %mul3A_868 : i32
      %dma_wait3A_870 = arith.constant 0 : i32
      %dma_wait3A_871 = arith.constant 0 : i32
      %dma_wait3A_872 = tpu.memref_slice %arg9[%and3A_866, %sub3A_869, %dma_wait3A_870, %dma_wait3A_871] : memref<2x5x2x80xi32, #tpu.memory_space<vmem>> -> memref<1x1x1x80xi32, #tpu.memory_space<vmem>>
      %dma_wait3A_873 = tpu.memref_squeeze %dma_wait3A_872 : memref<1x1x1x80xi32, #tpu.memory_space<vmem>> -> memref<80xi32, #tpu.memory_space<vmem>>
      %dma_wait3A_874 = arith.constant 0 : i32
      %dma_wait3A_875 = arith.constant 0 : i32
      %dma_wait3A_876 = tpu.memref_slice %arg2[%dma_wait3A_874, %dma_wait3A_875] : memref<10000x128xf32, #tpu.memory_space<hbm>> -> memref<10000x128xf32, #tpu.memory_space<hbm>>
      tpu.wait_indirect_dma semaphore(%arg15 : memref<!tpu.dma_semaphore, #tpu.memory_space<semaphore_mem>>) src(%dma_wait3A_876 : memref<10000x128xf32, #tpu.memory_space<hbm>>) dst(%arg10 : memref<80x128xf32, #tpu.memory_space<vmem>>)
      %add3A_877 = arith.constant 1 : i32
      %add3A_878 = arith.addi %add3A_766, %add3A_877 : i32
      %jit3A_879 = arith.constant 5 : i32
      %div3A_880 = arith.divsi %add3A_878, %jit3A_879 : i32
      %sign3A_881 = arith.constant 0 : i32
      %sign3A_882 = arith.cmpi sgt, %add3A_878, %sign3A_881 : i32
      %sign3A_883 = arith.extui %sign3A_882 : i1 to i32
      %sign3A_884 = arith.constant 0 : i32
      %sign3A_885 = arith.cmpi slt, %add3A_878, %sign3A_884 : i32
      %sign3A_886 = arith.extui %sign3A_885 : i1 to i32
      %sign3A_887 = arith.subi %sign3A_883, %sign3A_886 : i32
      %sign3A_888 = arith.constant 0 : i32
      %sign3A_889 = arith.cmpi sgt, %jit3A_879, %sign3A_888 : i32
      %sign3A_890 = arith.extui %sign3A_889 : i1 to i32
      %sign3A_891 = arith.constant 0 : i32
      %sign3A_892 = arith.cmpi slt, %jit3A_879, %sign3A_891 : i32
      %sign3A_893 = arith.extui %sign3A_892 : i1 to i32
      %sign3A_894 = arith.subi %sign3A_890, %sign3A_893 : i32
      %ne3A_895 = arith.cmpi ne, %sign3A_887, %sign3A_894 : i32
      %rem3A_896 = arith.remsi %add3A_878, %jit3A_879 : i32
      %ne3A_897 = arith.constant 0 : i32
      %ne3A_898 = arith.cmpi ne, %rem3A_896, %ne3A_897 : i32
      %and3A_899 = arith.andi %ne3A_895, %ne3A_898 : i1
      %sub3A_900 = arith.constant 1 : i32
      %sub3A_901 = arith.subi %div3A_880, %sub3A_900 : i32
      %select_n3A_902 = arith.select %and3A_899, %sub3A_901, %div3A_880 : i32
      %and3A_903 = arith.constant 1 : i32
      %and3A_904 = arith.andi %select_n3A_902, %and3A_903 : i32
      %mul3A_905 = arith.constant 5 : i32
      %mul3A_906 = arith.muli %select_n3A_902, %mul3A_905 : i32
      %sub3A_907 = arith.subi %add3A_878, %mul3A_906 : i32
      %dma_start3A_908 = arith.constant 1 : i32
      %dma_start3A_909 = arith.constant 0 : i32
      %dma_start3A_910 = arith.constant 0 : i32
      %dma_start3A_911 = tpu.memref_slice %arg10[%dma_start3A_909, %dma_start3A_910] : memref<80x128xf32, #tpu.memory_space<vmem>> -> memref<40x128xf32, #tpu.memory_space<vmem>>
      %dma_start3A_912 = arith.constant 0 : i32
      %dma_start3A_913 = tpu.memref_slice %arg9[%and3A_904, %sub3A_907, %dma_start3A_908, %dma_start3A_912] : memref<2x5x2x80xi32, #tpu.memory_space<vmem>> -> memref<1x1x1x80xi32, #tpu.memory_space<vmem>>
      %dma_start3A_914 = tpu.memref_squeeze %dma_start3A_913 : memref<1x1x1x80xi32, #tpu.memory_space<vmem>> -> memref<80xi32, #tpu.memory_space<vmem>>
      %dma_start3A_915 = arith.constant 0 : i32
      %dma_start3A_916 = tpu.memref_slice %dma_start3A_914[%dma_start3A_915] : memref<80xi32, #tpu.memory_space<vmem>> -> memref<40xi32, #tpu.memory_space<vmem>>
      %dma_start3A_917 = arith.constant 0 : i32
      %dma_start3A_918 = arith.constant 0 : i32
      %dma_start3A_919 = tpu.memref_slice %arg3[%dma_start3A_917, %dma_start3A_918] : memref<10000x128xf32, #tpu.memory_space<hbm>> -> memref<10000x128xf32, #tpu.memory_space<hbm>>
      tpu.enqueue_indirect_dma source(%dma_start3A_919 : memref<10000x128xf32, #tpu.memory_space<hbm>>) target(%dma_start3A_911 : memref<40x128xf32, #tpu.memory_space<vmem>>) offsets(%dma_start3A_916 : memref<40xi32, #tpu.memory_space<vmem>>) semaphore(%arg15 : memref<!tpu.dma_semaphore, #tpu.memory_space<semaphore_mem>>) {add = true}
      %add3A_920 = arith.constant 1 : i32
      %add3A_921 = arith.addi %add3A_766, %add3A_920 : i32
      %jit3A_922 = arith.constant 5 : i32
      %div3A_923 = arith.divsi %add3A_921, %jit3A_922 : i32
      %sign3A_924 = arith.constant 0 : i32
      %sign3A_925 = arith.cmpi sgt, %add3A_921, %sign3A_924 : i32
      %sign3A_926 = arith.extui %sign3A_925 : i1 to i32
      %sign3A_927 = arith.constant 0 : i32
      %sign3A_928 = arith.cmpi slt, %add3A_921, %sign3A_927 : i32
      %sign3A_929 = arith.extui %sign3A_928 : i1 to i32
      %sign3A_930 = arith.subi %sign3A_926, %sign3A_929 : i32
      %sign3A_931 = arith.constant 0 : i32
      %sign3A_932 = arith.cmpi sgt, %jit3A_922, %sign3A_931 : i32
      %sign3A_933 = arith.extui %sign3A_932 : i1 to i32
      %sign3A_934 = arith.constant 0 : i32
      %sign3A_935 = arith.cmpi slt, %jit3A_922, %sign3A_934 : i32
      %sign3A_936 = arith.extui %sign3A_935 : i1 to i32
      %sign3A_937 = arith.subi %sign3A_933, %sign3A_936 : i32
      %ne3A_938 = arith.cmpi ne, %sign3A_930, %sign3A_937 : i32
      %rem3A_939 = arith.remsi %add3A_921, %jit3A_922 : i32
      %ne3A_940 = arith.constant 0 : i32
      %ne3A_941 = arith.cmpi ne, %rem3A_939, %ne3A_940 : i32
      %and3A_942 = arith.andi %ne3A_938, %ne3A_941 : i1
      %sub3A_943 = arith.constant 1 : i32
      %sub3A_944 = arith.subi %div3A_923, %sub3A_943 : i32
      %select_n3A_945 = arith.select %and3A_942, %sub3A_944, %div3A_923 : i32
      %and3A_946 = arith.constant 1 : i32
      %and3A_947 = arith.andi %select_n3A_945, %and3A_946 : i32
      %mul3A_948 = arith.constant 5 : i32
      %mul3A_949 = arith.muli %select_n3A_945, %mul3A_948 : i32
      %sub3A_950 = arith.subi %add3A_921, %mul3A_949 : i32
      %dma_start3A_951 = arith.constant 1 : i32
      %dma_start3A_952 = arith.constant 40 : i32
      %dma_start3A_953 = arith.constant 0 : i32
      %dma_start3A_954 = tpu.memref_slice %arg10[%dma_start3A_952, %dma_start3A_953] : memref<80x128xf32, #tpu.memory_space<vmem>> -> memref<40x128xf32, #tpu.memory_space<vmem>>
      %dma_start3A_955 = arith.constant 0 : i32
      %dma_start3A_956 = tpu.memref_slice %arg9[%and3A_947, %sub3A_950, %dma_start3A_951, %dma_start3A_955] : memref<2x5x2x80xi32, #tpu.memory_space<vmem>> -> memref<1x1x1x80xi32, #tpu.memory_space<vmem>>
      %dma_start3A_957 = tpu.memref_squeeze %dma_start3A_956 : memref<1x1x1x80xi32, #tpu.memory_space<vmem>> -> memref<80xi32, #tpu.memory_space<vmem>>
      %dma_start3A_958 = arith.constant 40 : i32
      %dma_start3A_959 = tpu.memref_slice %dma_start3A_957[%dma_start3A_958] : memref<80xi32, #tpu.memory_space<vmem>> -> memref<40xi32, #tpu.memory_space<vmem>>
      %dma_start3A_960 = arith.constant 0 : i32
      %dma_start3A_961 = arith.constant 0 : i32
      %dma_start3A_962 = tpu.memref_slice %arg3[%dma_start3A_960, %dma_start3A_961] : memref<10000x128xf32, #tpu.memory_space<hbm>> -> memref<10000x128xf32, #tpu.memory_space<hbm>>
      tpu.enqueue_indirect_dma source(%dma_start3A_962 : memref<10000x128xf32, #tpu.memory_space<hbm>>) target(%dma_start3A_954 : memref<40x128xf32, #tpu.memory_space<vmem>>) offsets(%dma_start3A_959 : memref<40xi32, #tpu.memory_space<vmem>>) semaphore(%arg15 : memref<!tpu.dma_semaphore, #tpu.memory_space<semaphore_mem>>) {add = true}
      %jit3A_963 = arith.constant 5 : i32
      %div3A_964 = arith.divsi %add3A_766, %jit3A_963 : i32
      %sign3A_965 = arith.constant 0 : i32
      %sign3A_966 = arith.cmpi sgt, %add3A_766, %sign3A_965 : i32
      %sign3A_967 = arith.extui %sign3A_966 : i1 to i32
      %sign3A_968 = arith.constant 0 : i32
      %sign3A_969 = arith.cmpi slt, %add3A_766, %sign3A_968 : i32
      %sign3A_970 = arith.extui %sign3A_969 : i1 to i32
      %sign3A_971 = arith.subi %sign3A_967, %sign3A_970 : i32
      %sign3A_972 = arith.constant 0 : i32
      %sign3A_973 = arith.cmpi sgt, %jit3A_963, %sign3A_972 : i32
      %sign3A_974 = arith.extui %sign3A_973 : i1 to i32
      %sign3A_975 = arith.constant 0 : i32
      %sign3A_976 = arith.cmpi slt, %jit3A_963, %sign3A_975 : i32
      %sign3A_977 = arith.extui %sign3A_976 : i1 to i32
      %sign3A_978 = arith.subi %sign3A_974, %sign3A_977 : i32
      %ne3A_979 = arith.cmpi ne, %sign3A_971, %sign3A_978 : i32
      %rem3A_980 = arith.remsi %add3A_766, %jit3A_963 : i32
      %ne3A_981 = arith.constant 0 : i32
      %ne3A_982 = arith.cmpi ne, %rem3A_980, %ne3A_981 : i32
      %and3A_983 = arith.andi %ne3A_979, %ne3A_982 : i1
      %sub3A_984 = arith.constant 1 : i32
      %sub3A_985 = arith.subi %div3A_964, %sub3A_984 : i32
      %select_n3A_986 = arith.select %and3A_983, %sub3A_985, %div3A_964 : i32
      %and3A_987 = arith.constant 1 : i32
      %and3A_988 = arith.andi %select_n3A_986, %and3A_987 : i32
      %mul3A_989 = arith.constant 5 : i32
      %mul3A_990 = arith.muli %select_n3A_986, %mul3A_989 : i32
      %sub3A_991 = arith.subi %add3A_766, %mul3A_990 : i32
      %dma_start3A_992 = arith.constant 0 : i32
      %dma_start3A_993 = arith.constant 0 : i32
      %dma_start3A_994 = tpu.memref_slice %arg9[%and3A_988, %sub3A_991, %dma_start3A_992, %dma_start3A_993] : memref<2x5x2x80xi32, #tpu.memory_space<vmem>> -> memref<1x1x1x80xi32, #tpu.memory_space<vmem>>
      %dma_start3A_995 = tpu.memref_squeeze %dma_start3A_994 : memref<1x1x1x80xi32, #tpu.memory_space<vmem>> -> memref<80xi32, #tpu.memory_space<vmem>>
      %dma_start3A_996 = arith.constant 0 : i32
      %dma_start3A_997 = arith.constant 0 : i32
      %dma_start3A_998 = tpu.memref_slice %arg7[%dma_start3A_996, %dma_start3A_997] : memref<10240x128xf32, #tpu.memory_space<vmem_shared>> -> memref<10240x128xf32, #tpu.memory_space<vmem_shared>>
      tpu.enqueue_indirect_dma source(%arg11 : memref<80x128xf32, #tpu.memory_space<vmem>>) target(%dma_start3A_998 : memref<10240x128xf32, #tpu.memory_space<vmem_shared>>) offsets(%dma_start3A_995 : memref<80xi32, #tpu.memory_space<vmem>>) semaphore(%arg18 : memref<!tpu.dma_semaphore, #tpu.memory_space<semaphore_mem>>) {add = true}
      %get3A_999 = arith.constant 0 : i32
      %get3A_1000 = arith.index_cast %and3A_792 : i32 to index
      %get3A_1001 = arith.index_cast %sub3A_795 : i32 to index
      %get3A_1002 = arith.index_cast %get3A_999 : i32 to index
      %get3A_1003 = arith.constant 0 : index
      %get3A_1004 = tpu.vector_load %arg9[%get3A_1000, %get3A_1001, %get3A_1002, %get3A_1003] {strides = array<i32>} : memref<2x5x2x80xi32, #tpu.memory_space<vmem>>, vector<16xi32>,
      tpu.vector_store_idx %arg12[%get3A_1004], %broadcast_in_dim3A_23 {add = true} : memref<10240xf32, #tpu.memory_space<vmem>>[vector<16xi32>], vector<16xf32>,
      %get3A_1005 = arith.constant 0 : i32
      %get3A_1006 = arith.index_cast %and3A_792 : i32 to index
      %get3A_1007 = arith.index_cast %sub3A_795 : i32 to index
      %get3A_1008 = arith.index_cast %get3A_1005 : i32 to index
      %get3A_1009 = arith.constant 16 : index
      %get3A_1010 = tpu.vector_load %arg9[%get3A_1006, %get3A_1007, %get3A_1008, %get3A_1009] {strides = array<i32>} : memref<2x5x2x80xi32, #tpu.memory_space<vmem>>, vector<16xi32>,
      tpu.vector_store_idx %arg12[%get3A_1010], %broadcast_in_dim3A_23 {add = true} : memref<10240xf32, #tpu.memory_space<vmem>>[vector<16xi32>], vector<16xf32>,
      %get3A_1011 = arith.constant 0 : i32
      %get3A_1012 = arith.index_cast %and3A_792 : i32 to index
      %get3A_1013 = arith.index_cast %sub3A_795 : i32 to index
      %get3A_1014 = arith.index_cast %get3A_1011 : i32 to index
      %get3A_1015 = arith.constant 32 : index
      %get3A_1016 = tpu.vector_load %arg9[%get3A_1012, %get3A_1013, %get3A_1014, %get3A_1015] {strides = array<i32>} : memref<2x5x2x80xi32, #tpu.memory_space<vmem>>, vector<16xi32>,
      tpu.vector_store_idx %arg12[%get3A_1016], %broadcast_in_dim3A_23 {add = true} : memref<10240xf32, #tpu.memory_space<vmem>>[vector<16xi32>], vector<16xf32>,
      %get3A_1017 = arith.constant 0 : i32
      %get3A_1018 = arith.index_cast %and3A_792 : i32 to index
      %get3A_1019 = arith.index_cast %sub3A_795 : i32 to index
      %get3A_1020 = arith.index_cast %get3A_1017 : i32 to index
      %get3A_1021 = arith.constant 48 : index
      %get3A_1022 = tpu.vector_load %arg9[%get3A_1018, %get3A_1019, %get3A_1020, %get3A_1021] {strides = array<i32>} : memref<2x5x2x80xi32, #tpu.memory_space<vmem>>, vector<16xi32>,
      tpu.vector_store_idx %arg12[%get3A_1022], %broadcast_in_dim3A_23 {add = true} : memref<10240xf32, #tpu.memory_space<vmem>>[vector<16xi32>], vector<16xf32>,
      %get3A_1023 = arith.constant 0 : i32
      %get3A_1024 = arith.index_cast %and3A_792 : i32 to index
      %get3A_1025 = arith.index_cast %sub3A_795 : i32 to index
      %get3A_1026 = arith.index_cast %get3A_1023 : i32 to index
      %get3A_1027 = arith.constant 64 : index
      %get3A_1028 = tpu.vector_load %arg9[%get3A_1024, %get3A_1025, %get3A_1026, %get3A_1027] {strides = array<i32>} : memref<2x5x2x80xi32, #tpu.memory_space<vmem>>, vector<16xi32>,
      tpu.vector_store_idx %arg12[%get3A_1028], %broadcast_in_dim3A_23 {add = true} : memref<10240xf32, #tpu.memory_space<vmem>>[vector<16xi32>], vector<16xf32>,
      %jit3A_1029 = arith.constant 5 : i32
      %div3A_1030 = arith.divsi %add3A_766, %jit3A_1029 : i32
      %sign3A_1031 = arith.constant 0 : i32
      %sign3A_1032 = arith.cmpi sgt, %add3A_766, %sign3A_1031 : i32
      %sign3A_1033 = arith.extui %sign3A_1032 : i1 to i32
      %sign3A_1034 = arith.constant 0 : i32
      %sign3A_1035 = arith.cmpi slt, %add3A_766, %sign3A_1034 : i32
      %sign3A_1036 = arith.extui %sign3A_1035 : i1 to i32
      %sign3A_1037 = arith.subi %sign3A_1033, %sign3A_1036 : i32
      %sign3A_1038 = arith.constant 0 : i32
      %sign3A_1039 = arith.cmpi sgt, %jit3A_1029, %sign3A_1038 : i32
      %sign3A_1040 = arith.extui %sign3A_1039 : i1 to i32
      %sign3A_1041 = arith.constant 0 : i32
      %sign3A_1042 = arith.cmpi slt, %jit3A_1029, %sign3A_1041 : i32
      %sign3A_1043 = arith.extui %sign3A_1042 : i1 to i32
      %sign3A_1044 = arith.subi %sign3A_1040, %sign3A_1043 : i32
      %ne3A_1045 = arith.cmpi ne, %sign3A_1037, %sign3A_1044 : i32
      %rem3A_1046 = arith.remsi %add3A_766, %jit3A_1029 : i32
      %ne3A_1047 = arith.constant 0 : i32
      %ne3A_1048 = arith.cmpi ne, %rem3A_1046, %ne3A_1047 : i32
      %and3A_1049 = arith.andi %ne3A_1045, %ne3A_1048 : i1
      %sub3A_1050 = arith.constant 1 : i32
      %sub3A_1051 = arith.subi %div3A_1030, %sub3A_1050 : i32
      %select_n3A_1052 = arith.select %and3A_1049, %sub3A_1051, %div3A_1030 : i32
      %mul3A_1053 = arith.constant 5 : i32
      %mul3A_1054 = arith.muli %select_n3A_1052, %mul3A_1053 : i32
      %eq3A_1055 = arith.cmpi eq, %add3A_766, %mul3A_1054 : i32
      %convert_element_type3A_1056 = arith.extui %eq3A_1055 : i1 to i32
      %cond3A_1057 = arith.constant 0 : i32
      %cond3A_1058 = arith.cmpi ne, %convert_element_type3A_1056, %cond3A_1057 : i32
      scf.if %cond3A_1058 {
        %add3A_1182 = arith.addi %mul3A_25, %select_n3A_1052 : i32
        %add3A_1183 = arith.constant 1 : i32
        %add3A_1184 = arith.addi %add3A_1182, %add3A_1183 : i32
        %min3A = arith.constant 799 : i32
        %min3A_1185 = arith.minsi %add3A_1184, %min3A : i32
        %add3A_1186 = arith.constant 1 : i32
        %add3A_1187 = arith.addi %select_n3A_1052, %add3A_1186 : i32
        %and3A_1188 = arith.constant 1 : i32
        %and3A_1189 = arith.andi %add3A_1187, %and3A_1188 : i32
        "tpu.region"() ({
          %run_scoped3A_1190 = tpu.sem_alloc : memref<!tpu.dma_semaphore, #tpu.memory_space<semaphore_mem>>
          %dma_start3A_1191 = arith.constant 0 : i32
          %dma_start3A_1192 = arith.constant 0 : i32
          %dma_start3A_1193 = arith.constant 0 : i32
          %dma_start3A_1194 = tpu.memref_slice %arg9[%and3A_1189, %dma_start3A_1191, %dma_start3A_1192, %dma_start3A_1193] : memref<2x5x2x80xi32, #tpu.memory_space<vmem>> -> memref<1x5x2x80xi32, #tpu.memory_space<vmem>>
          %dma_start3A_1195 = tpu.memref_squeeze %dma_start3A_1194 : memref<1x5x2x80xi32, #tpu.memory_space<vmem>> -> memref<5x2x80xi32, #tpu.memory_space<vmem>>
          %dma_start3A_1196 = arith.constant 0 : i32
          %dma_start3A_1197 = arith.constant 0 : i32
          %dma_start3A_1198 = arith.constant 0 : i32
          %dma_start3A_1199 = tpu.memref_slice %arg4[%min3A_1185, %dma_start3A_1196, %dma_start3A_1197, %dma_start3A_1198] : memref<800x5x2x80xi32, #tpu.memory_space<hbm>> -> memref<1x5x2x80xi32, #tpu.memory_space<hbm>>
          %dma_start3A_1200 = tpu.memref_squeeze %dma_start3A_1199 : memref<1x5x2x80xi32, #tpu.memory_space<hbm>> -> memref<5x2x80xi32, #tpu.memory_space<hbm>>
          %dma_start3A_1201 = arith.constant 0 : i32
          %dma_start3A_1202 = arith.constant 0 : i32
          %dma_start3A_1203 = arith.constant 0 : i32
          %dma_start3A_1204 = tpu.memref_slice %arg9[%and3A_1189, %dma_start3A_1201, %dma_start3A_1202, %dma_start3A_1203] : memref<2x5x2x80xi32, #tpu.memory_space<vmem>> -> memref<1x5x2x80xi32, #tpu.memory_space<vmem>>
          %dma_start3A_1205 = tpu.memref_squeeze %dma_start3A_1204 : memref<1x5x2x80xi32, #tpu.memory_space<vmem>> -> memref<5x2x80xi32, #tpu.memory_space<vmem>>
          %dma_start3A_1206 = arith.constant 0 : i32
          %dma_start3A_1207 = arith.constant 0 : i32
          %dma_start3A_1208 = arith.constant 0 : i32
          %dma_start3A_1209 = tpu.memref_slice %arg4[%min3A_1185, %dma_start3A_1206, %dma_start3A_1207, %dma_start3A_1208] : memref<800x5x2x80xi32, #tpu.memory_space<hbm>> -> memref<1x5x2x80xi32, #tpu.memory_space<hbm>>
          %dma_start3A_1210 = tpu.memref_squeeze %dma_start3A_1209 : memref<1x5x2x80xi32, #tpu.memory_space<hbm>> -> memref<5x2x80xi32, #tpu.memory_space<hbm>>
          tpu.enqueue_dma source(%dma_start3A_1210 : memref<5x2x80xi32, #tpu.memory_space<hbm>>) target(%dma_start3A_1205 : memref<5x2x80xi32, #tpu.memory_space<vmem>>) target_semaphore(%run_scoped3A_1190 : memref<!tpu.dma_semaphore, #tpu.memory_space<semaphore_mem>>)
          %dma_wait3A_1211 = arith.constant 0 : i32
          %dma_wait3A_1212 = arith.constant 0 : i32
          %dma_wait3A_1213 = arith.constant 0 : i32
          %dma_wait3A_1214 = tpu.memref_slice %arg9[%and3A_1189, %dma_wait3A_1211, %dma_wait3A_1212, %dma_wait3A_1213] : memref<2x5x2x80xi32, #tpu.memory_space<vmem>> -> memref<1x5x2x80xi32, #tpu.memory_space<vmem>>
          %dma_wait3A_1215 = tpu.memref_squeeze %dma_wait3A_1214 : memref<1x5x2x80xi32, #tpu.memory_space<vmem>> -> memref<5x2x80xi32, #tpu.memory_space<vmem>>
          %dma_wait3A_1216 = arith.constant 0 : i32
          %dma_wait3A_1217 = arith.constant 0 : i32
          %dma_wait3A_1218 = arith.constant 0 : i32
          %dma_wait3A_1219 = tpu.memref_slice %arg4[%min3A_1185, %dma_wait3A_1216, %dma_wait3A_1217, %dma_wait3A_1218] : memref<800x5x2x80xi32, #tpu.memory_space<hbm>> -> memref<1x5x2x80xi32, #tpu.memory_space<hbm>>
          %dma_wait3A_1220 = tpu.memref_squeeze %dma_wait3A_1219 : memref<1x5x2x80xi32, #tpu.memory_space<hbm>> -> memref<5x2x80xi32, #tpu.memory_space<hbm>>
          %dma_wait3A_1221 = arith.constant 0 : i32
          %dma_wait3A_1222 = arith.constant 0 : i32
          %dma_wait3A_1223 = arith.constant 0 : i32
          %dma_wait3A_1224 = tpu.memref_slice %arg9[%and3A_1189, %dma_wait3A_1221, %dma_wait3A_1222, %dma_wait3A_1223] : memref<2x5x2x80xi32, #tpu.memory_space<vmem>> -> memref<1x5x2x80xi32, #tpu.memory_space<vmem>>
          %dma_wait3A_1225 = tpu.memref_squeeze %dma_wait3A_1224 : memref<1x5x2x80xi32, #tpu.memory_space<vmem>> -> memref<5x2x80xi32, #tpu.memory_space<vmem>>
          %dma_wait3A_1226 = arith.constant 0 : i32
          %dma_wait3A_1227 = arith.constant 0 : i32
          %dma_wait3A_1228 = arith.constant 0 : i32
          %dma_wait3A_1229 = tpu.memref_slice %arg4[%min3A_1185, %dma_wait3A_1226, %dma_wait3A_1227, %dma_wait3A_1228] : memref<800x5x2x80xi32, #tpu.memory_space<hbm>> -> memref<1x5x2x80xi32, #tpu.memory_space<hbm>>
          %dma_wait3A_1230 = tpu.memref_squeeze %dma_wait3A_1229 : memref<1x5x2x80xi32, #tpu.memory_space<hbm>> -> memref<5x2x80xi32, #tpu.memory_space<hbm>>
          tpu.wait_dma2 semaphore(%run_scoped3A_1190 : memref<!tpu.dma_semaphore, #tpu.memory_space<semaphore_mem>>) src(%dma_wait3A_1230 : memref<5x2x80xi32, #tpu.memory_space<hbm>>) dst(%dma_wait3A_1225 : memref<5x2x80xi32, #tpu.memory_space<vmem>>)
          tpu.yield
        }) : () -> ()
      } else {
      }
      %jit3A_1059 = arith.constant 5 : i32
      %div3A_1060 = arith.divsi %add3A_766, %jit3A_1059 : i32
      %sign3A_1061 = arith.constant 0 : i32
      %sign3A_1062 = arith.cmpi sgt, %add3A_766, %sign3A_1061 : i32
      %sign3A_1063 = arith.extui %sign3A_1062 : i1 to i32
      %sign3A_1064 = arith.constant 0 : i32
      %sign3A_1065 = arith.cmpi slt, %add3A_766, %sign3A_1064 : i32
      %sign3A_1066 = arith.extui %sign3A_1065 : i1 to i32
      %sign3A_1067 = arith.subi %sign3A_1063, %sign3A_1066 : i32
      %sign3A_1068 = arith.constant 0 : i32
      %sign3A_1069 = arith.cmpi sgt, %jit3A_1059, %sign3A_1068 : i32
      %sign3A_1070 = arith.extui %sign3A_1069 : i1 to i32
      %sign3A_1071 = arith.constant 0 : i32
      %sign3A_1072 = arith.cmpi slt, %jit3A_1059, %sign3A_1071 : i32
      %sign3A_1073 = arith.extui %sign3A_1072 : i1 to i32
      %sign3A_1074 = arith.subi %sign3A_1070, %sign3A_1073 : i32
      %ne3A_1075 = arith.cmpi ne, %sign3A_1067, %sign3A_1074 : i32
      %rem3A_1076 = arith.remsi %add3A_766, %jit3A_1059 : i32
      %ne3A_1077 = arith.constant 0 : i32
      %ne3A_1078 = arith.cmpi ne, %rem3A_1076, %ne3A_1077 : i32
      %and3A_1079 = arith.andi %ne3A_1075, %ne3A_1078 : i1
      %sub3A_1080 = arith.constant 1 : i32
      %sub3A_1081 = arith.subi %div3A_1060, %sub3A_1080 : i32
      %select_n3A_1082 = arith.select %and3A_1079, %sub3A_1081, %div3A_1060 : i32
      %and3A_1083 = arith.constant 1 : i32
      %and3A_1084 = arith.andi %select_n3A_1082, %and3A_1083 : i32
      %mul3A_1085 = arith.constant 5 : i32
      %mul3A_1086 = arith.muli %select_n3A_1082, %mul3A_1085 : i32
      %sub3A_1087 = arith.subi %add3A_766, %mul3A_1086 : i32
      %dma_wait3A_1088 = arith.constant 0 : i32
      %dma_wait3A_1089 = arith.constant 0 : i32
      %dma_wait3A_1090 = tpu.memref_slice %arg9[%and3A_1084, %sub3A_1087, %dma_wait3A_1088, %dma_wait3A_1089] : memref<2x5x2x80xi32, #tpu.memory_space<vmem>> -> memref<1x1x1x80xi32, #tpu.memory_space<vmem>>
      %dma_wait3A_1091 = tpu.memref_squeeze %dma_wait3A_1090 : memref<1x1x1x80xi32, #tpu.memory_space<vmem>> -> memref<80xi32, #tpu.memory_space<vmem>>
      %dma_wait3A_1092 = arith.constant 0 : i32
      %dma_wait3A_1093 = arith.constant 0 : i32
      %dma_wait3A_1094 = tpu.memref_slice %arg7[%dma_wait3A_1092, %dma_wait3A_1093] : memref<10240x128xf32, #tpu.memory_space<vmem_shared>> -> memref<10240x128xf32, #tpu.memory_space<vmem_shared>>
      tpu.wait_indirect_dma semaphore(%arg18 : memref<!tpu.dma_semaphore, #tpu.memory_space<semaphore_mem>>) src(%arg11 : memref<80x128xf32, #tpu.memory_space<vmem>>) dst(%dma_wait3A_1094 : memref<10240x128xf32, #tpu.memory_space<vmem_shared>>)
      %add3A_1095 = arith.constant 2 : i32
      %add3A_1096 = arith.addi %add3A_766, %add3A_1095 : i32
      %jit3A_1097 = arith.constant 5 : i32
      %div3A_1098 = arith.divsi %add3A_1096, %jit3A_1097 : i32
      %sign3A_1099 = arith.constant 0 : i32
      %sign3A_1100 = arith.cmpi sgt, %add3A_1096, %sign3A_1099 : i32
      %sign3A_1101 = arith.extui %sign3A_1100 : i1 to i32
      %sign3A_1102 = arith.constant 0 : i32
      %sign3A_1103 = arith.cmpi slt, %add3A_1096, %sign3A_1102 : i32
      %sign3A_1104 = arith.extui %sign3A_1103 : i1 to i32
      %sign3A_1105 = arith.subi %sign3A_1101, %sign3A_1104 : i32
      %sign3A_1106 = arith.constant 0 : i32
      %sign3A_1107 = arith.cmpi sgt, %jit3A_1097, %sign3A_1106 : i32
      %sign3A_1108 = arith.extui %sign3A_1107 : i1 to i32
      %sign3A_1109 = arith.constant 0 : i32
      %sign3A_1110 = arith.cmpi slt, %jit3A_1097, %sign3A_1109 : i32
      %sign3A_1111 = arith.extui %sign3A_1110 : i1 to i32
      %sign3A_1112 = arith.subi %sign3A_1108, %sign3A_1111 : i32
      %ne3A_1113 = arith.cmpi ne, %sign3A_1105, %sign3A_1112 : i32
      %rem3A_1114 = arith.remsi %add3A_1096, %jit3A_1097 : i32
      %ne3A_1115 = arith.constant 0 : i32
      %ne3A_1116 = arith.cmpi ne, %rem3A_1114, %ne3A_1115 : i32
      %and3A_1117 = arith.andi %ne3A_1113, %ne3A_1116 : i1
      %sub3A_1118 = arith.constant 1 : i32
      %sub3A_1119 = arith.subi %div3A_1098, %sub3A_1118 : i32
      %select_n3A_1120 = arith.select %and3A_1117, %sub3A_1119, %div3A_1098 : i32
      %and3A_1121 = arith.constant 1 : i32
      %and3A_1122 = arith.andi %select_n3A_1120, %and3A_1121 : i32
      %mul3A_1123 = arith.constant 5 : i32
      %mul3A_1124 = arith.muli %select_n3A_1120, %mul3A_1123 : i32
      %sub3A_1125 = arith.subi %add3A_1096, %mul3A_1124 : i32
      %dma_start3A_1126 = arith.constant 0 : i32
      %dma_start3A_1127 = arith.constant 0 : i32
      %dma_start3A_1128 = arith.constant 0 : i32
      %dma_start3A_1129 = tpu.memref_slice %arg11[%dma_start3A_1127, %dma_start3A_1128] : memref<80x128xf32, #tpu.memory_space<vmem>> -> memref<40x128xf32, #tpu.memory_space<vmem>>
      %dma_start3A_1130 = arith.constant 0 : i32
      %dma_start3A_1131 = tpu.memref_slice %arg9[%and3A_1122, %sub3A_1125, %dma_start3A_1126, %dma_start3A_1130] : memref<2x5x2x80xi32, #tpu.memory_space<vmem>> -> memref<1x1x1x80xi32, #tpu.memory_space<vmem>>
      %dma_start3A_1132 = tpu.memref_squeeze %dma_start3A_1131 : memref<1x1x1x80xi32, #tpu.memory_space<vmem>> -> memref<80xi32, #tpu.memory_space<vmem>>
      %dma_start3A_1133 = arith.constant 0 : i32
      %dma_start3A_1134 = tpu.memref_slice %dma_start3A_1132[%dma_start3A_1133] : memref<80xi32, #tpu.memory_space<vmem>> -> memref<40xi32, #tpu.memory_space<vmem>>
      %dma_start3A_1135 = arith.constant 0 : i32
      %dma_start3A_1136 = arith.constant 0 : i32
      %dma_start3A_1137 = tpu.memref_slice %arg2[%dma_start3A_1135, %dma_start3A_1136] : memref<10000x128xf32, #tpu.memory_space<hbm>> -> memref<10000x128xf32, #tpu.memory_space<hbm>>
      tpu.enqueue_indirect_dma source(%dma_start3A_1137 : memref<10000x128xf32, #tpu.memory_space<hbm>>) target(%dma_start3A_1129 : memref<40x128xf32, #tpu.memory_space<vmem>>) offsets(%dma_start3A_1134 : memref<40xi32, #tpu.memory_space<vmem>>) semaphore(%arg16 : memref<!tpu.dma_semaphore, #tpu.memory_space<semaphore_mem>>)
      %add3A_1138 = arith.constant 2 : i32
      %add3A_1139 = arith.addi %add3A_766, %add3A_1138 : i32
      %jit3A_1140 = arith.constant 5 : i32
      %div3A_1141 = arith.divsi %add3A_1139, %jit3A_1140 : i32
      %sign3A_1142 = arith.constant 0 : i32
      %sign3A_1143 = arith.cmpi sgt, %add3A_1139, %sign3A_1142 : i32
      %sign3A_1144 = arith.extui %sign3A_1143 : i1 to i32
      %sign3A_1145 = arith.constant 0 : i32
      %sign3A_1146 = arith.cmpi slt, %add3A_1139, %sign3A_1145 : i32
      %sign3A_1147 = arith.extui %sign3A_1146 : i1 to i32
      %sign3A_1148 = arith.subi %sign3A_1144, %sign3A_1147 : i32
      %sign3A_1149 = arith.constant 0 : i32
      %sign3A_1150 = arith.cmpi sgt, %jit3A_1140, %sign3A_1149 : i32
      %sign3A_1151 = arith.extui %sign3A_1150 : i1 to i32
      %sign3A_1152 = arith.constant 0 : i32
      %sign3A_1153 = arith.cmpi slt, %jit3A_1140, %sign3A_1152 : i32
      %sign3A_1154 = arith.extui %sign3A_1153 : i1 to i32
      %sign3A_1155 = arith.subi %sign3A_1151, %sign3A_1154 : i32
      %ne3A_1156 = arith.cmpi ne, %sign3A_1148, %sign3A_1155 : i32
      %rem3A_1157 = arith.remsi %add3A_1139, %jit3A_1140 : i32
      %ne3A_1158 = arith.constant 0 : i32
      %ne3A_1159 = arith.cmpi ne, %rem3A_1157, %ne3A_1158 : i32
      %and3A_1160 = arith.andi %ne3A_1156, %ne3A_1159 : i1
      %sub3A_1161 = arith.constant 1 : i32
      %sub3A_1162 = arith.subi %div3A_1141, %sub3A_1161 : i32
      %select_n3A_1163 = arith.select %and3A_1160, %sub3A_1162, %div3A_1141 : i32
      %and3A_1164 = arith.constant 1 : i32
      %and3A_1165 = arith.andi %select_n3A_1163, %and3A_1164 : i32
      %mul3A_1166 = arith.constant 5 : i32
      %mul3A_1167 = arith.muli %select_n3A_1163, %mul3A_1166 : i32
      %sub3A_1168 = arith.subi %add3A_1139, %mul3A_1167 : i32
      %dma_start3A_1169 = arith.constant 0 : i32
      %dma_start3A_1170 = arith.constant 40 : i32
      %dma_start3A_1171 = arith.constant 0 : i32
      %dma_start3A_1172 = tpu.memref_slice %arg11[%dma_start3A_1170, %dma_start3A_1171] : memref<80x128xf32, #tpu.memory_space<vmem>> -> memref<40x128xf32, #tpu.memory_space<vmem>>
      %dma_start3A_1173 = arith.constant 0 : i32
      %dma_start3A_1174 = tpu.memref_slice %arg9[%and3A_1165, %sub3A_1168, %dma_start3A_1169, %dma_start3A_1173] : memref<2x5x2x80xi32, #tpu.memory_space<vmem>> -> memref<1x1x1x80xi32, #tpu.memory_space<vmem>>
      %dma_start3A_1175 = tpu.memref_squeeze %dma_start3A_1174 : memref<1x1x1x80xi32, #tpu.memory_space<vmem>> -> memref<80xi32, #tpu.memory_space<vmem>>
      %dma_start3A_1176 = arith.constant 40 : i32
      %dma_start3A_1177 = tpu.memref_slice %dma_start3A_1175[%dma_start3A_1176] : memref<80xi32, #tpu.memory_space<vmem>> -> memref<40xi32, #tpu.memory_space<vmem>>
      %dma_start3A_1178 = arith.constant 0 : i32
      %dma_start3A_1179 = arith.constant 0 : i32
      %dma_start3A_1180 = tpu.memref_slice %arg2[%dma_start3A_1178, %dma_start3A_1179] : memref<10000x128xf32, #tpu.memory_space<hbm>> -> memref<10000x128xf32, #tpu.memory_space<hbm>>
      tpu.enqueue_indirect_dma source(%dma_start3A_1180 : memref<10000x128xf32, #tpu.memory_space<hbm>>) target(%dma_start3A_1172 : memref<40x128xf32, #tpu.memory_space<vmem>>) offsets(%dma_start3A_1177 : memref<40xi32, #tpu.memory_space<vmem>>) semaphore(%arg16 : memref<!tpu.dma_semaphore, #tpu.memory_space<semaphore_mem>>)
      %scan3A_1181 = arith.constant 0 : i32
      scf.yield %scan3A_1181 : i32
    }
    %scan3A_91 = arith.constant 62 : i32
    %and3A_92 = arith.constant 24 : i32
    %and3A_93 = arith.constant 1 : i32
    %and3A_94 = arith.andi %and3A_92, %and3A_93 : i32
    %dma_wait3A_95 = arith.constant 4 : i32
    %dma_wait3A_96 = arith.constant 1 : i32
    %dma_wait3A_97 = arith.constant 0 : i32
    %dma_wait3A_98 = tpu.memref_slice %arg9[%and3A_94, %dma_wait3A_95, %dma_wait3A_96, %dma_wait3A_97] : memref<2x5x2x80xi32, #tpu.memory_space<vmem>> -> memref<1x1x1x80xi32, #tpu.memory_space<vmem>>
    %dma_wait3A_99 = tpu.memref_squeeze %dma_wait3A_98 : memref<1x1x1x80xi32, #tpu.memory_space<vmem>> -> memref<80xi32, #tpu.memory_space<vmem>>
    %dma_wait3A_100 = arith.constant 0 : i32
    %dma_wait3A_101 = arith.constant 0 : i32
    %dma_wait3A_102 = tpu.memref_slice %arg3[%dma_wait3A_100, %dma_wait3A_101] : memref<10000x128xf32, #tpu.memory_space<hbm>> -> memref<10000x128xf32, #tpu.memory_space<hbm>>
    tpu.wait_indirect_dma semaphore(%arg15 : memref<!tpu.dma_semaphore, #tpu.memory_space<semaphore_mem>>) src(%dma_wait3A_102 : memref<10000x128xf32, #tpu.memory_space<hbm>>) dst(%arg10 : memref<80x128xf32, #tpu.memory_space<vmem>>)
    %scan3A_103 = arith.constant 0 : i32
    %scan3A_104 = arith.constant 0 : i32
    %scan3A_105 = arith.constant 80 : i32
    %scan3A_106 = arith.addi %scan3A_104, %scan3A_105 : i32
    %scan3A_107 = arith.constant 1 : i32
    %scan3A_108 = scf.for %scan3A_355 = %scan3A_104 to %scan3A_106 step %scan3A_107 iter_args(%scan3A_356 = %scan3A_103) -> (i32)  : i32 {
      %get3A_357 = arith.index_cast %scan3A_355 : i32 to index
      %get3A_358 = arith.constant 0 : index
      %get3A_359 = tpu.vector_load %arg10[%get3A_357, %get3A_358] {strides = array<i32>} : memref<80x128xf32, #tpu.memory_space<vmem>>, vector<16xf32>,
      %max3A = arith.constant 0.000000e+00 : f32
      %max3A_360 = vector.broadcast %max3A : f32 to vector<16xf32>
      %max3A_361 = arith.maximumf %get3A_359, %max3A_360 : vector<16xf32>
      %swap3A = arith.index_cast %scan3A_355 : i32 to index
      %swap3A_362 = arith.constant 0 : index
      %swap3A_363 = tpu.vector_load %arg10[%swap3A, %swap3A_362] {strides = array<i32>} : memref<80x128xf32, #tpu.memory_space<vmem>>, vector<16xf32>,
      tpu.vector_store %arg10[%swap3A, %swap3A_362], %max3A_361 {strides = array<i32>} : memref<80x128xf32, #tpu.memory_space<vmem>>, vector<16xf32>,
      %get3A_364 = arith.index_cast %scan3A_355 : i32 to index
      %get3A_365 = arith.constant 16 : index
      %get3A_366 = tpu.vector_load %arg10[%get3A_364, %get3A_365] {strides = array<i32>} : memref<80x128xf32, #tpu.memory_space<vmem>>, vector<16xf32>,
      %max3A_367 = arith.constant 0.000000e+00 : f32
      %max3A_368 = vector.broadcast %max3A_367 : f32 to vector<16xf32>
      %max3A_369 = arith.maximumf %get3A_366, %max3A_368 : vector<16xf32>
      %swap3A_370 = arith.index_cast %scan3A_355 : i32 to index
      %swap3A_371 = arith.constant 16 : index
      %swap3A_372 = tpu.vector_load %arg10[%swap3A_370, %swap3A_371] {strides = array<i32>} : memref<80x128xf32, #tpu.memory_space<vmem>>, vector<16xf32>,
      tpu.vector_store %arg10[%swap3A_370, %swap3A_371], %max3A_369 {strides = array<i32>} : memref<80x128xf32, #tpu.memory_space<vmem>>, vector<16xf32>,
      %get3A_373 = arith.index_cast %scan3A_355 : i32 to index
      %get3A_374 = arith.constant 32 : index
      %get3A_375 = tpu.vector_load %arg10[%get3A_373, %get3A_374] {strides = array<i32>} : memref<80x128xf32, #tpu.memory_space<vmem>>, vector<16xf32>,
      %max3A_376 = arith.constant 0.000000e+00 : f32
      %max3A_377 = vector.broadcast %max3A_376 : f32 to vector<16xf32>
      %max3A_378 = arith.maximumf %get3A_375, %max3A_377 : vector<16xf32>
      %swap3A_379 = arith.index_cast %scan3A_355 : i32 to index
      %swap3A_380 = arith.constant 32 : index
      %swap3A_381 = tpu.vector_load %arg10[%swap3A_379, %swap3A_380] {strides = array<i32>} : memref<80x128xf32, #tpu.memory_space<vmem>>, vector<16xf32>,
      tpu.vector_store %arg10[%swap3A_379, %swap3A_380], %max3A_378 {strides = array<i32>} : memref<80x128xf32, #tpu.memory_space<vmem>>, vector<16xf32>,
      %get3A_382 = arith.index_cast %scan3A_355 : i32 to index
      %get3A_383 = arith.constant 48 : index
      %get3A_384 = tpu.vector_load %arg10[%get3A_382, %get3A_383] {strides = array<i32>} : memref<80x128xf32, #tpu.memory_space<vmem>>, vector<16xf32>,
      %max3A_385 = arith.constant 0.000000e+00 : f32
      %max3A_386 = vector.broadcast %max3A_385 : f32 to vector<16xf32>
      %max3A_387 = arith.maximumf %get3A_384, %max3A_386 : vector<16xf32>
      %swap3A_388 = arith.index_cast %scan3A_355 : i32 to index
      %swap3A_389 = arith.constant 48 : index
      %swap3A_390 = tpu.vector_load %arg10[%swap3A_388, %swap3A_389] {strides = array<i32>} : memref<80x128xf32, #tpu.memory_space<vmem>>, vector<16xf32>,
      tpu.vector_store %arg10[%swap3A_388, %swap3A_389], %max3A_387 {strides = array<i32>} : memref<80x128xf32, #tpu.memory_space<vmem>>, vector<16xf32>,
      %get3A_391 = arith.index_cast %scan3A_355 : i32 to index
      %get3A_392 = arith.constant 64 : index
      %get3A_393 = tpu.vector_load %arg10[%get3A_391, %get3A_392] {strides = array<i32>} : memref<80x128xf32, #tpu.memory_space<vmem>>, vector<16xf32>,
      %max3A_394 = arith.constant 0.000000e+00 : f32
      %max3A_395 = vector.broadcast %max3A_394 : f32 to vector<16xf32>
      %max3A_396 = arith.maximumf %get3A_393, %max3A_395 : vector<16xf32>
      %swap3A_397 = arith.index_cast %scan3A_355 : i32 to index
      %swap3A_398 = arith.constant 64 : index
      %swap3A_399 = tpu.vector_load %arg10[%swap3A_397, %swap3A_398] {strides = array<i32>} : memref<80x128xf32, #tpu.memory_space<vmem>>, vector<16xf32>,
      tpu.vector_store %arg10[%swap3A_397, %swap3A_398], %max3A_396 {strides = array<i32>} : memref<80x128xf32, #tpu.memory_space<vmem>>, vector<16xf32>,
      %get3A_400 = arith.index_cast %scan3A_355 : i32 to index
      %get3A_401 = arith.constant 80 : index
      %get3A_402 = tpu.vector_load %arg10[%get3A_400, %get3A_401] {strides = array<i32>} : memref<80x128xf32, #tpu.memory_space<vmem>>, vector<16xf32>,
      %max3A_403 = arith.constant 0.000000e+00 : f32
      %max3A_404 = vector.broadcast %max3A_403 : f32 to vector<16xf32>
      %max3A_405 = arith.maximumf %get3A_402, %max3A_404 : vector<16xf32>
      %swap3A_406 = arith.index_cast %scan3A_355 : i32 to index
      %swap3A_407 = arith.constant 80 : index
      %swap3A_408 = tpu.vector_load %arg10[%swap3A_406, %swap3A_407] {strides = array<i32>} : memref<80x128xf32, #tpu.memory_space<vmem>>, vector<16xf32>,
      tpu.vector_store %arg10[%swap3A_406, %swap3A_407], %max3A_405 {strides = array<i32>} : memref<80x128xf32, #tpu.memory_space<vmem>>, vector<16xf32>,
      %get3A_409 = arith.index_cast %scan3A_355 : i32 to index
      %get3A_410 = arith.constant 96 : index
      %get3A_411 = tpu.vector_load %arg10[%get3A_409, %get3A_410] {strides = array<i32>} : memref<80x128xf32, #tpu.memory_space<vmem>>, vector<16xf32>,
      %max3A_412 = arith.constant 0.000000e+00 : f32
      %max3A_413 = vector.broadcast %max3A_412 : f32 to vector<16xf32>
      %max3A_414 = arith.maximumf %get3A_411, %max3A_413 : vector<16xf32>
      %swap3A_415 = arith.index_cast %scan3A_355 : i32 to index
      %swap3A_416 = arith.constant 96 : index
      %swap3A_417 = tpu.vector_load %arg10[%swap3A_415, %swap3A_416] {strides = array<i32>} : memref<80x128xf32, #tpu.memory_space<vmem>>, vector<16xf32>,
      tpu.vector_store %arg10[%swap3A_415, %swap3A_416], %max3A_414 {strides = array<i32>} : memref<80x128xf32, #tpu.memory_space<vmem>>, vector<16xf32>,
      %get3A_418 = arith.index_cast %scan3A_355 : i32 to index
      %get3A_419 = arith.constant 112 : index
      %get3A_420 = tpu.vector_load %arg10[%get3A_418, %get3A_419] {strides = array<i32>} : memref<80x128xf32, #tpu.memory_space<vmem>>, vector<16xf32>,
      %max3A_421 = arith.constant 0.000000e+00 : f32
      %max3A_422 = vector.broadcast %max3A_421 : f32 to vector<16xf32>
      %max3A_423 = arith.maximumf %get3A_420, %max3A_422 : vector<16xf32>
      %swap3A_424 = arith.index_cast %scan3A_355 : i32 to index
      %swap3A_425 = arith.constant 112 : index
      %swap3A_426 = tpu.vector_load %arg10[%swap3A_424, %swap3A_425] {strides = array<i32>} : memref<80x128xf32, #tpu.memory_space<vmem>>, vector<16xf32>,
      tpu.vector_store %arg10[%swap3A_424, %swap3A_425], %max3A_423 {strides = array<i32>} : memref<80x128xf32, #tpu.memory_space<vmem>>, vector<16xf32>,
      %scan3A_427 = arith.constant 0 : i32
      scf.yield %scan3A_427 : i32
    }
    %scan3A_109 = arith.constant 80 : i32
    %and3A_110 = arith.constant 24 : i32
    %and3A_111 = arith.constant 1 : i32
    %and3A_112 = arith.andi %and3A_110, %and3A_111 : i32
    %dma_start3A_113 = arith.constant 4 : i32
    %dma_start3A_114 = arith.constant 0 : i32
    %dma_start3A_115 = arith.constant 0 : i32
    %dma_start3A_116 = tpu.memref_slice %arg9[%and3A_112, %dma_start3A_113, %dma_start3A_114, %dma_start3A_115] : memref<2x5x2x80xi32, #tpu.memory_space<vmem>> -> memref<1x1x1x80xi32, #tpu.memory_space<vmem>>
    %dma_start3A_117 = tpu.memref_squeeze %dma_start3A_116 : memref<1x1x1x80xi32, #tpu.memory_space<vmem>> -> memref<80xi32, #tpu.memory_space<vmem>>
    %dma_start3A_118 = arith.constant 0 : i32
    %dma_start3A_119 = arith.constant 0 : i32
    %dma_start3A_120 = tpu.memref_slice %arg7[%dma_start3A_118, %dma_start3A_119] : memref<10240x128xf32, #tpu.memory_space<vmem_shared>> -> memref<10240x128xf32, #tpu.memory_space<vmem_shared>>
    tpu.enqueue_indirect_dma source(%arg10 : memref<80x128xf32, #tpu.memory_space<vmem>>) target(%dma_start3A_120 : memref<10240x128xf32, #tpu.memory_space<vmem_shared>>) offsets(%dma_start3A_117 : memref<80xi32, #tpu.memory_space<vmem>>) semaphore(%arg17 : memref<!tpu.dma_semaphore, #tpu.memory_space<semaphore_mem>>) {add = true}
    %and3A_121 = arith.constant 24 : i32
    %and3A_122 = arith.constant 1 : i32
    %and3A_123 = arith.andi %and3A_121, %and3A_122 : i32
    %get3A = arith.constant 4 : i32
    %get3A_124 = arith.constant 0 : i32
    %get3A_125 = arith.index_cast %and3A_123 : i32 to index
    %get3A_126 = arith.index_cast %get3A : i32 to index
    %get3A_127 = arith.index_cast %get3A_124 : i32 to index
    %get3A_128 = arith.constant 0 : index
    %get3A_129 = tpu.vector_load %arg9[%get3A_125, %get3A_126, %get3A_127, %get3A_128] {strides = array<i32>} : memref<2x5x2x80xi32, #tpu.memory_space<vmem>>, vector<16xi32>,
    tpu.vector_store_idx %arg12[%get3A_129], %broadcast_in_dim3A_23 {add = true} : memref<10240xf32, #tpu.memory_space<vmem>>[vector<16xi32>], vector<16xf32>,
    %get3A_130 = arith.constant 4 : i32
    %get3A_131 = arith.constant 0 : i32
    %get3A_132 = arith.index_cast %and3A_123 : i32 to index
    %get3A_133 = arith.index_cast %get3A_130 : i32 to index
    %get3A_134 = arith.index_cast %get3A_131 : i32 to index
    %get3A_135 = arith.constant 16 : index
    %get3A_136 = tpu.vector_load %arg9[%get3A_132, %get3A_133, %get3A_134, %get3A_135] {strides = array<i32>} : memref<2x5x2x80xi32, #tpu.memory_space<vmem>>, vector<16xi32>,
    tpu.vector_store_idx %arg12[%get3A_136], %broadcast_in_dim3A_23 {add = true} : memref<10240xf32, #tpu.memory_space<vmem>>[vector<16xi32>], vector<16xf32>,
    %get3A_137 = arith.constant 4 : i32
    %get3A_138 = arith.constant 0 : i32
    %get3A_139 = arith.index_cast %and3A_123 : i32 to index
    %get3A_140 = arith.index_cast %get3A_137 : i32 to index
    %get3A_141 = arith.index_cast %get3A_138 : i32 to index
    %get3A_142 = arith.constant 32 : index
    %get3A_143 = tpu.vector_load %arg9[%get3A_139, %get3A_140, %get3A_141, %get3A_142] {strides = array<i32>} : memref<2x5x2x80xi32, #tpu.memory_space<vmem>>, vector<16xi32>,
    tpu.vector_store_idx %arg12[%get3A_143], %broadcast_in_dim3A_23 {add = true} : memref<10240xf32, #tpu.memory_space<vmem>>[vector<16xi32>], vector<16xf32>,
    %get3A_144 = arith.constant 4 : i32
    %get3A_145 = arith.constant 0 : i32
    %get3A_146 = arith.index_cast %and3A_123 : i32 to index
    %get3A_147 = arith.index_cast %get3A_144 : i32 to index
    %get3A_148 = arith.index_cast %get3A_145 : i32 to index
    %get3A_149 = arith.constant 48 : index
    %get3A_150 = tpu.vector_load %arg9[%get3A_146, %get3A_147, %get3A_148, %get3A_149] {strides = array<i32>} : memref<2x5x2x80xi32, #tpu.memory_space<vmem>>, vector<16xi32>,
    tpu.vector_store_idx %arg12[%get3A_150], %broadcast_in_dim3A_23 {add = true} : memref<10240xf32, #tpu.memory_space<vmem>>[vector<16xi32>], vector<16xf32>,
    %get3A_151 = arith.constant 4 : i32
    %get3A_152 = arith.constant 0 : i32
    %get3A_153 = arith.index_cast %and3A_123 : i32 to index
    %get3A_154 = arith.index_cast %get3A_151 : i32 to index
    %get3A_155 = arith.index_cast %get3A_152 : i32 to index
    %get3A_156 = arith.constant 64 : index
    %get3A_157 = tpu.vector_load %arg9[%get3A_153, %get3A_154, %get3A_155, %get3A_156] {strides = array<i32>} : memref<2x5x2x80xi32, #tpu.memory_space<vmem>>, vector<16xi32>,
    tpu.vector_store_idx %arg12[%get3A_157], %broadcast_in_dim3A_23 {add = true} : memref<10240xf32, #tpu.memory_space<vmem>>[vector<16xi32>], vector<16xf32>,
    %and3A_158 = arith.constant 24 : i32
    %and3A_159 = arith.constant 1 : i32
    %and3A_160 = arith.andi %and3A_158, %and3A_159 : i32
    %dma_wait3A_161 = arith.constant 4 : i32
    %dma_wait3A_162 = arith.constant 0 : i32
    %dma_wait3A_163 = arith.constant 0 : i32
    %dma_wait3A_164 = tpu.memref_slice %arg9[%and3A_160, %dma_wait3A_161, %dma_wait3A_162, %dma_wait3A_163] : memref<2x5x2x80xi32, #tpu.memory_space<vmem>> -> memref<1x1x1x80xi32, #tpu.memory_space<vmem>>
    %dma_wait3A_165 = tpu.memref_squeeze %dma_wait3A_164 : memref<1x1x1x80xi32, #tpu.memory_space<vmem>> -> memref<80xi32, #tpu.memory_space<vmem>>
    %dma_wait3A_166 = arith.constant 0 : i32
    %dma_wait3A_167 = arith.constant 0 : i32
    %dma_wait3A_168 = tpu.memref_slice %arg7[%dma_wait3A_166, %dma_wait3A_167] : memref<10240x128xf32, #tpu.memory_space<vmem_shared>> -> memref<10240x128xf32, #tpu.memory_space<vmem_shared>>
    tpu.wait_indirect_dma semaphore(%arg17 : memref<!tpu.dma_semaphore, #tpu.memory_space<semaphore_mem>>) src(%arg10 : memref<80x128xf32, #tpu.memory_space<vmem>>) dst(%dma_wait3A_168 : memref<10240x128xf32, #tpu.memory_space<vmem_shared>>)
    %and3A_169 = arith.constant 24 : i32
    %and3A_170 = arith.constant 1 : i32
    %and3A_171 = arith.andi %and3A_169, %and3A_170 : i32
    %dma_wait3A_172 = arith.constant 4 : i32
    %dma_wait3A_173 = arith.constant 0 : i32
    %dma_wait3A_174 = arith.constant 0 : i32
    %dma_wait3A_175 = tpu.memref_slice %arg9[%and3A_171, %dma_wait3A_172, %dma_wait3A_173, %dma_wait3A_174] : memref<2x5x2x80xi32, #tpu.memory_space<vmem>> -> memref<1x1x1x80xi32, #tpu.memory_space<vmem>>
    %dma_wait3A_176 = tpu.memref_squeeze %dma_wait3A_175 : memref<1x1x1x80xi32, #tpu.memory_space<vmem>> -> memref<80xi32, #tpu.memory_space<vmem>>
    %dma_wait3A_177 = arith.constant 0 : i32
    %dma_wait3A_178 = arith.constant 0 : i32
    %dma_wait3A_179 = tpu.memref_slice %arg2[%dma_wait3A_177, %dma_wait3A_178] : memref<10000x128xf32, #tpu.memory_space<hbm>> -> memref<10000x128xf32, #tpu.memory_space<hbm>>
    tpu.wait_indirect_dma semaphore(%arg16 : memref<!tpu.dma_semaphore, #tpu.memory_space<semaphore_mem>>) src(%dma_wait3A_179 : memref<10000x128xf32, #tpu.memory_space<hbm>>) dst(%arg11 : memref<80x128xf32, #tpu.memory_space<vmem>>)
    "tpu.region"() ({
      %run_scoped3A_355 = tpu.sem_alloc : memref<!tpu.dma_semaphore, #tpu.memory_space<semaphore_mem>>
      %dma_start3A_356 = arith.constant 0 : i32
      %dma_start3A_357 = tpu.memref_slice %arg8[%arg1, %dma_start3A_356] : memref<16x10240xf32, #tpu.memory_space<vmem_shared>> -> memref<1x10240xf32, #tpu.memory_space<vmem_shared>>
      %dma_start3A_358 = tpu.memref_squeeze %dma_start3A_357 : memref<1x10240xf32, #tpu.memory_space<vmem_shared>> -> memref<10240xf32, #tpu.memory_space<vmem_shared>>
      %dma_start3A_359 = arith.constant 0 : i32
      %dma_start3A_360 = tpu.memref_slice %arg8[%arg1, %dma_start3A_359] : memref<16x10240xf32, #tpu.memory_space<vmem_shared>> -> memref<1x10240xf32, #tpu.memory_space<vmem_shared>>
      %dma_start3A_361 = tpu.memref_squeeze %dma_start3A_360 : memref<1x10240xf32, #tpu.memory_space<vmem_shared>> -> memref<10240xf32, #tpu.memory_space<vmem_shared>>
      tpu.enqueue_dma source(%arg12 : memref<10240xf32, #tpu.memory_space<vmem>>) target(%dma_start3A_361 : memref<10240xf32, #tpu.memory_space<vmem_shared>>) target_semaphore(%run_scoped3A_355 : memref<!tpu.dma_semaphore, #tpu.memory_space<semaphore_mem>>)
      %dma_wait3A_362 = arith.constant 0 : i32
      %dma_wait3A_363 = tpu.memref_slice %arg8[%arg1, %dma_wait3A_362] : memref<16x10240xf32, #tpu.memory_space<vmem_shared>> -> memref<1x10240xf32, #tpu.memory_space<vmem_shared>>
      %dma_wait3A_364 = tpu.memref_squeeze %dma_wait3A_363 : memref<1x10240xf32, #tpu.memory_space<vmem_shared>> -> memref<10240xf32, #tpu.memory_space<vmem_shared>>
      %dma_wait3A_365 = arith.constant 0 : i32
      %dma_wait3A_366 = tpu.memref_slice %arg8[%arg1, %dma_wait3A_365] : memref<16x10240xf32, #tpu.memory_space<vmem_shared>> -> memref<1x10240xf32, #tpu.memory_space<vmem_shared>>
      %dma_wait3A_367 = tpu.memref_squeeze %dma_wait3A_366 : memref<1x10240xf32, #tpu.memory_space<vmem_shared>> -> memref<10240xf32, #tpu.memory_space<vmem_shared>>
      tpu.wait_dma2 semaphore(%run_scoped3A_355 : memref<!tpu.dma_semaphore, #tpu.memory_space<semaphore_mem>>) src(%arg12 : memref<10240xf32, #tpu.memory_space<vmem>>) dst(%dma_wait3A_367 : memref<10240xf32, #tpu.memory_space<vmem_shared>>)
      tpu.yield
    }) : () -> ()
    %barrier3A_180 = arith.constant 0 : index
    tpu.barrier barrier_id(%barrier3A_180)
    %scan3A_181 = arith.constant 0 : i32
    %scan3A_182 = arith.constant 0 : i32
    %scan3A_183 = arith.constant 8 : i32
    %scan3A_184 = arith.addi %scan3A_182, %scan3A_183 : i32
    %scan3A_185 = arith.constant 1 : i32
    %scan3A_186 = scf.for %scan3A_355 = %scan3A_182 to %scan3A_184 step %scan3A_185 iter_args(%scan3A_356 = %scan3A_181) -> (i32)  : i32 {
      %mul3A_357 = arith.constant 640 : i32
      %mul3A_358 = arith.muli %arg1, %mul3A_357 : i32
      %mul3A_359 = arith.constant 80 : i32
      %mul3A_360 = arith.muli %scan3A_355, %mul3A_359 : i32
      %add3A_361 = arith.addi %mul3A_358, %mul3A_360 : i32
      "tpu.region"() ({
        %run_scoped3A_363 = tpu.sem_alloc : memref<!tpu.dma_semaphore, #tpu.memory_space<semaphore_mem>>
        %dma_start3A_364 = arith.constant 0 : i32
        %dma_start3A_365 = tpu.memref_slice %arg7[%add3A_361, %dma_start3A_364] : memref<10240x128xf32, #tpu.memory_space<vmem_shared>> -> memref<80x128xf32, #tpu.memory_space<vmem_shared>>
        %dma_start3A_366 = arith.constant 0 : i32
        %dma_start3A_367 = tpu.memref_slice %arg7[%add3A_361, %dma_start3A_366] : memref<10240x128xf32, #tpu.memory_space<vmem_shared>> -> memref<80x128xf32, #tpu.memory_space<vmem_shared>>
        tpu.enqueue_dma source(%dma_start3A_367 : memref<80x128xf32, #tpu.memory_space<vmem_shared>>) target(%arg10 : memref<80x128xf32, #tpu.memory_space<vmem>>) target_semaphore(%run_scoped3A_363 : memref<!tpu.dma_semaphore, #tpu.memory_space<semaphore_mem>>)
        %dma_wait3A_368 = arith.constant 0 : i32
        %dma_wait3A_369 = tpu.memref_slice %arg7[%add3A_361, %dma_wait3A_368] : memref<10240x128xf32, #tpu.memory_space<vmem_shared>> -> memref<80x128xf32, #tpu.memory_space<vmem_shared>>
        %dma_wait3A_370 = arith.constant 0 : i32
        %dma_wait3A_371 = tpu.memref_slice %arg7[%add3A_361, %dma_wait3A_370] : memref<10240x128xf32, #tpu.memory_space<vmem_shared>> -> memref<80x128xf32, #tpu.memory_space<vmem_shared>>
        tpu.wait_dma2 semaphore(%run_scoped3A_363 : memref<!tpu.dma_semaphore, #tpu.memory_space<semaphore_mem>>) src(%dma_wait3A_371 : memref<80x128xf32, #tpu.memory_space<vmem_shared>>) dst(%arg10 : memref<80x128xf32, #tpu.memory_space<vmem>>)
        tpu.yield
      }) : () -> ()
      "tpu.region"() ({
        %run_scoped3A_363 = tpu.sem_alloc : memref<!tpu.dma_semaphore, #tpu.memory_space<semaphore_mem>>
        %dma_start3A_364 = arith.constant 0 : i32
        %dma_start3A_365 = tpu.memref_slice %arg5[%arg0, %add3A_361, %dma_start3A_364] : memref<2x10240x128xf32, #tpu.memory_space<hbm>> -> memref<1x80x128xf32, #tpu.memory_space<hbm>>
        %dma_start3A_366 = tpu.memref_squeeze %dma_start3A_365 : memref<1x80x128xf32, #tpu.memory_space<hbm>> -> memref<80x128xf32, #tpu.memory_space<hbm>>
        %dma_start3A_367 = arith.constant 0 : i32
        %dma_start3A_368 = tpu.memref_slice %arg5[%arg0, %add3A_361, %dma_start3A_367] : memref<2x10240x128xf32, #tpu.memory_space<hbm>> -> memref<1x80x128xf32, #tpu.memory_space<hbm>>
        %dma_start3A_369 = tpu.memref_squeeze %dma_start3A_368 : memref<1x80x128xf32, #tpu.memory_space<hbm>> -> memref<80x128xf32, #tpu.memory_space<hbm>>
        tpu.enqueue_dma source(%arg10 : memref<80x128xf32, #tpu.memory_space<vmem>>) target(%dma_start3A_369 : memref<80x128xf32, #tpu.memory_space<hbm>>) target_semaphore(%run_scoped3A_363 : memref<!tpu.dma_semaphore, #tpu.memory_space<semaphore_mem>>)
        %dma_wait3A_370 = arith.constant 0 : i32
        %dma_wait3A_371 = tpu.memref_slice %arg5[%arg0, %add3A_361, %dma_wait3A_370] : memref<2x10240x128xf32, #tpu.memory_space<hbm>> -> memref<1x80x128xf32, #tpu.memory_space<hbm>>
        %dma_wait3A_372 = tpu.memref_squeeze %dma_wait3A_371 : memref<1x80x128xf32, #tpu.memory_space<hbm>> -> memref<80x128xf32, #tpu.memory_space<hbm>>
        %dma_wait3A_373 = arith.constant 0 : i32
        %dma_wait3A_374 = tpu.memref_slice %arg5[%arg0, %add3A_361, %dma_wait3A_373] : memref<2x10240x128xf32, #tpu.memory_space<hbm>> -> memref<1x80x128xf32, #tpu.memory_space<hbm>>
        %dma_wait3A_375 = tpu.memref_squeeze %dma_wait3A_374 : memref<1x80x128xf32, #tpu.memory_space<hbm>> -> memref<80x128xf32, #tpu.memory_space<hbm>>
        tpu.wait_dma2 semaphore(%run_scoped3A_363 : memref<!tpu.dma_semaphore, #tpu.memory_space<semaphore_mem>>) src(%arg10 : memref<80x128xf32, #tpu.memory_space<vmem>>) dst(%dma_wait3A_375 : memref<80x128xf32, #tpu.memory_space<hbm>>)
        tpu.yield
      }) : () -> ()
      %scan3A_362 = arith.constant 0 : i32
      scf.yield %scan3A_362 : i32
    }
    %scan3A_187 = arith.constant 8 : i32
    %scan3A_188 = arith.constant 0 : i32
    %scan3A_189 = arith.constant 0 : i32
    %scan3A_190 = arith.constant 40 : i32
    %scan3A_191 = arith.addi %scan3A_189, %scan3A_190 : i32
    %scan3A_192 = arith.constant 1 : i32
    %scan3A_193 = scf.for %scan3A_355 = %scan3A_189 to %scan3A_191 step %scan3A_192 iter_args(%scan3A_356 = %scan3A_188) -> (i32)  : i32 {
      %broadcast_in_dim3A_357 = arith.constant 0.000000e+00 : f32
      %broadcast_in_dim3A_358 = vector.broadcast %broadcast_in_dim3A_357 : f32 to vector<16xf32>
      %mul3A_359 = arith.constant 16 : i32
      %mul3A_360 = arith.muli %scan3A_355, %mul3A_359 : i32
      %swap3A = arith.index_cast %mul3A_360 : i32 to index
      %swap3A_361 = tpu.vector_load %arg14[%swap3A] {strides = array<i32>} : memref<640xf32, #tpu.memory_space<vmem>>, vector<16xf32>,
      tpu.vector_store %arg14[%swap3A], %broadcast_in_dim3A_358 {strides = array<i32>} : memref<640xf32, #tpu.memory_space<vmem>>, vector<16xf32>,
      %scan3A_362 = arith.constant 0 : i32
      scf.yield %scan3A_362 : i32
    }
    %scan3A_194 = arith.constant 40 : i32
    %mul3A_195 = arith.constant 640 : i32
    %mul3A_196 = arith.muli %arg1, %mul3A_195 : i32
    %run_scoped3A_197 = arith.constant 0 : i32
    "tpu.region"() ({
      %run_scoped3A_355 = tpu.sem_alloc : memref<!tpu.dma_semaphore, #tpu.memory_space<semaphore_mem>>
      %dma_start3A_356 = tpu.memref_slice %arg8[%run_scoped3A_197, %mul3A_196] : memref<16x10240xf32, #tpu.memory_space<vmem_shared>> -> memref<1x640xf32, #tpu.memory_space<vmem_shared>>
      %dma_start3A_357 = tpu.memref_squeeze %dma_start3A_356 : memref<1x640xf32, #tpu.memory_space<vmem_shared>> -> memref<640xf32, #tpu.memory_space<vmem_shared>>
      %dma_start3A_358 = tpu.memref_slice %arg8[%run_scoped3A_197, %mul3A_196] : memref<16x10240xf32, #tpu.memory_space<vmem_shared>> -> memref<1x640xf32, #tpu.memory_space<vmem_shared>>
      %dma_start3A_359 = tpu.memref_squeeze %dma_start3A_358 : memref<1x640xf32, #tpu.memory_space<vmem_shared>> -> memref<640xf32, #tpu.memory_space<vmem_shared>>
      tpu.enqueue_dma source(%dma_start3A_359 : memref<640xf32, #tpu.memory_space<vmem_shared>>) target(%arg13 : memref<640xf32, #tpu.memory_space<vmem>>) target_semaphore(%run_scoped3A_355 : memref<!tpu.dma_semaphore, #tpu.memory_space<semaphore_mem>>)
      %dma_wait3A_360 = tpu.memref_slice %arg8[%run_scoped3A_197, %mul3A_196] : memref<16x10240xf32, #tpu.memory_space<vmem_shared>> -> memref<1x640xf32, #tpu.memory_space<vmem_shared>>
      %dma_wait3A_361 = tpu.memref_squeeze %dma_wait3A_360 : memref<1x640xf32, #tpu.memory_space<vmem_shared>> -> memref<640xf32, #tpu.memory_space<vmem_shared>>
      %dma_wait3A_362 = tpu.memref_slice %arg8[%run_scoped3A_197, %mul3A_196] : memref<16x10240xf32, #tpu.memory_space<vmem_shared>> -> memref<1x640xf32, #tpu.memory_space<vmem_shared>>
      %dma_wait3A_363 = tpu.memref_squeeze %dma_wait3A_362 : memref<1x640xf32, #tpu.memory_space<vmem_shared>> -> memref<640xf32, #tpu.memory_space<vmem_shared>>
      tpu.wait_dma2 semaphore(%run_scoped3A_355 : memref<!tpu.dma_semaphore, #tpu.memory_space<semaphore_mem>>) src(%dma_wait3A_363 : memref<640xf32, #tpu.memory_space<vmem_shared>>) dst(%arg13 : memref<640xf32, #tpu.memory_space<vmem>>)
      tpu.yield
    }) : () -> ()
    %scan3A_198 = arith.constant 0 : i32
    %scan3A_199 = arith.constant 0 : i32
    %scan3A_200 = arith.constant 40 : i32
    %scan3A_201 = arith.addi %scan3A_199, %scan3A_200 : i32
    %scan3A_202 = arith.constant 1 : i32
    %scan3A_203 = scf.for %scan3A_355 = %scan3A_199 to %scan3A_201 step %scan3A_202 iter_args(%scan3A_356 = %scan3A_198) -> (i32)  : i32 {
      %mul3A_357 = arith.constant 16 : i32
      %mul3A_358 = arith.muli %scan3A_355, %mul3A_357 : i32
      %get3A_359 = arith.index_cast %mul3A_358 : i32 to index
      %get3A_360 = tpu.vector_load %arg14[%get3A_359] {strides = array<i32>} : memref<640xf32, #tpu.memory_space<vmem>>, vector<16xf32>,
      %get3A_361 = arith.index_cast %mul3A_358 : i32 to index
      %get3A_362 = tpu.vector_load %arg13[%get3A_361] {strides = array<i32>} : memref<640xf32, #tpu.memory_space<vmem>>, vector<16xf32>,
      %add3A_363 = arith.addf %get3A_360, %get3A_362 : vector<16xf32>
      %swap3A = arith.index_cast %mul3A_358 : i32 to index
      %swap3A_364 = tpu.vector_load %arg14[%swap3A] {strides = array<i32>} : memref<640xf32, #tpu.memory_space<vmem>>, vector<16xf32>,
      tpu.vector_store %arg14[%swap3A], %add3A_363 {strides = array<i32>} : memref<640xf32, #tpu.memory_space<vmem>>, vector<16xf32>,
      %scan3A_365 = arith.constant 0 : i32
      scf.yield %scan3A_365 : i32
    }
    %scan3A_204 = arith.constant 40 : i32
    %mul3A_205 = arith.constant 640 : i32
    %mul3A_206 = arith.muli %arg1, %mul3A_205 : i32
    %run_scoped3A_207 = arith.constant 1 : i32
    "tpu.region"() ({
      %run_scoped3A_355 = tpu.sem_alloc : memref<!tpu.dma_semaphore, #tpu.memory_space<semaphore_mem>>
      %dma_start3A_356 = tpu.memref_slice %arg8[%run_scoped3A_207, %mul3A_206] : memref<16x10240xf32, #tpu.memory_space<vmem_shared>> -> memref<1x640xf32, #tpu.memory_space<vmem_shared>>
      %dma_start3A_357 = tpu.memref_squeeze %dma_start3A_356 : memref<1x640xf32, #tpu.memory_space<vmem_shared>> -> memref<640xf32, #tpu.memory_space<vmem_shared>>
      %dma_start3A_358 = tpu.memref_slice %arg8[%run_scoped3A_207, %mul3A_206] : memref<16x10240xf32, #tpu.memory_space<vmem_shared>> -> memref<1x640xf32, #tpu.memory_space<vmem_shared>>
      %dma_start3A_359 = tpu.memref_squeeze %dma_start3A_358 : memref<1x640xf32, #tpu.memory_space<vmem_shared>> -> memref<640xf32, #tpu.memory_space<vmem_shared>>
      tpu.enqueue_dma source(%dma_start3A_359 : memref<640xf32, #tpu.memory_space<vmem_shared>>) target(%arg13 : memref<640xf32, #tpu.memory_space<vmem>>) target_semaphore(%run_scoped3A_355 : memref<!tpu.dma_semaphore, #tpu.memory_space<semaphore_mem>>)
      %dma_wait3A_360 = tpu.memref_slice %arg8[%run_scoped3A_207, %mul3A_206] : memref<16x10240xf32, #tpu.memory_space<vmem_shared>> -> memref<1x640xf32, #tpu.memory_space<vmem_shared>>
      %dma_wait3A_361 = tpu.memref_squeeze %dma_wait3A_360 : memref<1x640xf32, #tpu.memory_space<vmem_shared>> -> memref<640xf32, #tpu.memory_space<vmem_shared>>
      %dma_wait3A_362 = tpu.memref_slice %arg8[%run_scoped3A_207, %mul3A_206] : memref<16x10240xf32, #tpu.memory_space<vmem_shared>> -> memref<1x640xf32, #tpu.memory_space<vmem_shared>>
      %dma_wait3A_363 = tpu.memref_squeeze %dma_wait3A_362 : memref<1x640xf32, #tpu.memory_space<vmem_shared>> -> memref<640xf32, #tpu.memory_space<vmem_shared>>
      tpu.wait_dma2 semaphore(%run_scoped3A_355 : memref<!tpu.dma_semaphore, #tpu.memory_space<semaphore_mem>>) src(%dma_wait3A_363 : memref<640xf32, #tpu.memory_space<vmem_shared>>) dst(%arg13 : memref<640xf32, #tpu.memory_space<vmem>>)
      tpu.yield
    }) : () -> ()
    %scan3A_208 = arith.constant 0 : i32
    %scan3A_209 = arith.constant 0 : i32
    %scan3A_210 = arith.constant 40 : i32
    %scan3A_211 = arith.addi %scan3A_209, %scan3A_210 : i32
    %scan3A_212 = arith.constant 1 : i32
    %scan3A_213 = scf.for %scan3A_355 = %scan3A_209 to %scan3A_211 step %scan3A_212 iter_args(%scan3A_356 = %scan3A_208) -> (i32)  : i32 {
      %mul3A_357 = arith.constant 16 : i32
      %mul3A_358 = arith.muli %scan3A_355, %mul3A_357 : i32
      %get3A_359 = arith.index_cast %mul3A_358 : i32 to index
      %get3A_360 = tpu.vector_load %arg14[%get3A_359] {strides = array<i32>} : memref<640xf32, #tpu.memory_space<vmem>>, vector<16xf32>,
      %get3A_361 = arith.index_cast %mul3A_358 : i32 to index
      %get3A_362 = tpu.vector_load %arg13[%get3A_361] {strides = array<i32>} : memref<640xf32, #tpu.memory_space<vmem>>, vector<16xf32>,
      %add3A_363 = arith.addf %get3A_360, %get3A_362 : vector<16xf32>
      %swap3A = arith.index_cast %mul3A_358 : i32 to index
      %swap3A_364 = tpu.vector_load %arg14[%swap3A] {strides = array<i32>} : memref<640xf32, #tpu.memory_space<vmem>>, vector<16xf32>,
      tpu.vector_store %arg14[%swap3A], %add3A_363 {strides = array<i32>} : memref<640xf32, #tpu.memory_space<vmem>>, vector<16xf32>,
      %scan3A_365 = arith.constant 0 : i32
      scf.yield %scan3A_365 : i32
    }
    %scan3A_214 = arith.constant 40 : i32
    %mul3A_215 = arith.constant 640 : i32
    %mul3A_216 = arith.muli %arg1, %mul3A_215 : i32
    %run_scoped3A_217 = arith.constant 2 : i32
    "tpu.region"() ({
      %run_scoped3A_355 = tpu.sem_alloc : memref<!tpu.dma_semaphore, #tpu.memory_space<semaphore_mem>>
      %dma_start3A_356 = tpu.memref_slice %arg8[%run_scoped3A_217, %mul3A_216] : memref<16x10240xf32, #tpu.memory_space<vmem_shared>> -> memref<1x640xf32, #tpu.memory_space<vmem_shared>>
      %dma_start3A_357 = tpu.memref_squeeze %dma_start3A_356 : memref<1x640xf32, #tpu.memory_space<vmem_shared>> -> memref<640xf32, #tpu.memory_space<vmem_shared>>
      %dma_start3A_358 = tpu.memref_slice %arg8[%run_scoped3A_217, %mul3A_216] : memref<16x10240xf32, #tpu.memory_space<vmem_shared>> -> memref<1x640xf32, #tpu.memory_space<vmem_shared>>
      %dma_start3A_359 = tpu.memref_squeeze %dma_start3A_358 : memref<1x640xf32, #tpu.memory_space<vmem_shared>> -> memref<640xf32, #tpu.memory_space<vmem_shared>>
      tpu.enqueue_dma source(%dma_start3A_359 : memref<640xf32, #tpu.memory_space<vmem_shared>>) target(%arg13 : memref<640xf32, #tpu.memory_space<vmem>>) target_semaphore(%run_scoped3A_355 : memref<!tpu.dma_semaphore, #tpu.memory_space<semaphore_mem>>)
      %dma_wait3A_360 = tpu.memref_slice %arg8[%run_scoped3A_217, %mul3A_216] : memref<16x10240xf32, #tpu.memory_space<vmem_shared>> -> memref<1x640xf32, #tpu.memory_space<vmem_shared>>
      %dma_wait3A_361 = tpu.memref_squeeze %dma_wait3A_360 : memref<1x640xf32, #tpu.memory_space<vmem_shared>> -> memref<640xf32, #tpu.memory_space<vmem_shared>>
      %dma_wait3A_362 = tpu.memref_slice %arg8[%run_scoped3A_217, %mul3A_216] : memref<16x10240xf32, #tpu.memory_space<vmem_shared>> -> memref<1x640xf32, #tpu.memory_space<vmem_shared>>
      %dma_wait3A_363 = tpu.memref_squeeze %dma_wait3A_362 : memref<1x640xf32, #tpu.memory_space<vmem_shared>> -> memref<640xf32, #tpu.memory_space<vmem_shared>>
      tpu.wait_dma2 semaphore(%run_scoped3A_355 : memref<!tpu.dma_semaphore, #tpu.memory_space<semaphore_mem>>) src(%dma_wait3A_363 : memref<640xf32, #tpu.memory_space<vmem_shared>>) dst(%arg13 : memref<640xf32, #tpu.memory_space<vmem>>)
      tpu.yield
    }) : () -> ()
    %scan3A_218 = arith.constant 0 : i32
    %scan3A_219 = arith.constant 0 : i32
    %scan3A_220 = arith.constant 40 : i32
    %scan3A_221 = arith.addi %scan3A_219, %scan3A_220 : i32
    %scan3A_222 = arith.constant 1 : i32
    %scan3A_223 = scf.for %scan3A_355 = %scan3A_219 to %scan3A_221 step %scan3A_222 iter_args(%scan3A_356 = %scan3A_218) -> (i32)  : i32 {
      %mul3A_357 = arith.constant 16 : i32
      %mul3A_358 = arith.muli %scan3A_355, %mul3A_357 : i32
      %get3A_359 = arith.index_cast %mul3A_358 : i32 to index
      %get3A_360 = tpu.vector_load %arg14[%get3A_359] {strides = array<i32>} : memref<640xf32, #tpu.memory_space<vmem>>, vector<16xf32>,
      %get3A_361 = arith.index_cast %mul3A_358 : i32 to index
      %get3A_362 = tpu.vector_load %arg13[%get3A_361] {strides = array<i32>} : memref<640xf32, #tpu.memory_space<vmem>>, vector<16xf32>,
      %add3A_363 = arith.addf %get3A_360, %get3A_362 : vector<16xf32>
      %swap3A = arith.index_cast %mul3A_358 : i32 to index
      %swap3A_364 = tpu.vector_load %arg14[%swap3A] {strides = array<i32>} : memref<640xf32, #tpu.memory_space<vmem>>, vector<16xf32>,
      tpu.vector_store %arg14[%swap3A], %add3A_363 {strides = array<i32>} : memref<640xf32, #tpu.memory_space<vmem>>, vector<16xf32>,
      %scan3A_365 = arith.constant 0 : i32
      scf.yield %scan3A_365 : i32
    }
    %scan3A_224 = arith.constant 40 : i32
    %mul3A_225 = arith.constant 640 : i32
    %mul3A_226 = arith.muli %arg1, %mul3A_225 : i32
    %run_scoped3A_227 = arith.constant 3 : i32
    "tpu.region"() ({
      %run_scoped3A_355 = tpu.sem_alloc : memref<!tpu.dma_semaphore, #tpu.memory_space<semaphore_mem>>
      %dma_start3A_356 = tpu.memref_slice %arg8[%run_scoped3A_227, %mul3A_226] : memref<16x10240xf32, #tpu.memory_space<vmem_shared>> -> memref<1x640xf32, #tpu.memory_space<vmem_shared>>
      %dma_start3A_357 = tpu.memref_squeeze %dma_start3A_356 : memref<1x640xf32, #tpu.memory_space<vmem_shared>> -> memref<640xf32, #tpu.memory_space<vmem_shared>>
      %dma_start3A_358 = tpu.memref_slice %arg8[%run_scoped3A_227, %mul3A_226] : memref<16x10240xf32, #tpu.memory_space<vmem_shared>> -> memref<1x640xf32, #tpu.memory_space<vmem_shared>>
      %dma_start3A_359 = tpu.memref_squeeze %dma_start3A_358 : memref<1x640xf32, #tpu.memory_space<vmem_shared>> -> memref<640xf32, #tpu.memory_space<vmem_shared>>
      tpu.enqueue_dma source(%dma_start3A_359 : memref<640xf32, #tpu.memory_space<vmem_shared>>) target(%arg13 : memref<640xf32, #tpu.memory_space<vmem>>) target_semaphore(%run_scoped3A_355 : memref<!tpu.dma_semaphore, #tpu.memory_space<semaphore_mem>>)
      %dma_wait3A_360 = tpu.memref_slice %arg8[%run_scoped3A_227, %mul3A_226] : memref<16x10240xf32, #tpu.memory_space<vmem_shared>> -> memref<1x640xf32, #tpu.memory_space<vmem_shared>>
      %dma_wait3A_361 = tpu.memref_squeeze %dma_wait3A_360 : memref<1x640xf32, #tpu.memory_space<vmem_shared>> -> memref<640xf32, #tpu.memory_space<vmem_shared>>
      %dma_wait3A_362 = tpu.memref_slice %arg8[%run_scoped3A_227, %mul3A_226] : memref<16x10240xf32, #tpu.memory_space<vmem_shared>> -> memref<1x640xf32, #tpu.memory_space<vmem_shared>>
      %dma_wait3A_363 = tpu.memref_squeeze %dma_wait3A_362 : memref<1x640xf32, #tpu.memory_space<vmem_shared>> -> memref<640xf32, #tpu.memory_space<vmem_shared>>
      tpu.wait_dma2 semaphore(%run_scoped3A_355 : memref<!tpu.dma_semaphore, #tpu.memory_space<semaphore_mem>>) src(%dma_wait3A_363 : memref<640xf32, #tpu.memory_space<vmem_shared>>) dst(%arg13 : memref<640xf32, #tpu.memory_space<vmem>>)
      tpu.yield
    }) : () -> ()
    %scan3A_228 = arith.constant 0 : i32
    %scan3A_229 = arith.constant 0 : i32
    %scan3A_230 = arith.constant 40 : i32
    %scan3A_231 = arith.addi %scan3A_229, %scan3A_230 : i32
    %scan3A_232 = arith.constant 1 : i32
    %scan3A_233 = scf.for %scan3A_355 = %scan3A_229 to %scan3A_231 step %scan3A_232 iter_args(%scan3A_356 = %scan3A_228) -> (i32)  : i32 {
      %mul3A_357 = arith.constant 16 : i32
      %mul3A_358 = arith.muli %scan3A_355, %mul3A_357 : i32
      %get3A_359 = arith.index_cast %mul3A_358 : i32 to index
      %get3A_360 = tpu.vector_load %arg14[%get3A_359] {strides = array<i32>} : memref<640xf32, #tpu.memory_space<vmem>>, vector<16xf32>,
      %get3A_361 = arith.index_cast %mul3A_358 : i32 to index
      %get3A_362 = tpu.vector_load %arg13[%get3A_361] {strides = array<i32>} : memref<640xf32, #tpu.memory_space<vmem>>, vector<16xf32>,
      %add3A_363 = arith.addf %get3A_360, %get3A_362 : vector<16xf32>
      %swap3A = arith.index_cast %mul3A_358 : i32 to index
      %swap3A_364 = tpu.vector_load %arg14[%swap3A] {strides = array<i32>} : memref<640xf32, #tpu.memory_space<vmem>>, vector<16xf32>,
      tpu.vector_store %arg14[%swap3A], %add3A_363 {strides = array<i32>} : memref<640xf32, #tpu.memory_space<vmem>>, vector<16xf32>,
      %scan3A_365 = arith.constant 0 : i32
      scf.yield %scan3A_365 : i32
    }
    %scan3A_234 = arith.constant 40 : i32
    %mul3A_235 = arith.constant 640 : i32
    %mul3A_236 = arith.muli %arg1, %mul3A_235 : i32
    %run_scoped3A_237 = arith.constant 4 : i32
    "tpu.region"() ({
      %run_scoped3A_355 = tpu.sem_alloc : memref<!tpu.dma_semaphore, #tpu.memory_space<semaphore_mem>>
      %dma_start3A_356 = tpu.memref_slice %arg8[%run_scoped3A_237, %mul3A_236] : memref<16x10240xf32, #tpu.memory_space<vmem_shared>> -> memref<1x640xf32, #tpu.memory_space<vmem_shared>>
      %dma_start3A_357 = tpu.memref_squeeze %dma_start3A_356 : memref<1x640xf32, #tpu.memory_space<vmem_shared>> -> memref<640xf32, #tpu.memory_space<vmem_shared>>
      %dma_start3A_358 = tpu.memref_slice %arg8[%run_scoped3A_237, %mul3A_236] : memref<16x10240xf32, #tpu.memory_space<vmem_shared>> -> memref<1x640xf32, #tpu.memory_space<vmem_shared>>
      %dma_start3A_359 = tpu.memref_squeeze %dma_start3A_358 : memref<1x640xf32, #tpu.memory_space<vmem_shared>> -> memref<640xf32, #tpu.memory_space<vmem_shared>>
      tpu.enqueue_dma source(%dma_start3A_359 : memref<640xf32, #tpu.memory_space<vmem_shared>>) target(%arg13 : memref<640xf32, #tpu.memory_space<vmem>>) target_semaphore(%run_scoped3A_355 : memref<!tpu.dma_semaphore, #tpu.memory_space<semaphore_mem>>)
      %dma_wait3A_360 = tpu.memref_slice %arg8[%run_scoped3A_237, %mul3A_236] : memref<16x10240xf32, #tpu.memory_space<vmem_shared>> -> memref<1x640xf32, #tpu.memory_space<vmem_shared>>
      %dma_wait3A_361 = tpu.memref_squeeze %dma_wait3A_360 : memref<1x640xf32, #tpu.memory_space<vmem_shared>> -> memref<640xf32, #tpu.memory_space<vmem_shared>>
      %dma_wait3A_362 = tpu.memref_slice %arg8[%run_scoped3A_237, %mul3A_236] : memref<16x10240xf32, #tpu.memory_space<vmem_shared>> -> memref<1x640xf32, #tpu.memory_space<vmem_shared>>
      %dma_wait3A_363 = tpu.memref_squeeze %dma_wait3A_362 : memref<1x640xf32, #tpu.memory_space<vmem_shared>> -> memref<640xf32, #tpu.memory_space<vmem_shared>>
      tpu.wait_dma2 semaphore(%run_scoped3A_355 : memref<!tpu.dma_semaphore, #tpu.memory_space<semaphore_mem>>) src(%dma_wait3A_363 : memref<640xf32, #tpu.memory_space<vmem_shared>>) dst(%arg13 : memref<640xf32, #tpu.memory_space<vmem>>)
      tpu.yield
    }) : () -> ()
    %scan3A_238 = arith.constant 0 : i32
    %scan3A_239 = arith.constant 0 : i32
    %scan3A_240 = arith.constant 40 : i32
    %scan3A_241 = arith.addi %scan3A_239, %scan3A_240 : i32
    %scan3A_242 = arith.constant 1 : i32
    %scan3A_243 = scf.for %scan3A_355 = %scan3A_239 to %scan3A_241 step %scan3A_242 iter_args(%scan3A_356 = %scan3A_238) -> (i32)  : i32 {
      %mul3A_357 = arith.constant 16 : i32
      %mul3A_358 = arith.muli %scan3A_355, %mul3A_357 : i32
      %get3A_359 = arith.index_cast %mul3A_358 : i32 to index
      %get3A_360 = tpu.vector_load %arg14[%get3A_359] {strides = array<i32>} : memref<640xf32, #tpu.memory_space<vmem>>, vector<16xf32>,
      %get3A_361 = arith.index_cast %mul3A_358 : i32 to index
      %get3A_362 = tpu.vector_load %arg13[%get3A_361] {strides = array<i32>} : memref<640xf32, #tpu.memory_space<vmem>>, vector<16xf32>,
      %add3A_363 = arith.addf %get3A_360, %get3A_362 : vector<16xf32>
      %swap3A = arith.index_cast %mul3A_358 : i32 to index
      %swap3A_364 = tpu.vector_load %arg14[%swap3A] {strides = array<i32>} : memref<640xf32, #tpu.memory_space<vmem>>, vector<16xf32>,
      tpu.vector_store %arg14[%swap3A], %add3A_363 {strides = array<i32>} : memref<640xf32, #tpu.memory_space<vmem>>, vector<16xf32>,
      %scan3A_365 = arith.constant 0 : i32
      scf.yield %scan3A_365 : i32
    }
    %scan3A_244 = arith.constant 40 : i32
    %mul3A_245 = arith.constant 640 : i32
    %mul3A_246 = arith.muli %arg1, %mul3A_245 : i32
    %run_scoped3A_247 = arith.constant 5 : i32
    "tpu.region"() ({
      %run_scoped3A_355 = tpu.sem_alloc : memref<!tpu.dma_semaphore, #tpu.memory_space<semaphore_mem>>
      %dma_start3A_356 = tpu.memref_slice %arg8[%run_scoped3A_247, %mul3A_246] : memref<16x10240xf32, #tpu.memory_space<vmem_shared>> -> memref<1x640xf32, #tpu.memory_space<vmem_shared>>
      %dma_start3A_357 = tpu.memref_squeeze %dma_start3A_356 : memref<1x640xf32, #tpu.memory_space<vmem_shared>> -> memref<640xf32, #tpu.memory_space<vmem_shared>>
      %dma_start3A_358 = tpu.memref_slice %arg8[%run_scoped3A_247, %mul3A_246] : memref<16x10240xf32, #tpu.memory_space<vmem_shared>> -> memref<1x640xf32, #tpu.memory_space<vmem_shared>>
      %dma_start3A_359 = tpu.memref_squeeze %dma_start3A_358 : memref<1x640xf32, #tpu.memory_space<vmem_shared>> -> memref<640xf32, #tpu.memory_space<vmem_shared>>
      tpu.enqueue_dma source(%dma_start3A_359 : memref<640xf32, #tpu.memory_space<vmem_shared>>) target(%arg13 : memref<640xf32, #tpu.memory_space<vmem>>) target_semaphore(%run_scoped3A_355 : memref<!tpu.dma_semaphore, #tpu.memory_space<semaphore_mem>>)
      %dma_wait3A_360 = tpu.memref_slice %arg8[%run_scoped3A_247, %mul3A_246] : memref<16x10240xf32, #tpu.memory_space<vmem_shared>> -> memref<1x640xf32, #tpu.memory_space<vmem_shared>>
      %dma_wait3A_361 = tpu.memref_squeeze %dma_wait3A_360 : memref<1x640xf32, #tpu.memory_space<vmem_shared>> -> memref<640xf32, #tpu.memory_space<vmem_shared>>
      %dma_wait3A_362 = tpu.memref_slice %arg8[%run_scoped3A_247, %mul3A_246] : memref<16x10240xf32, #tpu.memory_space<vmem_shared>> -> memref<1x640xf32, #tpu.memory_space<vmem_shared>>
      %dma_wait3A_363 = tpu.memref_squeeze %dma_wait3A_362 : memref<1x640xf32, #tpu.memory_space<vmem_shared>> -> memref<640xf32, #tpu.memory_space<vmem_shared>>
      tpu.wait_dma2 semaphore(%run_scoped3A_355 : memref<!tpu.dma_semaphore, #tpu.memory_space<semaphore_mem>>) src(%dma_wait3A_363 : memref<640xf32, #tpu.memory_space<vmem_shared>>) dst(%arg13 : memref<640xf32, #tpu.memory_space<vmem>>)
      tpu.yield
    }) : () -> ()
    %scan3A_248 = arith.constant 0 : i32
    %scan3A_249 = arith.constant 0 : i32
    %scan3A_250 = arith.constant 40 : i32
    %scan3A_251 = arith.addi %scan3A_249, %scan3A_250 : i32
    %scan3A_252 = arith.constant 1 : i32
    %scan3A_253 = scf.for %scan3A_355 = %scan3A_249 to %scan3A_251 step %scan3A_252 iter_args(%scan3A_356 = %scan3A_248) -> (i32)  : i32 {
      %mul3A_357 = arith.constant 16 : i32
      %mul3A_358 = arith.muli %scan3A_355, %mul3A_357 : i32
      %get3A_359 = arith.index_cast %mul3A_358 : i32 to index
      %get3A_360 = tpu.vector_load %arg14[%get3A_359] {strides = array<i32>} : memref<640xf32, #tpu.memory_space<vmem>>, vector<16xf32>,
      %get3A_361 = arith.index_cast %mul3A_358 : i32 to index
      %get3A_362 = tpu.vector_load %arg13[%get3A_361] {strides = array<i32>} : memref<640xf32, #tpu.memory_space<vmem>>, vector<16xf32>,
      %add3A_363 = arith.addf %get3A_360, %get3A_362 : vector<16xf32>
      %swap3A = arith.index_cast %mul3A_358 : i32 to index
      %swap3A_364 = tpu.vector_load %arg14[%swap3A] {strides = array<i32>} : memref<640xf32, #tpu.memory_space<vmem>>, vector<16xf32>,
      tpu.vector_store %arg14[%swap3A], %add3A_363 {strides = array<i32>} : memref<640xf32, #tpu.memory_space<vmem>>, vector<16xf32>,
      %scan3A_365 = arith.constant 0 : i32
      scf.yield %scan3A_365 : i32
    }
    %scan3A_254 = arith.constant 40 : i32
    %mul3A_255 = arith.constant 640 : i32
    %mul3A_256 = arith.muli %arg1, %mul3A_255 : i32
    %run_scoped3A_257 = arith.constant 6 : i32
    "tpu.region"() ({
      %run_scoped3A_355 = tpu.sem_alloc : memref<!tpu.dma_semaphore, #tpu.memory_space<semaphore_mem>>
      %dma_start3A_356 = tpu.memref_slice %arg8[%run_scoped3A_257, %mul3A_256] : memref<16x10240xf32, #tpu.memory_space<vmem_shared>> -> memref<1x640xf32, #tpu.memory_space<vmem_shared>>
      %dma_start3A_357 = tpu.memref_squeeze %dma_start3A_356 : memref<1x640xf32, #tpu.memory_space<vmem_shared>> -> memref<640xf32, #tpu.memory_space<vmem_shared>>
      %dma_start3A_358 = tpu.memref_slice %arg8[%run_scoped3A_257, %mul3A_256] : memref<16x10240xf32, #tpu.memory_space<vmem_shared>> -> memref<1x640xf32, #tpu.memory_space<vmem_shared>>
      %dma_start3A_359 = tpu.memref_squeeze %dma_start3A_358 : memref<1x640xf32, #tpu.memory_space<vmem_shared>> -> memref<640xf32, #tpu.memory_space<vmem_shared>>
      tpu.enqueue_dma source(%dma_start3A_359 : memref<640xf32, #tpu.memory_space<vmem_shared>>) target(%arg13 : memref<640xf32, #tpu.memory_space<vmem>>) target_semaphore(%run_scoped3A_355 : memref<!tpu.dma_semaphore, #tpu.memory_space<semaphore_mem>>)
      %dma_wait3A_360 = tpu.memref_slice %arg8[%run_scoped3A_257, %mul3A_256] : memref<16x10240xf32, #tpu.memory_space<vmem_shared>> -> memref<1x640xf32, #tpu.memory_space<vmem_shared>>
      %dma_wait3A_361 = tpu.memref_squeeze %dma_wait3A_360 : memref<1x640xf32, #tpu.memory_space<vmem_shared>> -> memref<640xf32, #tpu.memory_space<vmem_shared>>
      %dma_wait3A_362 = tpu.memref_slice %arg8[%run_scoped3A_257, %mul3A_256] : memref<16x10240xf32, #tpu.memory_space<vmem_shared>> -> memref<1x640xf32, #tpu.memory_space<vmem_shared>>
      %dma_wait3A_363 = tpu.memref_squeeze %dma_wait3A_362 : memref<1x640xf32, #tpu.memory_space<vmem_shared>> -> memref<640xf32, #tpu.memory_space<vmem_shared>>
      tpu.wait_dma2 semaphore(%run_scoped3A_355 : memref<!tpu.dma_semaphore, #tpu.memory_space<semaphore_mem>>) src(%dma_wait3A_363 : memref<640xf32, #tpu.memory_space<vmem_shared>>) dst(%arg13 : memref<640xf32, #tpu.memory_space<vmem>>)
      tpu.yield
    }) : () -> ()
    %scan3A_258 = arith.constant 0 : i32
    %scan3A_259 = arith.constant 0 : i32
    %scan3A_260 = arith.constant 40 : i32
    %scan3A_261 = arith.addi %scan3A_259, %scan3A_260 : i32
    %scan3A_262 = arith.constant 1 : i32
    %scan3A_263 = scf.for %scan3A_355 = %scan3A_259 to %scan3A_261 step %scan3A_262 iter_args(%scan3A_356 = %scan3A_258) -> (i32)  : i32 {
      %mul3A_357 = arith.constant 16 : i32
      %mul3A_358 = arith.muli %scan3A_355, %mul3A_357 : i32
      %get3A_359 = arith.index_cast %mul3A_358 : i32 to index
      %get3A_360 = tpu.vector_load %arg14[%get3A_359] {strides = array<i32>} : memref<640xf32, #tpu.memory_space<vmem>>, vector<16xf32>,
      %get3A_361 = arith.index_cast %mul3A_358 : i32 to index
      %get3A_362 = tpu.vector_load %arg13[%get3A_361] {strides = array<i32>} : memref<640xf32, #tpu.memory_space<vmem>>, vector<16xf32>,
      %add3A_363 = arith.addf %get3A_360, %get3A_362 : vector<16xf32>
      %swap3A = arith.index_cast %mul3A_358 : i32 to index
      %swap3A_364 = tpu.vector_load %arg14[%swap3A] {strides = array<i32>} : memref<640xf32, #tpu.memory_space<vmem>>, vector<16xf32>,
      tpu.vector_store %arg14[%swap3A], %add3A_363 {strides = array<i32>} : memref<640xf32, #tpu.memory_space<vmem>>, vector<16xf32>,
      %scan3A_365 = arith.constant 0 : i32
      scf.yield %scan3A_365 : i32
    }
    %scan3A_264 = arith.constant 40 : i32
    %mul3A_265 = arith.constant 640 : i32
    %mul3A_266 = arith.muli %arg1, %mul3A_265 : i32
    %run_scoped3A_267 = arith.constant 7 : i32
    "tpu.region"() ({
      %run_scoped3A_355 = tpu.sem_alloc : memref<!tpu.dma_semaphore, #tpu.memory_space<semaphore_mem>>
      %dma_start3A_356 = tpu.memref_slice %arg8[%run_scoped3A_267, %mul3A_266] : memref<16x10240xf32, #tpu.memory_space<vmem_shared>> -> memref<1x640xf32, #tpu.memory_space<vmem_shared>>
      %dma_start3A_357 = tpu.memref_squeeze %dma_start3A_356 : memref<1x640xf32, #tpu.memory_space<vmem_shared>> -> memref<640xf32, #tpu.memory_space<vmem_shared>>
      %dma_start3A_358 = tpu.memref_slice %arg8[%run_scoped3A_267, %mul3A_266] : memref<16x10240xf32, #tpu.memory_space<vmem_shared>> -> memref<1x640xf32, #tpu.memory_space<vmem_shared>>
      %dma_start3A_359 = tpu.memref_squeeze %dma_start3A_358 : memref<1x640xf32, #tpu.memory_space<vmem_shared>> -> memref<640xf32, #tpu.memory_space<vmem_shared>>
      tpu.enqueue_dma source(%dma_start3A_359 : memref<640xf32, #tpu.memory_space<vmem_shared>>) target(%arg13 : memref<640xf32, #tpu.memory_space<vmem>>) target_semaphore(%run_scoped3A_355 : memref<!tpu.dma_semaphore, #tpu.memory_space<semaphore_mem>>)
      %dma_wait3A_360 = tpu.memref_slice %arg8[%run_scoped3A_267, %mul3A_266] : memref<16x10240xf32, #tpu.memory_space<vmem_shared>> -> memref<1x640xf32, #tpu.memory_space<vmem_shared>>
      %dma_wait3A_361 = tpu.memref_squeeze %dma_wait3A_360 : memref<1x640xf32, #tpu.memory_space<vmem_shared>> -> memref<640xf32, #tpu.memory_space<vmem_shared>>
      %dma_wait3A_362 = tpu.memref_slice %arg8[%run_scoped3A_267, %mul3A_266] : memref<16x10240xf32, #tpu.memory_space<vmem_shared>> -> memref<1x640xf32, #tpu.memory_space<vmem_shared>>
      %dma_wait3A_363 = tpu.memref_squeeze %dma_wait3A_362 : memref<1x640xf32, #tpu.memory_space<vmem_shared>> -> memref<640xf32, #tpu.memory_space<vmem_shared>>
      tpu.wait_dma2 semaphore(%run_scoped3A_355 : memref<!tpu.dma_semaphore, #tpu.memory_space<semaphore_mem>>) src(%dma_wait3A_363 : memref<640xf32, #tpu.memory_space<vmem_shared>>) dst(%arg13 : memref<640xf32, #tpu.memory_space<vmem>>)
      tpu.yield
    }) : () -> ()
    %scan3A_268 = arith.constant 0 : i32
    %scan3A_269 = arith.constant 0 : i32
    %scan3A_270 = arith.constant 40 : i32
    %scan3A_271 = arith.addi %scan3A_269, %scan3A_270 : i32
    %scan3A_272 = arith.constant 1 : i32
    %scan3A_273 = scf.for %scan3A_355 = %scan3A_269 to %scan3A_271 step %scan3A_272 iter_args(%scan3A_356 = %scan3A_268) -> (i32)  : i32 {
      %mul3A_357 = arith.constant 16 : i32
      %mul3A_358 = arith.muli %scan3A_355, %mul3A_357 : i32
      %get3A_359 = arith.index_cast %mul3A_358 : i32 to index
      %get3A_360 = tpu.vector_load %arg14[%get3A_359] {strides = array<i32>} : memref<640xf32, #tpu.memory_space<vmem>>, vector<16xf32>,
      %get3A_361 = arith.index_cast %mul3A_358 : i32 to index
      %get3A_362 = tpu.vector_load %arg13[%get3A_361] {strides = array<i32>} : memref<640xf32, #tpu.memory_space<vmem>>, vector<16xf32>,
      %add3A_363 = arith.addf %get3A_360, %get3A_362 : vector<16xf32>
      %swap3A = arith.index_cast %mul3A_358 : i32 to index
      %swap3A_364 = tpu.vector_load %arg14[%swap3A] {strides = array<i32>} : memref<640xf32, #tpu.memory_space<vmem>>, vector<16xf32>,
      tpu.vector_store %arg14[%swap3A], %add3A_363 {strides = array<i32>} : memref<640xf32, #tpu.memory_space<vmem>>, vector<16xf32>,
      %scan3A_365 = arith.constant 0 : i32
      scf.yield %scan3A_365 : i32
    }
    %scan3A_274 = arith.constant 40 : i32
    %mul3A_275 = arith.constant 640 : i32
    %mul3A_276 = arith.muli %arg1, %mul3A_275 : i32
    %run_scoped3A_277 = arith.constant 8 : i32
    "tpu.region"() ({
      %run_scoped3A_355 = tpu.sem_alloc : memref<!tpu.dma_semaphore, #tpu.memory_space<semaphore_mem>>
      %dma_start3A_356 = tpu.memref_slice %arg8[%run_scoped3A_277, %mul3A_276] : memref<16x10240xf32, #tpu.memory_space<vmem_shared>> -> memref<1x640xf32, #tpu.memory_space<vmem_shared>>
      %dma_start3A_357 = tpu.memref_squeeze %dma_start3A_356 : memref<1x640xf32, #tpu.memory_space<vmem_shared>> -> memref<640xf32, #tpu.memory_space<vmem_shared>>
      %dma_start3A_358 = tpu.memref_slice %arg8[%run_scoped3A_277, %mul3A_276] : memref<16x10240xf32, #tpu.memory_space<vmem_shared>> -> memref<1x640xf32, #tpu.memory_space<vmem_shared>>
      %dma_start3A_359 = tpu.memref_squeeze %dma_start3A_358 : memref<1x640xf32, #tpu.memory_space<vmem_shared>> -> memref<640xf32, #tpu.memory_space<vmem_shared>>
      tpu.enqueue_dma source(%dma_start3A_359 : memref<640xf32, #tpu.memory_space<vmem_shared>>) target(%arg13 : memref<640xf32, #tpu.memory_space<vmem>>) target_semaphore(%run_scoped3A_355 : memref<!tpu.dma_semaphore, #tpu.memory_space<semaphore_mem>>)
      %dma_wait3A_360 = tpu.memref_slice %arg8[%run_scoped3A_277, %mul3A_276] : memref<16x10240xf32, #tpu.memory_space<vmem_shared>> -> memref<1x640xf32, #tpu.memory_space<vmem_shared>>
      %dma_wait3A_361 = tpu.memref_squeeze %dma_wait3A_360 : memref<1x640xf32, #tpu.memory_space<vmem_shared>> -> memref<640xf32, #tpu.memory_space<vmem_shared>>
      %dma_wait3A_362 = tpu.memref_slice %arg8[%run_scoped3A_277, %mul3A_276] : memref<16x10240xf32, #tpu.memory_space<vmem_shared>> -> memref<1x640xf32, #tpu.memory_space<vmem_shared>>
      %dma_wait3A_363 = tpu.memref_squeeze %dma_wait3A_362 : memref<1x640xf32, #tpu.memory_space<vmem_shared>> -> memref<640xf32, #tpu.memory_space<vmem_shared>>
      tpu.wait_dma2 semaphore(%run_scoped3A_355 : memref<!tpu.dma_semaphore, #tpu.memory_space<semaphore_mem>>) src(%dma_wait3A_363 : memref<640xf32, #tpu.memory_space<vmem_shared>>) dst(%arg13 : memref<640xf32, #tpu.memory_space<vmem>>)
      tpu.yield
    }) : () -> ()
    %scan3A_278 = arith.constant 0 : i32
    %scan3A_279 = arith.constant 0 : i32
    %scan3A_280 = arith.constant 40 : i32
    %scan3A_281 = arith.addi %scan3A_279, %scan3A_280 : i32
    %scan3A_282 = arith.constant 1 : i32
    %scan3A_283 = scf.for %scan3A_355 = %scan3A_279 to %scan3A_281 step %scan3A_282 iter_args(%scan3A_356 = %scan3A_278) -> (i32)  : i32 {
      %mul3A_357 = arith.constant 16 : i32
      %mul3A_358 = arith.muli %scan3A_355, %mul3A_357 : i32
      %get3A_359 = arith.index_cast %mul3A_358 : i32 to index
      %get3A_360 = tpu.vector_load %arg14[%get3A_359] {strides = array<i32>} : memref<640xf32, #tpu.memory_space<vmem>>, vector<16xf32>,
      %get3A_361 = arith.index_cast %mul3A_358 : i32 to index
      %get3A_362 = tpu.vector_load %arg13[%get3A_361] {strides = array<i32>} : memref<640xf32, #tpu.memory_space<vmem>>, vector<16xf32>,
      %add3A_363 = arith.addf %get3A_360, %get3A_362 : vector<16xf32>
      %swap3A = arith.index_cast %mul3A_358 : i32 to index
      %swap3A_364 = tpu.vector_load %arg14[%swap3A] {strides = array<i32>} : memref<640xf32, #tpu.memory_space<vmem>>, vector<16xf32>,
      tpu.vector_store %arg14[%swap3A], %add3A_363 {strides = array<i32>} : memref<640xf32, #tpu.memory_space<vmem>>, vector<16xf32>,
      %scan3A_365 = arith.constant 0 : i32
      scf.yield %scan3A_365 : i32
    }
    %scan3A_284 = arith.constant 40 : i32
    %mul3A_285 = arith.constant 640 : i32
    %mul3A_286 = arith.muli %arg1, %mul3A_285 : i32
    %run_scoped3A_287 = arith.constant 9 : i32
    "tpu.region"() ({
      %run_scoped3A_355 = tpu.sem_alloc : memref<!tpu.dma_semaphore, #tpu.memory_space<semaphore_mem>>
      %dma_start3A_356 = tpu.memref_slice %arg8[%run_scoped3A_287, %mul3A_286] : memref<16x10240xf32, #tpu.memory_space<vmem_shared>> -> memref<1x640xf32, #tpu.memory_space<vmem_shared>>
      %dma_start3A_357 = tpu.memref_squeeze %dma_start3A_356 : memref<1x640xf32, #tpu.memory_space<vmem_shared>> -> memref<640xf32, #tpu.memory_space<vmem_shared>>
      %dma_start3A_358 = tpu.memref_slice %arg8[%run_scoped3A_287, %mul3A_286] : memref<16x10240xf32, #tpu.memory_space<vmem_shared>> -> memref<1x640xf32, #tpu.memory_space<vmem_shared>>
      %dma_start3A_359 = tpu.memref_squeeze %dma_start3A_358 : memref<1x640xf32, #tpu.memory_space<vmem_shared>> -> memref<640xf32, #tpu.memory_space<vmem_shared>>
      tpu.enqueue_dma source(%dma_start3A_359 : memref<640xf32, #tpu.memory_space<vmem_shared>>) target(%arg13 : memref<640xf32, #tpu.memory_space<vmem>>) target_semaphore(%run_scoped3A_355 : memref<!tpu.dma_semaphore, #tpu.memory_space<semaphore_mem>>)
      %dma_wait3A_360 = tpu.memref_slice %arg8[%run_scoped3A_287, %mul3A_286] : memref<16x10240xf32, #tpu.memory_space<vmem_shared>> -> memref<1x640xf32, #tpu.memory_space<vmem_shared>>
      %dma_wait3A_361 = tpu.memref_squeeze %dma_wait3A_360 : memref<1x640xf32, #tpu.memory_space<vmem_shared>> -> memref<640xf32, #tpu.memory_space<vmem_shared>>
      %dma_wait3A_362 = tpu.memref_slice %arg8[%run_scoped3A_287, %mul3A_286] : memref<16x10240xf32, #tpu.memory_space<vmem_shared>> -> memref<1x640xf32, #tpu.memory_space<vmem_shared>>
      %dma_wait3A_363 = tpu.memref_squeeze %dma_wait3A_362 : memref<1x640xf32, #tpu.memory_space<vmem_shared>> -> memref<640xf32, #tpu.memory_space<vmem_shared>>
      tpu.wait_dma2 semaphore(%run_scoped3A_355 : memref<!tpu.dma_semaphore, #tpu.memory_space<semaphore_mem>>) src(%dma_wait3A_363 : memref<640xf32, #tpu.memory_space<vmem_shared>>) dst(%arg13 : memref<640xf32, #tpu.memory_space<vmem>>)
      tpu.yield
    }) : () -> ()
    %scan3A_288 = arith.constant 0 : i32
    %scan3A_289 = arith.constant 0 : i32
    %scan3A_290 = arith.constant 40 : i32
    %scan3A_291 = arith.addi %scan3A_289, %scan3A_290 : i32
    %scan3A_292 = arith.constant 1 : i32
    %scan3A_293 = scf.for %scan3A_355 = %scan3A_289 to %scan3A_291 step %scan3A_292 iter_args(%scan3A_356 = %scan3A_288) -> (i32)  : i32 {
      %mul3A_357 = arith.constant 16 : i32
      %mul3A_358 = arith.muli %scan3A_355, %mul3A_357 : i32
      %get3A_359 = arith.index_cast %mul3A_358 : i32 to index
      %get3A_360 = tpu.vector_load %arg14[%get3A_359] {strides = array<i32>} : memref<640xf32, #tpu.memory_space<vmem>>, vector<16xf32>,
      %get3A_361 = arith.index_cast %mul3A_358 : i32 to index
      %get3A_362 = tpu.vector_load %arg13[%get3A_361] {strides = array<i32>} : memref<640xf32, #tpu.memory_space<vmem>>, vector<16xf32>,
      %add3A_363 = arith.addf %get3A_360, %get3A_362 : vector<16xf32>
      %swap3A = arith.index_cast %mul3A_358 : i32 to index
      %swap3A_364 = tpu.vector_load %arg14[%swap3A] {strides = array<i32>} : memref<640xf32, #tpu.memory_space<vmem>>, vector<16xf32>,
      tpu.vector_store %arg14[%swap3A], %add3A_363 {strides = array<i32>} : memref<640xf32, #tpu.memory_space<vmem>>, vector<16xf32>,
      %scan3A_365 = arith.constant 0 : i32
      scf.yield %scan3A_365 : i32
    }
    %scan3A_294 = arith.constant 40 : i32
    %mul3A_295 = arith.constant 640 : i32
    %mul3A_296 = arith.muli %arg1, %mul3A_295 : i32
    %run_scoped3A_297 = arith.constant 10 : i32
    "tpu.region"() ({
      %run_scoped3A_355 = tpu.sem_alloc : memref<!tpu.dma_semaphore, #tpu.memory_space<semaphore_mem>>
      %dma_start3A_356 = tpu.memref_slice %arg8[%run_scoped3A_297, %mul3A_296] : memref<16x10240xf32, #tpu.memory_space<vmem_shared>> -> memref<1x640xf32, #tpu.memory_space<vmem_shared>>
      %dma_start3A_357 = tpu.memref_squeeze %dma_start3A_356 : memref<1x640xf32, #tpu.memory_space<vmem_shared>> -> memref<640xf32, #tpu.memory_space<vmem_shared>>
      %dma_start3A_358 = tpu.memref_slice %arg8[%run_scoped3A_297, %mul3A_296] : memref<16x10240xf32, #tpu.memory_space<vmem_shared>> -> memref<1x640xf32, #tpu.memory_space<vmem_shared>>
      %dma_start3A_359 = tpu.memref_squeeze %dma_start3A_358 : memref<1x640xf32, #tpu.memory_space<vmem_shared>> -> memref<640xf32, #tpu.memory_space<vmem_shared>>
      tpu.enqueue_dma source(%dma_start3A_359 : memref<640xf32, #tpu.memory_space<vmem_shared>>) target(%arg13 : memref<640xf32, #tpu.memory_space<vmem>>) target_semaphore(%run_scoped3A_355 : memref<!tpu.dma_semaphore, #tpu.memory_space<semaphore_mem>>)
      %dma_wait3A_360 = tpu.memref_slice %arg8[%run_scoped3A_297, %mul3A_296] : memref<16x10240xf32, #tpu.memory_space<vmem_shared>> -> memref<1x640xf32, #tpu.memory_space<vmem_shared>>
      %dma_wait3A_361 = tpu.memref_squeeze %dma_wait3A_360 : memref<1x640xf32, #tpu.memory_space<vmem_shared>> -> memref<640xf32, #tpu.memory_space<vmem_shared>>
      %dma_wait3A_362 = tpu.memref_slice %arg8[%run_scoped3A_297, %mul3A_296] : memref<16x10240xf32, #tpu.memory_space<vmem_shared>> -> memref<1x640xf32, #tpu.memory_space<vmem_shared>>
      %dma_wait3A_363 = tpu.memref_squeeze %dma_wait3A_362 : memref<1x640xf32, #tpu.memory_space<vmem_shared>> -> memref<640xf32, #tpu.memory_space<vmem_shared>>
      tpu.wait_dma2 semaphore(%run_scoped3A_355 : memref<!tpu.dma_semaphore, #tpu.memory_space<semaphore_mem>>) src(%dma_wait3A_363 : memref<640xf32, #tpu.memory_space<vmem_shared>>) dst(%arg13 : memref<640xf32, #tpu.memory_space<vmem>>)
      tpu.yield
    }) : () -> ()
    %scan3A_298 = arith.constant 0 : i32
    %scan3A_299 = arith.constant 0 : i32
    %scan3A_300 = arith.constant 40 : i32
    %scan3A_301 = arith.addi %scan3A_299, %scan3A_300 : i32
    %scan3A_302 = arith.constant 1 : i32
    %scan3A_303 = scf.for %scan3A_355 = %scan3A_299 to %scan3A_301 step %scan3A_302 iter_args(%scan3A_356 = %scan3A_298) -> (i32)  : i32 {
      %mul3A_357 = arith.constant 16 : i32
      %mul3A_358 = arith.muli %scan3A_355, %mul3A_357 : i32
      %get3A_359 = arith.index_cast %mul3A_358 : i32 to index
      %get3A_360 = tpu.vector_load %arg14[%get3A_359] {strides = array<i32>} : memref<640xf32, #tpu.memory_space<vmem>>, vector<16xf32>,
      %get3A_361 = arith.index_cast %mul3A_358 : i32 to index
      %get3A_362 = tpu.vector_load %arg13[%get3A_361] {strides = array<i32>} : memref<640xf32, #tpu.memory_space<vmem>>, vector<16xf32>,
      %add3A_363 = arith.addf %get3A_360, %get3A_362 : vector<16xf32>
      %swap3A = arith.index_cast %mul3A_358 : i32 to index
      %swap3A_364 = tpu.vector_load %arg14[%swap3A] {strides = array<i32>} : memref<640xf32, #tpu.memory_space<vmem>>, vector<16xf32>,
      tpu.vector_store %arg14[%swap3A], %add3A_363 {strides = array<i32>} : memref<640xf32, #tpu.memory_space<vmem>>, vector<16xf32>,
      %scan3A_365 = arith.constant 0 : i32
      scf.yield %scan3A_365 : i32
    }
    %scan3A_304 = arith.constant 40 : i32
    %mul3A_305 = arith.constant 640 : i32
    %mul3A_306 = arith.muli %arg1, %mul3A_305 : i32
    %run_scoped3A_307 = arith.constant 11 : i32
    "tpu.region"() ({
      %run_scoped3A_355 = tpu.sem_alloc : memref<!tpu.dma_semaphore, #tpu.memory_space<semaphore_mem>>
      %dma_start3A_356 = tpu.memref_slice %arg8[%run_scoped3A_307, %mul3A_306] : memref<16x10240xf32, #tpu.memory_space<vmem_shared>> -> memref<1x640xf32, #tpu.memory_space<vmem_shared>>
      %dma_start3A_357 = tpu.memref_squeeze %dma_start3A_356 : memref<1x640xf32, #tpu.memory_space<vmem_shared>> -> memref<640xf32, #tpu.memory_space<vmem_shared>>
      %dma_start3A_358 = tpu.memref_slice %arg8[%run_scoped3A_307, %mul3A_306] : memref<16x10240xf32, #tpu.memory_space<vmem_shared>> -> memref<1x640xf32, #tpu.memory_space<vmem_shared>>
      %dma_start3A_359 = tpu.memref_squeeze %dma_start3A_358 : memref<1x640xf32, #tpu.memory_space<vmem_shared>> -> memref<640xf32, #tpu.memory_space<vmem_shared>>
      tpu.enqueue_dma source(%dma_start3A_359 : memref<640xf32, #tpu.memory_space<vmem_shared>>) target(%arg13 : memref<640xf32, #tpu.memory_space<vmem>>) target_semaphore(%run_scoped3A_355 : memref<!tpu.dma_semaphore, #tpu.memory_space<semaphore_mem>>)
      %dma_wait3A_360 = tpu.memref_slice %arg8[%run_scoped3A_307, %mul3A_306] : memref<16x10240xf32, #tpu.memory_space<vmem_shared>> -> memref<1x640xf32, #tpu.memory_space<vmem_shared>>
      %dma_wait3A_361 = tpu.memref_squeeze %dma_wait3A_360 : memref<1x640xf32, #tpu.memory_space<vmem_shared>> -> memref<640xf32, #tpu.memory_space<vmem_shared>>
      %dma_wait3A_362 = tpu.memref_slice %arg8[%run_scoped3A_307, %mul3A_306] : memref<16x10240xf32, #tpu.memory_space<vmem_shared>> -> memref<1x640xf32, #tpu.memory_space<vmem_shared>>
      %dma_wait3A_363 = tpu.memref_squeeze %dma_wait3A_362 : memref<1x640xf32, #tpu.memory_space<vmem_shared>> -> memref<640xf32, #tpu.memory_space<vmem_shared>>
      tpu.wait_dma2 semaphore(%run_scoped3A_355 : memref<!tpu.dma_semaphore, #tpu.memory_space<semaphore_mem>>) src(%dma_wait3A_363 : memref<640xf32, #tpu.memory_space<vmem_shared>>) dst(%arg13 : memref<640xf32, #tpu.memory_space<vmem>>)
      tpu.yield
    }) : () -> ()
    %scan3A_308 = arith.constant 0 : i32
    %scan3A_309 = arith.constant 0 : i32
    %scan3A_310 = arith.constant 40 : i32
    %scan3A_311 = arith.addi %scan3A_309, %scan3A_310 : i32
    %scan3A_312 = arith.constant 1 : i32
    %scan3A_313 = scf.for %scan3A_355 = %scan3A_309 to %scan3A_311 step %scan3A_312 iter_args(%scan3A_356 = %scan3A_308) -> (i32)  : i32 {
      %mul3A_357 = arith.constant 16 : i32
      %mul3A_358 = arith.muli %scan3A_355, %mul3A_357 : i32
      %get3A_359 = arith.index_cast %mul3A_358 : i32 to index
      %get3A_360 = tpu.vector_load %arg14[%get3A_359] {strides = array<i32>} : memref<640xf32, #tpu.memory_space<vmem>>, vector<16xf32>,
      %get3A_361 = arith.index_cast %mul3A_358 : i32 to index
      %get3A_362 = tpu.vector_load %arg13[%get3A_361] {strides = array<i32>} : memref<640xf32, #tpu.memory_space<vmem>>, vector<16xf32>,
      %add3A_363 = arith.addf %get3A_360, %get3A_362 : vector<16xf32>
      %swap3A = arith.index_cast %mul3A_358 : i32 to index
      %swap3A_364 = tpu.vector_load %arg14[%swap3A] {strides = array<i32>} : memref<640xf32, #tpu.memory_space<vmem>>, vector<16xf32>,
      tpu.vector_store %arg14[%swap3A], %add3A_363 {strides = array<i32>} : memref<640xf32, #tpu.memory_space<vmem>>, vector<16xf32>,
      %scan3A_365 = arith.constant 0 : i32
      scf.yield %scan3A_365 : i32
    }
    %scan3A_314 = arith.constant 40 : i32
    %mul3A_315 = arith.constant 640 : i32
    %mul3A_316 = arith.muli %arg1, %mul3A_315 : i32
    %run_scoped3A_317 = arith.constant 12 : i32
    "tpu.region"() ({
      %run_scoped3A_355 = tpu.sem_alloc : memref<!tpu.dma_semaphore, #tpu.memory_space<semaphore_mem>>
      %dma_start3A_356 = tpu.memref_slice %arg8[%run_scoped3A_317, %mul3A_316] : memref<16x10240xf32, #tpu.memory_space<vmem_shared>> -> memref<1x640xf32, #tpu.memory_space<vmem_shared>>
      %dma_start3A_357 = tpu.memref_squeeze %dma_start3A_356 : memref<1x640xf32, #tpu.memory_space<vmem_shared>> -> memref<640xf32, #tpu.memory_space<vmem_shared>>
      %dma_start3A_358 = tpu.memref_slice %arg8[%run_scoped3A_317, %mul3A_316] : memref<16x10240xf32, #tpu.memory_space<vmem_shared>> -> memref<1x640xf32, #tpu.memory_space<vmem_shared>>
      %dma_start3A_359 = tpu.memref_squeeze %dma_start3A_358 : memref<1x640xf32, #tpu.memory_space<vmem_shared>> -> memref<640xf32, #tpu.memory_space<vmem_shared>>
      tpu.enqueue_dma source(%dma_start3A_359 : memref<640xf32, #tpu.memory_space<vmem_shared>>) target(%arg13 : memref<640xf32, #tpu.memory_space<vmem>>) target_semaphore(%run_scoped3A_355 : memref<!tpu.dma_semaphore, #tpu.memory_space<semaphore_mem>>)
      %dma_wait3A_360 = tpu.memref_slice %arg8[%run_scoped3A_317, %mul3A_316] : memref<16x10240xf32, #tpu.memory_space<vmem_shared>> -> memref<1x640xf32, #tpu.memory_space<vmem_shared>>
      %dma_wait3A_361 = tpu.memref_squeeze %dma_wait3A_360 : memref<1x640xf32, #tpu.memory_space<vmem_shared>> -> memref<640xf32, #tpu.memory_space<vmem_shared>>
      %dma_wait3A_362 = tpu.memref_slice %arg8[%run_scoped3A_317, %mul3A_316] : memref<16x10240xf32, #tpu.memory_space<vmem_shared>> -> memref<1x640xf32, #tpu.memory_space<vmem_shared>>
      %dma_wait3A_363 = tpu.memref_squeeze %dma_wait3A_362 : memref<1x640xf32, #tpu.memory_space<vmem_shared>> -> memref<640xf32, #tpu.memory_space<vmem_shared>>
      tpu.wait_dma2 semaphore(%run_scoped3A_355 : memref<!tpu.dma_semaphore, #tpu.memory_space<semaphore_mem>>) src(%dma_wait3A_363 : memref<640xf32, #tpu.memory_space<vmem_shared>>) dst(%arg13 : memref<640xf32, #tpu.memory_space<vmem>>)
      tpu.yield
    }) : () -> ()
    %scan3A_318 = arith.constant 0 : i32
    %scan3A_319 = arith.constant 0 : i32
    %scan3A_320 = arith.constant 40 : i32
    %scan3A_321 = arith.addi %scan3A_319, %scan3A_320 : i32
    %scan3A_322 = arith.constant 1 : i32
    %scan3A_323 = scf.for %scan3A_355 = %scan3A_319 to %scan3A_321 step %scan3A_322 iter_args(%scan3A_356 = %scan3A_318) -> (i32)  : i32 {
      %mul3A_357 = arith.constant 16 : i32
      %mul3A_358 = arith.muli %scan3A_355, %mul3A_357 : i32
      %get3A_359 = arith.index_cast %mul3A_358 : i32 to index
      %get3A_360 = tpu.vector_load %arg14[%get3A_359] {strides = array<i32>} : memref<640xf32, #tpu.memory_space<vmem>>, vector<16xf32>,
      %get3A_361 = arith.index_cast %mul3A_358 : i32 to index
      %get3A_362 = tpu.vector_load %arg13[%get3A_361] {strides = array<i32>} : memref<640xf32, #tpu.memory_space<vmem>>, vector<16xf32>,
      %add3A_363 = arith.addf %get3A_360, %get3A_362 : vector<16xf32>
      %swap3A = arith.index_cast %mul3A_358 : i32 to index
      %swap3A_364 = tpu.vector_load %arg14[%swap3A] {strides = array<i32>} : memref<640xf32, #tpu.memory_space<vmem>>, vector<16xf32>,
      tpu.vector_store %arg14[%swap3A], %add3A_363 {strides = array<i32>} : memref<640xf32, #tpu.memory_space<vmem>>, vector<16xf32>,
      %scan3A_365 = arith.constant 0 : i32
      scf.yield %scan3A_365 : i32
    }
    %scan3A_324 = arith.constant 40 : i32
    %mul3A_325 = arith.constant 640 : i32
    %mul3A_326 = arith.muli %arg1, %mul3A_325 : i32
    %run_scoped3A_327 = arith.constant 13 : i32
    "tpu.region"() ({
      %run_scoped3A_355 = tpu.sem_alloc : memref<!tpu.dma_semaphore, #tpu.memory_space<semaphore_mem>>
      %dma_start3A_356 = tpu.memref_slice %arg8[%run_scoped3A_327, %mul3A_326] : memref<16x10240xf32, #tpu.memory_space<vmem_shared>> -> memref<1x640xf32, #tpu.memory_space<vmem_shared>>
      %dma_start3A_357 = tpu.memref_squeeze %dma_start3A_356 : memref<1x640xf32, #tpu.memory_space<vmem_shared>> -> memref<640xf32, #tpu.memory_space<vmem_shared>>
      %dma_start3A_358 = tpu.memref_slice %arg8[%run_scoped3A_327, %mul3A_326] : memref<16x10240xf32, #tpu.memory_space<vmem_shared>> -> memref<1x640xf32, #tpu.memory_space<vmem_shared>>
      %dma_start3A_359 = tpu.memref_squeeze %dma_start3A_358 : memref<1x640xf32, #tpu.memory_space<vmem_shared>> -> memref<640xf32, #tpu.memory_space<vmem_shared>>
      tpu.enqueue_dma source(%dma_start3A_359 : memref<640xf32, #tpu.memory_space<vmem_shared>>) target(%arg13 : memref<640xf32, #tpu.memory_space<vmem>>) target_semaphore(%run_scoped3A_355 : memref<!tpu.dma_semaphore, #tpu.memory_space<semaphore_mem>>)
      %dma_wait3A_360 = tpu.memref_slice %arg8[%run_scoped3A_327, %mul3A_326] : memref<16x10240xf32, #tpu.memory_space<vmem_shared>> -> memref<1x640xf32, #tpu.memory_space<vmem_shared>>
      %dma_wait3A_361 = tpu.memref_squeeze %dma_wait3A_360 : memref<1x640xf32, #tpu.memory_space<vmem_shared>> -> memref<640xf32, #tpu.memory_space<vmem_shared>>
      %dma_wait3A_362 = tpu.memref_slice %arg8[%run_scoped3A_327, %mul3A_326] : memref<16x10240xf32, #tpu.memory_space<vmem_shared>> -> memref<1x640xf32, #tpu.memory_space<vmem_shared>>
      %dma_wait3A_363 = tpu.memref_squeeze %dma_wait3A_362 : memref<1x640xf32, #tpu.memory_space<vmem_shared>> -> memref<640xf32, #tpu.memory_space<vmem_shared>>
      tpu.wait_dma2 semaphore(%run_scoped3A_355 : memref<!tpu.dma_semaphore, #tpu.memory_space<semaphore_mem>>) src(%dma_wait3A_363 : memref<640xf32, #tpu.memory_space<vmem_shared>>) dst(%arg13 : memref<640xf32, #tpu.memory_space<vmem>>)
      tpu.yield
    }) : () -> ()
    %scan3A_328 = arith.constant 0 : i32
    %scan3A_329 = arith.constant 0 : i32
    %scan3A_330 = arith.constant 40 : i32
    %scan3A_331 = arith.addi %scan3A_329, %scan3A_330 : i32
    %scan3A_332 = arith.constant 1 : i32
    %scan3A_333 = scf.for %scan3A_355 = %scan3A_329 to %scan3A_331 step %scan3A_332 iter_args(%scan3A_356 = %scan3A_328) -> (i32)  : i32 {
      %mul3A_357 = arith.constant 16 : i32
      %mul3A_358 = arith.muli %scan3A_355, %mul3A_357 : i32
      %get3A_359 = arith.index_cast %mul3A_358 : i32 to index
      %get3A_360 = tpu.vector_load %arg14[%get3A_359] {strides = array<i32>} : memref<640xf32, #tpu.memory_space<vmem>>, vector<16xf32>,
      %get3A_361 = arith.index_cast %mul3A_358 : i32 to index
      %get3A_362 = tpu.vector_load %arg13[%get3A_361] {strides = array<i32>} : memref<640xf32, #tpu.memory_space<vmem>>, vector<16xf32>,
      %add3A_363 = arith.addf %get3A_360, %get3A_362 : vector<16xf32>
      %swap3A = arith.index_cast %mul3A_358 : i32 to index
      %swap3A_364 = tpu.vector_load %arg14[%swap3A] {strides = array<i32>} : memref<640xf32, #tpu.memory_space<vmem>>, vector<16xf32>,
      tpu.vector_store %arg14[%swap3A], %add3A_363 {strides = array<i32>} : memref<640xf32, #tpu.memory_space<vmem>>, vector<16xf32>,
      %scan3A_365 = arith.constant 0 : i32
      scf.yield %scan3A_365 : i32
    }
    %scan3A_334 = arith.constant 40 : i32
    %mul3A_335 = arith.constant 640 : i32
    %mul3A_336 = arith.muli %arg1, %mul3A_335 : i32
    %run_scoped3A_337 = arith.constant 14 : i32
    "tpu.region"() ({
      %run_scoped3A_355 = tpu.sem_alloc : memref<!tpu.dma_semaphore, #tpu.memory_space<semaphore_mem>>
      %dma_start3A_356 = tpu.memref_slice %arg8[%run_scoped3A_337, %mul3A_336] : memref<16x10240xf32, #tpu.memory_space<vmem_shared>> -> memref<1x640xf32, #tpu.memory_space<vmem_shared>>
      %dma_start3A_357 = tpu.memref_squeeze %dma_start3A_356 : memref<1x640xf32, #tpu.memory_space<vmem_shared>> -> memref<640xf32, #tpu.memory_space<vmem_shared>>
      %dma_start3A_358 = tpu.memref_slice %arg8[%run_scoped3A_337, %mul3A_336] : memref<16x10240xf32, #tpu.memory_space<vmem_shared>> -> memref<1x640xf32, #tpu.memory_space<vmem_shared>>
      %dma_start3A_359 = tpu.memref_squeeze %dma_start3A_358 : memref<1x640xf32, #tpu.memory_space<vmem_shared>> -> memref<640xf32, #tpu.memory_space<vmem_shared>>
      tpu.enqueue_dma source(%dma_start3A_359 : memref<640xf32, #tpu.memory_space<vmem_shared>>) target(%arg13 : memref<640xf32, #tpu.memory_space<vmem>>) target_semaphore(%run_scoped3A_355 : memref<!tpu.dma_semaphore, #tpu.memory_space<semaphore_mem>>)
      %dma_wait3A_360 = tpu.memref_slice %arg8[%run_scoped3A_337, %mul3A_336] : memref<16x10240xf32, #tpu.memory_space<vmem_shared>> -> memref<1x640xf32, #tpu.memory_space<vmem_shared>>
      %dma_wait3A_361 = tpu.memref_squeeze %dma_wait3A_360 : memref<1x640xf32, #tpu.memory_space<vmem_shared>> -> memref<640xf32, #tpu.memory_space<vmem_shared>>
      %dma_wait3A_362 = tpu.memref_slice %arg8[%run_scoped3A_337, %mul3A_336] : memref<16x10240xf32, #tpu.memory_space<vmem_shared>> -> memref<1x640xf32, #tpu.memory_space<vmem_shared>>
      %dma_wait3A_363 = tpu.memref_squeeze %dma_wait3A_362 : memref<1x640xf32, #tpu.memory_space<vmem_shared>> -> memref<640xf32, #tpu.memory_space<vmem_shared>>
      tpu.wait_dma2 semaphore(%run_scoped3A_355 : memref<!tpu.dma_semaphore, #tpu.memory_space<semaphore_mem>>) src(%dma_wait3A_363 : memref<640xf32, #tpu.memory_space<vmem_shared>>) dst(%arg13 : memref<640xf32, #tpu.memory_space<vmem>>)
      tpu.yield
    }) : () -> ()
    %scan3A_338 = arith.constant 0 : i32
    %scan3A_339 = arith.constant 0 : i32
    %scan3A_340 = arith.constant 40 : i32
    %scan3A_341 = arith.addi %scan3A_339, %scan3A_340 : i32
    %scan3A_342 = arith.constant 1 : i32
    %scan3A_343 = scf.for %scan3A_355 = %scan3A_339 to %scan3A_341 step %scan3A_342 iter_args(%scan3A_356 = %scan3A_338) -> (i32)  : i32 {
      %mul3A_357 = arith.constant 16 : i32
      %mul3A_358 = arith.muli %scan3A_355, %mul3A_357 : i32
      %get3A_359 = arith.index_cast %mul3A_358 : i32 to index
      %get3A_360 = tpu.vector_load %arg14[%get3A_359] {strides = array<i32>} : memref<640xf32, #tpu.memory_space<vmem>>, vector<16xf32>,
      %get3A_361 = arith.index_cast %mul3A_358 : i32 to index
      %get3A_362 = tpu.vector_load %arg13[%get3A_361] {strides = array<i32>} : memref<640xf32, #tpu.memory_space<vmem>>, vector<16xf32>,
      %add3A_363 = arith.addf %get3A_360, %get3A_362 : vector<16xf32>
      %swap3A = arith.index_cast %mul3A_358 : i32 to index
      %swap3A_364 = tpu.vector_load %arg14[%swap3A] {strides = array<i32>} : memref<640xf32, #tpu.memory_space<vmem>>, vector<16xf32>,
      tpu.vector_store %arg14[%swap3A], %add3A_363 {strides = array<i32>} : memref<640xf32, #tpu.memory_space<vmem>>, vector<16xf32>,
      %scan3A_365 = arith.constant 0 : i32
      scf.yield %scan3A_365 : i32
    }
    %scan3A_344 = arith.constant 40 : i32
    %mul3A_345 = arith.constant 640 : i32
    %mul3A_346 = arith.muli %arg1, %mul3A_345 : i32
    %run_scoped3A_347 = arith.constant 15 : i32
    "tpu.region"() ({
      %run_scoped3A_355 = tpu.sem_alloc : memref<!tpu.dma_semaphore, #tpu.memory_space<semaphore_mem>>
      %dma_start3A_356 = tpu.memref_slice %arg8[%run_scoped3A_347, %mul3A_346] : memref<16x10240xf32, #tpu.memory_space<vmem_shared>> -> memref<1x640xf32, #tpu.memory_space<vmem_shared>>
      %dma_start3A_357 = tpu.memref_squeeze %dma_start3A_356 : memref<1x640xf32, #tpu.memory_space<vmem_shared>> -> memref<640xf32, #tpu.memory_space<vmem_shared>>
      %dma_start3A_358 = tpu.memref_slice %arg8[%run_scoped3A_347, %mul3A_346] : memref<16x10240xf32, #tpu.memory_space<vmem_shared>> -> memref<1x640xf32, #tpu.memory_space<vmem_shared>>
      %dma_start3A_359 = tpu.memref_squeeze %dma_start3A_358 : memref<1x640xf32, #tpu.memory_space<vmem_shared>> -> memref<640xf32, #tpu.memory_space<vmem_shared>>
      tpu.enqueue_dma source(%dma_start3A_359 : memref<640xf32, #tpu.memory_space<vmem_shared>>) target(%arg13 : memref<640xf32, #tpu.memory_space<vmem>>) target_semaphore(%run_scoped3A_355 : memref<!tpu.dma_semaphore, #tpu.memory_space<semaphore_mem>>)
      %dma_wait3A_360 = tpu.memref_slice %arg8[%run_scoped3A_347, %mul3A_346] : memref<16x10240xf32, #tpu.memory_space<vmem_shared>> -> memref<1x640xf32, #tpu.memory_space<vmem_shared>>
      %dma_wait3A_361 = tpu.memref_squeeze %dma_wait3A_360 : memref<1x640xf32, #tpu.memory_space<vmem_shared>> -> memref<640xf32, #tpu.memory_space<vmem_shared>>
      %dma_wait3A_362 = tpu.memref_slice %arg8[%run_scoped3A_347, %mul3A_346] : memref<16x10240xf32, #tpu.memory_space<vmem_shared>> -> memref<1x640xf32, #tpu.memory_space<vmem_shared>>
      %dma_wait3A_363 = tpu.memref_squeeze %dma_wait3A_362 : memref<1x640xf32, #tpu.memory_space<vmem_shared>> -> memref<640xf32, #tpu.memory_space<vmem_shared>>
      tpu.wait_dma2 semaphore(%run_scoped3A_355 : memref<!tpu.dma_semaphore, #tpu.memory_space<semaphore_mem>>) src(%dma_wait3A_363 : memref<640xf32, #tpu.memory_space<vmem_shared>>) dst(%arg13 : memref<640xf32, #tpu.memory_space<vmem>>)
      tpu.yield
    }) : () -> ()
    %scan3A_348 = arith.constant 0 : i32
    %scan3A_349 = arith.constant 0 : i32
    %scan3A_350 = arith.constant 40 : i32
    %scan3A_351 = arith.addi %scan3A_349, %scan3A_350 : i32
    %scan3A_352 = arith.constant 1 : i32
    %scan3A_353 = scf.for %scan3A_355 = %scan3A_349 to %scan3A_351 step %scan3A_352 iter_args(%scan3A_356 = %scan3A_348) -> (i32)  : i32 {
      %mul3A_357 = arith.constant 16 : i32
      %mul3A_358 = arith.muli %scan3A_355, %mul3A_357 : i32
      %get3A_359 = arith.index_cast %mul3A_358 : i32 to index
      %get3A_360 = tpu.vector_load %arg14[%get3A_359] {strides = array<i32>} : memref<640xf32, #tpu.memory_space<vmem>>, vector<16xf32>,
      %get3A_361 = arith.index_cast %mul3A_358 : i32 to index
      %get3A_362 = tpu.vector_load %arg13[%get3A_361] {strides = array<i32>} : memref<640xf32, #tpu.memory_space<vmem>>, vector<16xf32>,
      %add3A_363 = arith.addf %get3A_360, %get3A_362 : vector<16xf32>
      %swap3A = arith.index_cast %mul3A_358 : i32 to index
      %swap3A_364 = tpu.vector_load %arg14[%swap3A] {strides = array<i32>} : memref<640xf32, #tpu.memory_space<vmem>>, vector<16xf32>,
      tpu.vector_store %arg14[%swap3A], %add3A_363 {strides = array<i32>} : memref<640xf32, #tpu.memory_space<vmem>>, vector<16xf32>,
      %scan3A_365 = arith.constant 0 : i32
      scf.yield %scan3A_365 : i32
    }
    %scan3A_354 = arith.constant 40 : i32
    "tpu.region"() ({
      %run_scoped3A_355 = tpu.sem_alloc : memref<!tpu.dma_semaphore, #tpu.memory_space<semaphore_mem>>
      %dma_start3A_356 = arith.constant 0 : i32
      %dma_start3A_357 = tpu.memref_slice %arg6[%arg0, %arg1, %dma_start3A_356] : memref<2x16x640xf32, #tpu.memory_space<hbm>> -> memref<1x1x640xf32, #tpu.memory_space<hbm>>
      %dma_start3A_358 = tpu.memref_squeeze %dma_start3A_357 : memref<1x1x640xf32, #tpu.memory_space<hbm>> -> memref<640xf32, #tpu.memory_space<hbm>>
      %dma_start3A_359 = arith.constant 0 : i32
      %dma_start3A_360 = tpu.memref_slice %arg6[%arg0, %arg1, %dma_start3A_359] : memref<2x16x640xf32, #tpu.memory_space<hbm>> -> memref<1x1x640xf32, #tpu.memory_space<hbm>>
      %dma_start3A_361 = tpu.memref_squeeze %dma_start3A_360 : memref<1x1x640xf32, #tpu.memory_space<hbm>> -> memref<640xf32, #tpu.memory_space<hbm>>
      tpu.enqueue_dma source(%arg14 : memref<640xf32, #tpu.memory_space<vmem>>) target(%dma_start3A_361 : memref<640xf32, #tpu.memory_space<hbm>>) target_semaphore(%run_scoped3A_355 : memref<!tpu.dma_semaphore, #tpu.memory_space<semaphore_mem>>)
      %dma_wait3A_362 = arith.constant 0 : i32
      %dma_wait3A_363 = tpu.memref_slice %arg6[%arg0, %arg1, %dma_wait3A_362] : memref<2x16x640xf32, #tpu.memory_space<hbm>> -> memref<1x1x640xf32, #tpu.memory_space<hbm>>
      %dma_wait3A_364 = tpu.memref_squeeze %dma_wait3A_363 : memref<1x1x640xf32, #tpu.memory_space<hbm>> -> memref<640xf32, #tpu.memory_space<hbm>>
      %dma_wait3A_365 = arith.constant 0 : i32
      %dma_wait3A_366 = tpu.memref_slice %arg6[%arg0, %arg1, %dma_wait3A_365] : memref<2x16x640xf32, #tpu.memory_space<hbm>> -> memref<1x1x640xf32, #tpu.memory_space<hbm>>
      %dma_wait3A_367 = tpu.memref_squeeze %dma_wait3A_366 : memref<1x1x640xf32, #tpu.memory_space<hbm>> -> memref<640xf32, #tpu.memory_space<hbm>>
      tpu.wait_dma2 semaphore(%run_scoped3A_355 : memref<!tpu.dma_semaphore, #tpu.memory_space<semaphore_mem>>) src(%arg14 : memref<640xf32, #tpu.memory_space<vmem>>) dst(%dma_wait3A_367 : memref<640xf32, #tpu.memory_space<hbm>>)
      tpu.yield
    }) : () -> ()
    return
  }
}

module attributes {stable_mosaic.version = 14 : i64} {
  func.func @_precompute_body(%arg0: i32, %arg1: memref<2000x128xf32, #tpu.memory_space<vmem>>, %arg2: memref<256x128xf32, #tpu.memory_space<vmem>>, %arg3: memref<1x128xf32, #tpu.memory_space<vmem>>, %arg4: memref<128x128xf32, #tpu.memory_space<vmem>>, %arg5: memref<2000x128xf32, #tpu.memory_space<vmem>>, %arg6: memref<2000x128xf32, #tpu.memory_space<vmem>>, %arg7: memref<2000x128xf32, #tpu.memory_space<vmem>>) attributes {dimension_semantics = [#tpu.dimension_semantics<arbitrary>], iteration_bounds = array<i64: 5>, scalar_prefetch = 0 : i64, scratch_operands = 0 : i64, tpu.core_type = #tpu.core_type<tc>, window_params = [{transform_indices = @transform_0, window_bounds = array<i64: 2000, 128>}, {pipeline_mode = #tpu.pipeline_mode<synchronous>, transform_indices = @transform_1, window_bounds = array<i64: 256, 128>}, {pipeline_mode = #tpu.pipeline_mode<synchronous>, transform_indices = @transform_2, window_bounds = array<i64: 1, 128>}, {pipeline_mode = #tpu.pipeline_mode<synchronous>, transform_indices = @transform_3, window_bounds = array<i64: 128, 128>}, {transform_indices = @transform_4, window_bounds = array<i64: 2000, 128>}, {transform_indices = @transform_5, window_bounds = array<i64: 2000, 128>}, {transform_indices = @transform_6, window_bounds = array<i64: 2000, 128>}]} {
    %get3A = arith.constant 0 : index
    %get3A_0 = arith.constant 0 : index
    %get3A_1 = vector.load %arg1[%get3A, %get3A_0] : memref<2000x128xf32, #tpu.memory_space<vmem>>, vector<2000x128xf32>
    %get3A_2 = arith.constant 0 : index
    %get3A_3 = arith.constant 0 : index
    %get3A_4 = vector.load %arg2[%get3A_2, %get3A_3] : memref<256x128xf32, #tpu.memory_space<vmem>>, vector<128x128xf32>
    %dot_general3A = arith.constant dense<0.000000e+00> : vector<2000x128xf32>
    %dot_general3A_5 = tpu.matmul %get3A_1, %get3A_4, %dot_general3A {dimension_numbers = #tpu.dot_dimension_numbers<[1], [0], [0], [1], [0, 0, 1, 1], [], []>, transpose_lhs_hint = false} : vector<2000x128xf32>, vector<128x128xf32>, vector<2000x128xf32> -> vector<2000x128xf32>
    %get3A_6 = arith.constant 0 : index
    %get3A_7 = arith.constant 0 : index
    %get3A_8 = vector.load %arg3[%get3A_6, %get3A_7] : memref<1x128xf32, #tpu.memory_space<vmem>>, vector<1x128xf32>
    %add3A = vector.broadcast %get3A_8 : vector<1x128xf32> to vector<2000x128xf32>
    %add3A_9 = arith.addf %dot_general3A_5, %add3A : vector<2000x128xf32>
    %swap3A = arith.constant 0 : index
    %swap3A_10 = arith.constant 0 : index
    %swap3A_11 = vector.load %arg5[%swap3A, %swap3A_10] : memref<2000x128xf32, #tpu.memory_space<vmem>>, vector<2000x128xf32>
    tpu.vector_store %arg5[%swap3A, %swap3A_10], %add3A_9 {strides = array<i32>} : memref<2000x128xf32, #tpu.memory_space<vmem>>, vector<2000x128xf32>,
    %get3A_12 = arith.constant 128 : index
    %get3A_13 = arith.constant 0 : index
    %get3A_14 = vector.load %arg2[%get3A_12, %get3A_13] : memref<256x128xf32, #tpu.memory_space<vmem>>, vector<128x128xf32>
    %dot_general3A_15 = arith.constant dense<0.000000e+00> : vector<2000x128xf32>
    %dot_general3A_16 = tpu.matmul %get3A_1, %get3A_14, %dot_general3A_15 {dimension_numbers = #tpu.dot_dimension_numbers<[1], [0], [0], [1], [0, 0, 1, 1], [], []>, transpose_lhs_hint = false} : vector<2000x128xf32>, vector<128x128xf32>, vector<2000x128xf32> -> vector<2000x128xf32>
    %swap3A_17 = arith.constant 0 : index
    %swap3A_18 = arith.constant 0 : index
    %swap3A_19 = vector.load %arg6[%swap3A_17, %swap3A_18] : memref<2000x128xf32, #tpu.memory_space<vmem>>, vector<2000x128xf32>
    tpu.vector_store %arg6[%swap3A_17, %swap3A_18], %dot_general3A_16 {strides = array<i32>} : memref<2000x128xf32, #tpu.memory_space<vmem>>, vector<2000x128xf32>,
    %get3A_20 = arith.constant 0 : index
    %get3A_21 = arith.constant 0 : index
    %get3A_22 = vector.load %arg4[%get3A_20, %get3A_21] : memref<128x128xf32, #tpu.memory_space<vmem>>, vector<128x128xf32>
    %dot_general3A_23 = arith.constant dense<0.000000e+00> : vector<2000x128xf32>
    %dot_general3A_24 = tpu.matmul %get3A_1, %get3A_22, %dot_general3A_23 {dimension_numbers = #tpu.dot_dimension_numbers<[1], [0], [0], [1], [0, 0, 1, 1], [], []>, transpose_lhs_hint = false} : vector<2000x128xf32>, vector<128x128xf32>, vector<2000x128xf32> -> vector<2000x128xf32>
    %swap3A_25 = arith.constant 0 : index
    %swap3A_26 = arith.constant 0 : index
    %swap3A_27 = vector.load %arg7[%swap3A_25, %swap3A_26] : memref<2000x128xf32, #tpu.memory_space<vmem>>, vector<2000x128xf32>
    tpu.vector_store %arg7[%swap3A_25, %swap3A_26], %dot_general3A_24 {strides = array<i32>} : memref<2000x128xf32, #tpu.memory_space<vmem>>, vector<2000x128xf32>,
    return
  }
  func.func @transform_0(%arg0: i32) -> (i32, i32) {
    %c0_i32 = arith.constant 0 : i32
    %c0_i32_0 = arith.constant 0 : i32
    return %arg0, %c0_i32 : i32, i32
  }
  func.func @transform_1(%arg0: i32) -> (i32, i32) {
    %c0_i32 = arith.constant 0 : i32
    %c0_i32_0 = arith.constant 0 : i32
    %c0_i32_1 = arith.constant 0 : i32
    return %c0_i32, %c0_i32_0 : i32, i32
  }
  func.func @transform_2(%arg0: i32) -> (i32, i32) {
    %c0_i32 = arith.constant 0 : i32
    %c0_i32_0 = arith.constant 0 : i32
    %c0_i32_1 = arith.constant 0 : i32
    return %c0_i32, %c0_i32_0 : i32, i32
  }
  func.func @transform_3(%arg0: i32) -> (i32, i32) {
    %c0_i32 = arith.constant 0 : i32
    %c0_i32_0 = arith.constant 0 : i32
    %c0_i32_1 = arith.constant 0 : i32
    return %c0_i32, %c0_i32_0 : i32, i32
  }
  func.func @transform_4(%arg0: i32) -> (i32, i32) {
    %c0_i32 = arith.constant 0 : i32
    %c0_i32_0 = arith.constant 0 : i32
    return %arg0, %c0_i32 : i32, i32
  }
  func.func @transform_5(%arg0: i32) -> (i32, i32) {
    %c0_i32 = arith.constant 0 : i32
    %c0_i32_0 = arith.constant 0 : i32
    return %arg0, %c0_i32 : i32, i32
  }
  func.func @transform_6(%arg0: i32) -> (i32, i32) {
    %c0_i32 = arith.constant 0 : i32
    %c0_i32_0 = arith.constant 0 : i32
    return %arg0, %c0_i32 : i32, i32
  }
}

module attributes {stable_mosaic.version = 14 : i64} {
  func.func @_combine_body(%arg0: memref<2x10240x128xf32, #tpu.memory_space<vmem>>, %arg1: memref<2x10240x1xf32, #tpu.memory_space<vmem>>, %arg2: memref<10000x128xf32, #tpu.memory_space<vmem>>, %arg3: memref<128x128xf32, #tpu.memory_space<vmem>>, %arg4: memref<1x128xf32, #tpu.memory_space<vmem>>, %arg5: memref<1x128xf32, #tpu.memory_space<vmem>>, %arg6: memref<1x128xf32, #tpu.memory_space<vmem>>, %arg7: memref<10000x128xf32, #tpu.memory_space<vmem>>) attributes {dimension_semantics = [], scalar_prefetch = 0 : i64, scratch_operands = 0 : i64, tpu.core_type = #tpu.core_type<tc>} {
    %get3A = arith.constant 0 : index
    %get3A_0 = arith.constant 0 : index
    %get3A_1 = arith.constant 0 : index
    %get3A_2 = vector.load %arg0[%get3A, %get3A_0, %get3A_1] : memref<2x10240x128xf32, #tpu.memory_space<vmem>>, vector<1x10240x128xf32>
    %get3A_3 = vector.shape_cast %get3A_2 : vector<1x10240x128xf32> to vector<10240x128xf32>
    %slice3A = vector.extract_strided_slice %get3A_3 {offsets = [0, 0], sizes = [10000, 128], strides = [1, 1]} : vector<10240x128xf32> to vector<10000x128xf32>
    %get3A_4 = arith.constant 1 : index
    %get3A_5 = arith.constant 0 : index
    %get3A_6 = arith.constant 0 : index
    %get3A_7 = vector.load %arg0[%get3A_4, %get3A_5, %get3A_6] : memref<2x10240x128xf32, #tpu.memory_space<vmem>>, vector<1x10240x128xf32>
    %get3A_8 = vector.shape_cast %get3A_7 : vector<1x10240x128xf32> to vector<10240x128xf32>
    %slice3A_9 = vector.extract_strided_slice %get3A_8 {offsets = [0, 0], sizes = [10000, 128], strides = [1, 1]} : vector<10240x128xf32> to vector<10000x128xf32>
    %add3A = arith.addf %slice3A, %slice3A_9 : vector<10000x128xf32>
    %get3A_10 = arith.constant 0 : index
    %get3A_11 = arith.constant 0 : index
    %get3A_12 = arith.constant 0 : index
    %get3A_13 = vector.load %arg1[%get3A_10, %get3A_11, %get3A_12] : memref<2x10240x1xf32, #tpu.memory_space<vmem>>, vector<1x10240x1xf32>
    %get3A_14 = vector.shape_cast %get3A_13 : vector<1x10240x1xf32> to vector<10240x1xf32>
    %slice3A_15 = vector.extract_strided_slice %get3A_14 {offsets = [0, 0], sizes = [10000, 1], strides = [1, 1]} : vector<10240x1xf32> to vector<10000x1xf32>
    %get3A_16 = arith.constant 1 : index
    %get3A_17 = arith.constant 0 : index
    %get3A_18 = arith.constant 0 : index
    %get3A_19 = vector.load %arg1[%get3A_16, %get3A_17, %get3A_18] : memref<2x10240x1xf32, #tpu.memory_space<vmem>>, vector<1x10240x1xf32>
    %get3A_20 = vector.shape_cast %get3A_19 : vector<1x10240x1xf32> to vector<10240x1xf32>
    %slice3A_21 = vector.extract_strided_slice %get3A_20 {offsets = [0, 0], sizes = [10000, 1], strides = [1, 1]} : vector<10240x1xf32> to vector<10000x1xf32>
    %add3A_22 = arith.addf %slice3A_15, %slice3A_21 : vector<10000x1xf32>
    %max3A = arith.constant 1.000000e+00 : f32
    %max3A_23 = vector.broadcast %max3A : f32 to vector<10000x1xf32>
    %max3A_24 = arith.maximumf %add3A_22, %max3A_23 : vector<10000x1xf32>
    %min3A = arith.constant 1.000000e+00 : f32
    %min3A_25 = vector.broadcast %min3A : f32 to vector<10000x1xf32>
    %min3A_26 = arith.minimumf %add3A_22, %min3A_25 : vector<10000x1xf32>
    %div3A = vector.broadcast %max3A_24 : vector<10000x1xf32> to vector<10000x128xf32>
    %div3A_27 = arith.divf %add3A, %div3A : vector<10000x128xf32>
    %get3A_28 = arith.constant 0 : index
    %get3A_29 = arith.constant 0 : index
    %get3A_30 = vector.load %arg3[%get3A_28, %get3A_29] : memref<128x128xf32, #tpu.memory_space<vmem>>, vector<128x128xf32>
    %dot_general3A = arith.constant dense<0.000000e+00> : vector<10000x128xf32>
    %dot_general3A_31 = tpu.matmul %div3A_27, %get3A_30, %dot_general3A {dimension_numbers = #tpu.dot_dimension_numbers<[1], [0], [0], [1], [0, 0, 1, 1], [], []>, transpose_lhs_hint = false} : vector<10000x128xf32>, vector<128x128xf32>, vector<10000x128xf32> -> vector<10000x128xf32>
    %get3A_32 = arith.constant 0 : index
    %get3A_33 = arith.constant 0 : index
    %get3A_34 = vector.load %arg4[%get3A_32, %get3A_33] : memref<1x128xf32, #tpu.memory_space<vmem>>, vector<1x128xf32>
    %mul3A = vector.broadcast %get3A_34 : vector<1x128xf32> to vector<10000x128xf32>
    %mul3A_35 = vector.broadcast %min3A_26 : vector<10000x1xf32> to vector<10000x128xf32>
    %mul3A_36 = arith.mulf %mul3A, %mul3A_35 : vector<10000x128xf32>
    %add3A_37 = arith.addf %dot_general3A_31, %mul3A_36 : vector<10000x128xf32>
    %get3A_38 = arith.constant 0 : index
    %get3A_39 = arith.constant 0 : index
    %get3A_40 = vector.load %arg2[%get3A_38, %get3A_39] : memref<10000x128xf32, #tpu.memory_space<vmem>>, vector<10000x128xf32>
    %add3A_41 = arith.addf %add3A_37, %get3A_40 : vector<10000x128xf32>
    %reduce_sum3A = arith.constant dense<0.000000e+00> : vector<128xf32>
    %reduce_sum3A_42 = vector.multi_reduction <add>, %add3A_41, %reduce_sum3A [0] : vector<10000x128xf32> to vector<128xf32>
    %broadcast_in_dim3A = vector.shape_cast %reduce_sum3A_42 : vector<128xf32> to vector<1x128xf32>
    %div3A_43 = arith.constant 1.000000e+04 : f32
    %div3A_44 = vector.broadcast %div3A_43 : f32 to vector<1x128xf32>
    %div3A_45 = arith.divf %broadcast_in_dim3A, %div3A_44 : vector<1x128xf32>
    %sub3A = vector.broadcast %div3A_45 : vector<1x128xf32> to vector<10000x128xf32>
    %sub3A_46 = arith.subf %add3A_41, %sub3A : vector<10000x128xf32>
    %integer_pow3A = arith.mulf %sub3A_46, %sub3A_46 : vector<10000x128xf32>
    %reduce_sum3A_47 = arith.constant dense<0.000000e+00> : vector<128xf32>
    %reduce_sum3A_48 = vector.multi_reduction <add>, %integer_pow3A, %reduce_sum3A_47 [0] : vector<10000x128xf32> to vector<128xf32>
    %broadcast_in_dim3A_49 = vector.shape_cast %reduce_sum3A_48 : vector<128xf32> to vector<1x128xf32>
    %div3A_50 = arith.constant 1.000000e+04 : f32
    %div3A_51 = vector.broadcast %div3A_50 : f32 to vector<1x128xf32>
    %div3A_52 = arith.divf %broadcast_in_dim3A_49, %div3A_51 : vector<1x128xf32>
    %sub3A_53 = vector.broadcast %div3A_45 : vector<1x128xf32> to vector<10000x128xf32>
    %sub3A_54 = arith.subf %add3A_41, %sub3A_53 : vector<10000x128xf32>
    %add3A_55 = arith.constant 9.99999974E-6 : f32
    %add3A_56 = vector.broadcast %add3A_55 : f32 to vector<1x128xf32>
    %add3A_57 = arith.addf %div3A_52, %add3A_56 : vector<1x128xf32>
    %rsqrt3A = math.rsqrt %add3A_57 : vector<1x128xf32>
    %mul3A_58 = vector.broadcast %rsqrt3A : vector<1x128xf32> to vector<10000x128xf32>
    %mul3A_59 = arith.mulf %sub3A_54, %mul3A_58 : vector<10000x128xf32>
    %get3A_60 = arith.constant 0 : index
    %get3A_61 = arith.constant 0 : index
    %get3A_62 = vector.load %arg5[%get3A_60, %get3A_61] : memref<1x128xf32, #tpu.memory_space<vmem>>, vector<1x128xf32>
    %mul3A_63 = vector.broadcast %get3A_62 : vector<1x128xf32> to vector<10000x128xf32>
    %mul3A_64 = arith.mulf %mul3A_59, %mul3A_63 : vector<10000x128xf32>
    %get3A_65 = arith.constant 0 : index
    %get3A_66 = arith.constant 0 : index
    %get3A_67 = vector.load %arg6[%get3A_65, %get3A_66] : memref<1x128xf32, #tpu.memory_space<vmem>>, vector<1x128xf32>
    %add3A_68 = vector.broadcast %get3A_67 : vector<1x128xf32> to vector<10000x128xf32>
    %add3A_69 = arith.addf %mul3A_64, %add3A_68 : vector<10000x128xf32>
    %max3A_70 = arith.constant 0.000000e+00 : f32
    %max3A_71 = vector.broadcast %max3A_70 : f32 to vector<10000x128xf32>
    %max3A_72 = arith.maximumf %add3A_69, %max3A_71 : vector<10000x128xf32>
    %swap3A = arith.constant 0 : index
    %swap3A_73 = arith.constant 0 : index
    %swap3A_74 = vector.load %arg7[%swap3A, %swap3A_73] : memref<10000x128xf32, #tpu.memory_space<vmem>>, vector<10000x128xf32>
    tpu.vector_store %arg7[%swap3A, %swap3A_73], %max3A_72 {strides = array<i32>} : memref<10000x128xf32, #tpu.memory_space<vmem>>, vector<10000x128xf32>,
    return
  }
}

</mosaic_0001>

<sc_bundles>
// kernel: kernel.5.cloned.1.call-start
scs
__scs_entry_jumppad:
0x0: {  	(pc) =	sbr.rel $0x88, $3  }
0x1: {  	(tag) =	ssettag $0x0;
	lr =	simm.s32 $0x1  }
0x2: {  	[smem:$0x3F96] =	sst lr;
	_ =	strace $0xD0000000  }
0x3: {  	_ = 	snop  }
0x4: {  	_ = 	snop  }
0x5: {  	_ = 	snop  }
0x6: {  	_ = 	snop  }
0x7: {  	_ = 	snop  }
__scs_overlays_trampoline_lowered:
0x8: {  	[smem:$0x3FA5] =	sst s0  }
0x9: {  	[smem:$0x3FA6] =	sst s1  }
0xa: {  	[smem:$0x3FA7] =	sst s2  }
0xb: {  	[smem:$0x3FA8] =	sst s3  }
0xc: {  	[smem:$0x3FA9] =	sst s4  }
0xd: {  	[smem:$0x3FAA] =	sst s5  }
0xe: {  	[smem:$0x3FAB] =	sst s6  }
0xf: {  	[smem:$0x3FAC] =	sst s7  }
0x10: {  	[smem:$0x3FAD] =	sst s8  }
0x11: {  	[smem:$0x3FAE] =	sst s9;
	s0 =	simm.s32 @!p0 $0x0  }
0x12: {  	s1 =	sld [smem:$0x3F94];
	s0 =	simm.s32 @p0 $0x1  }
0x13: {  	[smem:$0x3FAF] =	sst s0;
	s0 =	simm.s32 @!p1 $0x0  }
0x14: {  	s2 =	sld [smem:$0x3F93];
	s0 =	simm.s32 @p1 $0x1  }
0x15: {  	[smem:$0x3FB0] =	sst s0;
	s0 =	simm.s32 @!p2 $0x0  }
0x16: {  	s3 =	sld [smem:$0x3FDB];
	s0 =	simm.s32 @p2 $0x1  }
0x17: {  	s4 =	simm.s32 $0x1BF5;
	[smem:$0x3FB2] =	sst s0  }
0x18: {  	s0 =	sld [smem:$0x3F95];
	_ =	swait.ge [sflag:s4], $0x0  }
0x19: {  	s7 =	sld [smem:$0x3F96]  }
0x1a: {  	s8 =	sadd.s32 $0xFFFFE003, lr  }
0x1b: {  	s9 =	sadd.s32 $0xFFFFFEF7, lr;
	s5 =	simm.s32 $0xFFFFFFFF;
	p2 =	slt.u32 s8, $0xFFFFF086  }
0x1c: {  	p1 =	slt.u32 s9, $0xF7A;
	s5 =	simm.s32 @!p2 $0x0  }
0x1d: {  	s5 =	simm.s32 @p1 $0x1;
	p0 =	seq.s32 s7, s2  }
0x1e: {  	s7 =	smul.u32 @!p0 $0xF7A, s2;
	p2 =	seq.s32 @!p0 s5, $0x0  }
0x1f: {  	s9 =	smul.u32 $0xF7A, s1;
	s8 =	simm.s32 @!p0 $0x1BF5;
	p2 =	por !p2, p0  }
0x20: {  	[sflag:s8] =	ssyncset.s32 @!p0 $0xFFFFF086;
	s6 =	sadd.s32 @!p0 s3, s7;
	s7 =	simm.s32 @!p0 $0x108  }
0x21: {  	s3 =	sadd.s32 s3, s9;
	s6 =	sadd.s32 @!p0 $0x88, s6;
	s7 =	simm.s32 @p2 $0x1082  }
0x22: {  	[simem:s7], [sflag:s8] =	dma.local @!p0 [hbm:s6], $0xF7A  }
0x23: {  	s9 =	sor.u32 $0xD0000000, s2;
	s6 =	simm.s32 $0x108;
	_ =	swait.ge @!p0 [sflag:s8], $0x0  }
0x24: {  	s3 =	sadd.s32 $0x88, s3;
	s6 =	simm.s32 @!p1 $0x1082;
	[sflag:s4] =	ssyncset.s32 $0xFFFFF086  }
0x25: {  	[simem:s6], [sflag:s4] =	dma.local [hbm:s3], $0xF7A  }
0x26: {  	[smem:$0x3F96] =	sst s1;
	(tag) =	ssettag s2;
	_ =	strace s9  }
0x27: {  	s1 =	sld [smem:$0x3FA6]  }
0x28: {  	s2 =	sld [smem:$0x3FA7]  }
0x29: {  	s4 =	sld [smem:$0x3FA9]  }
0x2a: {  	p0 =	seq.s32 s5, $0x0;
	s5 =	sld [smem:$0x3FAA]  }
0x2b: {  	s6 =	sld [smem:$0x3FAB]  }
0x2c: {  	s7 =	sld [smem:$0x3FAC]  }
0x2d: {  	s3 =	simm.s32 $0x108;
	s8 =	sld [smem:$0x3FAD]  }
0x2e: {  	s3 =	simm.s32 @!p0 $0x1082;
	s9 =	sld [smem:$0x3FAE]  }
0x2f: {  	lr =	sadd.s32 s0, s3;
	s0 =	sld [smem:$0x3FA5]  }
0x30: {  	s3 =	sld [smem:$0x3FA8]  }
0x31: {  	[smem:$0x3FB1] =	sst s10  }
0x32: {  	s10 =	sld [smem:$0x3FAF];
	_ =	sdelay $0x3  }
0x33: {  	p0 =	seq.s32 s10, $0x1;
	s10 =	sld [smem:$0x3FB1];
	_ =	sdelay $0x3  }
0x34: {  	[smem:$0x3FB1] =	sst s10  }
0x35: {  	s10 =	sld [smem:$0x3FB0];
	_ =	sdelay $0x3  }
0x36: {  	p1 =	seq.s32 s10, $0x1;
	s10 =	sld [smem:$0x3FB1];
	_ =	sdelay $0x3  }
0x37: {  	[smem:$0x3FB1] =	sst s10  }
0x38: {  	s10 =	sld [smem:$0x3FB2]  }
0x39: {  	_ = 	snop;
	(pc) =	sbr.ind lr, $3  }
0x3a: {  	_ = 	snop  }
0x3b: {  	_ = 	snop  }
0x3c: {  	p2 =	seq.s32 s10, $0x1;
	s10 =	sld [smem:$0x3FB1]  }
0x3d: {  	_ =	shalt  }
0x3e: {  	_ =	shalt  }
0x3f: {  	_ =	shalt  }
0x40: {  	_ =	shalt  }
0x41: {  	_ =	shalt  }
0x42: {  	_ =	shalt  }
0x43: {  	_ =	shalt  }
0x44: {  	_ =	shalt  }
0x45: {  	_ =	shalt  }
0x46: {  	_ =	shalt  }
0x47: {  	_ =	shalt  }
0x48: {  	_ =	shalt  }
0x49: {  	_ =	shalt  }
0x4a: {  	_ =	shalt  }
0x4b: {  	_ =	shalt  }
0x4c: {  	_ =	shalt  }
0x4d: {  	_ =	shalt  }
0x4e: {  	_ =	shalt  }
0x4f: {  	_ =	shalt  }
0x50: {  	_ =	shalt  }
0x51: {  	_ =	shalt  }
0x52: {  	_ =	shalt  }
0x53: {  	_ =	shalt  }
0x54: {  	_ =	shalt  }
0x55: {  	_ =	shalt  }
0x56: {  	_ =	shalt  }
0x57: {  	_ =	shalt  }
0x58: {  	_ =	shalt  }
0x59: {  	_ =	shalt  }
0x5a: {  	_ =	shalt  }
0x5b: {  	_ =	shalt  }
0x5c: {  	_ =	shalt  }
0x5d: {  	_ =	shalt  }
0x5e: {  	_ =	shalt  }
0x5f: {  	_ =	shalt  }
0x60: {  	_ =	shalt  }
0x61: {  	_ =	shalt  }
0x62: {  	_ =	shalt  }
0x63: {  	_ =	shalt  }
0x64: {  	_ =	shalt  }
0x65: {  	_ =	shalt  }
0x66: {  	_ =	shalt  }
0x67: {  	_ =	shalt  }
0x68: {  	_ =	shalt  }
0x69: {  	_ =	shalt  }
0x6a: {  	_ =	shalt  }
0x6b: {  	_ =	shalt  }
0x6c: {  	_ =	shalt  }
0x6d: {  	_ =	shalt  }
0x6e: {  	_ =	shalt  }
0x6f: {  	_ =	shalt  }
0x70: {  	_ =	shalt  }
0x71: {  	_ =	shalt  }
0x72: {  	_ =	shalt  }
0x73: {  	_ =	shalt  }
0x74: {  	_ =	shalt  }
0x75: {  	_ =	shalt  }
0x76: {  	_ =	shalt  }
0x77: {  	_ =	shalt  }
0x78: {  	_ =	shalt  }
0x79: {  	_ =	shalt  }
0x7a: {  	_ =	shalt  }
0x7b: {  	_ =	shalt  }
0x7c: {  	_ =	shalt  }
0x7d: {  	_ =	shalt  }
0x7e: {  	_ =	shalt  }
0x7f: {  	_ =	shalt  }
0x80: {  	_ =	shalt  }
0x81: {  	_ =	shalt  }
0x82: {  	_ =	shalt  }
0x83: {  	_ =	shalt  }
0x84: {  	_ =	shalt  }
0x85: {  	_ =	shalt  }
0x86: {  	_ =	shalt  }
0x87: {  	_ =	shalt  }
.Lfunc_end0:
.L_simem_size_0:
called_computation_lowered:
.L_overlay_start_0:
0x88: {  	s2 =	sld [smem:$0x3FD9]  }
0x89: {  	s3 =	sld [smem:$0x3FFE];
	_ =	sdelay $0x1  }
0x8a: {  	s1 =	srdreg.scid  }
0x8b: {  	s0 =	sand.u32 $0x1, s1  }
0x8c: {  	s14 =	sshll.u32 s0, $0xA;
	s2 =	sadd.s32 s3, s2  }
0x8d: {  	s2 =	sadd.s32 s2, s14  }
0x8e: {  	[smem:$0x3FBD] =	sst s2  }
0x8f: {  	_ = 	snop  }
0x90: {  	s2 =	sld [smem:$0x3FD0];
	_ =	sdelay $0x2  }
0x91: {  	s15 =	simm.s32 $0xA;
	s4 =	simm.s32 $0x10  }
0x92: {  	[smem:s4], [sflag:s15] =	dma.local [hbm:s2], $0x1  }
0x93: {  	_ =	swait.eq [sflag:s15], $0x1  }
0x94: {  	s16 =	sld [smem:$0x10];
	[sflag:s15] =	ssyncset.done $0x0  }
0x95: {  	s17 =	sld [smem:$0x11];
	[sflag:s15] =	ssyncadd.s32 $0xFFFFFFFF  }
0x96: {  	s18 =	sld [smem:$0x12];
	(tm) =	ssettm $0x1  }
0x97: {  	s5 =	sld [smem:$0x3FFB];
	_ =	sdelay $0x3  }
0x98: {  	_ =	strace s5  }
0x99: {  	s5 =	sld [smem:$0x3FFC];
	_ =	sdelay $0x3  }
0x9a: {  	_ =	strace s5  }
0x9b: {  	s5 =	sld [smem:$0x3FFD];
	_ =	sdelay $0x3  }
0x9c: {  	_ =	strace s5  }
0x9d: {  	_ =	strace $0x8FFFFFFF  }
0x9e: {  	s19 =	sld [smem:$0x3FDB];
	_ =	sdelay $0x1  }
0x9f: {  	s6 =	simm.s32 $_scs_section_size  }
0xa0: {  	s7 =	simm.s32 $_size__tile_overlayer_lowered;
	s8 =	simm.s32 $_tile_overlayer_lowered  }
0xa1: {  	s22 =	simm.s32 $0x1BFF;
	s21 =	sshll.u32 s8, $0x1;
	s5 =	sadd.s32 s6, s19  }
0xa2: {  	s9 =	simm.s32 $0x0;
	s20 =	sshll.u32 s7, $0x1;
	s7 =	sadd.s32 s21, s5  }
0xa3: {  	[timem:s9], [sflag:s22] =	dma.local [hbm:s7], s20  }
0xa4: {  	_ =	swait.ge [sflag:s22], s20  }
0xa5: {  	s6 =	ssub.s32 $0x0, s20;
	[sflag:s22] =	ssyncset.done $0x0  }
0xa6: {  	[sflag:s22] =	ssyncadd.s32 s6;
	_ =	sdelay $0x1  }
0xa7: {  	s23 =	simm.s32 $0x1B8B  }
0xa8: {  	_ =	swait.ge [sflag:s23], $0x1  }
0xa9: {  	[sflag:s23] =	ssyncset.done $0x0  }
0xaa: {  	s25 =	simm.s32 $0x1B8E;
	s24 =	sld [smem:$0x3FFE];
	[sflag:s23] =	ssyncadd.s32 $0xFFFFFFFF  }
0xab: {  	s26 =	simm.s32 $execute0_lowered;
	[smem:$0x3FD2] =	sst s25  }
0xac: {  	s7 =	sshll.u32 s26, $0x1;
	_ =	strace $0x80000046;
	[dreg:$0x1] =	wrdreg $0xFFFFFFFF  }
0xad: {  	s28 =	simm.s32 $_size_execute0_lowered;
	s5 =	sadd.s32 s5, s7;
	[dreg:$0x0] =	wrdreg $0x0  }
0xae: {  	s7 =	sshll.u32 s28, $0x1;
	[dreg:$0x2] =	wrdreg s5  }
0xaf: {  	[dreg:$0x3] =	wrdreg s7  }
0xb0: {  	[dreg:$0x4] =	wrdreg $0xC0  }
0xb1: {  	_ =	task [dreg:s9], $0x5FFFF  }
0xb2: {  	[dreg:$0x1] =	wrdreg $0xFFFFFFFF  }
0xb3: {  	[dreg:$0x0] =	wrdreg $0x60  }
0xb4: {  	[dreg:$0x2] =	wrdreg s18  }
0xb5: {  	[dreg:$0x3] =	wrdreg s16  }
0xb6: {  	[dreg:$0x4] =	wrdreg s24  }
0xb7: {  	[dreg:$0x5] =	wrdreg s17  }
0xb8: {  	[dreg:$0x6] =	wrdreg $0x0  }
0xb9: {  	[dreg:$0x7] =	wrdreg $0x140000  }
0xba: {  	[dreg:$0x8] =	wrdreg $0x9  }
0xbb: {  	_ =	task.clear_ibuf [dreg:s9], $0x9FFFF;
	_ =	strace $0x90000046  }
0xbc: {  	s29 =	simm.s32 $0x9;
	_ =	strace $0x80000048  }
0xbd: {  	_ =	swait.ge [sflag:s29], $0x1  }
0xbe: {  	[sflag:s29] =	ssyncadd.s32 $0xFFFFFFFF  }
0xbf: {  	_ =	strace $0x90000048  }
0xc0: {  	_ =	sfence  }
0xc1: {  	s30 =	sld [smem:$0x0];
	_ =	sdelay $0x2  }
0xc2: {  	s31 =	sshll.u32 s1, $0xD;
	s1 =	sshrl.u32 s1, $0x2  }
0xc3: {  	s3 =	sand.u32 $0x4000, s31;
	s1 =	sadd.s32 s1, s30  }
0xc4: {  	s0 =	sor.u32 s3, s0;
	s1 =	sshll.u32 s1, $0x11  }
0xc5: {  	s0 =	sor.u32 s1, s0  }
0xc6: {  	s0 =	sadd.s32 $0x8F2B, s0  }
0xc7: {  	[sflag:s0] =	ssyncadd.remote.s32 $0x1  }
0xc8: {  	_ =	sfence.sel $0xFFFF  }
0xc9: {  	[dreg:$0x0] =	wrdreg $0xFFFFFFFF;
	(pc) =	sbr.abs _section_cstart, $3  }
0xca: {  	[dreg:$0x1] =	wrdreg $0xFFFFFFFF  }
0xcb: {  	_ =	task.clear_ibuf [dreg:s9], $0x2FFFF;
	_ =	strace $0x9FFFFFFF  }
0xcc: {  	(tm) =	ssettm $0x7FFFFFFF  }
0xcd: {  	_ =	shalt  }
tec
execute0_lowered:
.L_overlay_start_1:
0x0: {  	(tag) =	ssettag $0x1  }
0x1: {  	s0 =	rddreg [dreg:$0x0]  }
0x2: {  	s1 =	rddreg [dreg:$0x1]  }
0x3: {  	s2 =	rddreg [dreg:$0x2]  }
0x4: {  	s4 =	rddreg [dreg:$0x3]  }
0x5: {  	s3 =	srdreg.scid;
	s18 =	stileid.u32  }
0x6: {  	s5 =	rddreg [dreg:$0x5];
	s6 =	sand.u32 $0x1, s3;
	s14 =	smul.u32 $0x5000, s18  }
0x7: {  	s3 =	simm.s32 $0x0;
	s8 =	sshrl.u32 s18, $0x3;
	s24 =	smul.u32 $0x14000, s18  }
0x8: {  	s11 =	sadd.s32 $0x21E00, s2;
	s13 =	sshll.u32 s18, $0x7;
	s10 =	smul.u32 $0x50000, s8  }
0x9: {  	s7 =	ssub.s32 $0x2, s6;
	[smem:$0x7FF] =	sst s3;
	s22 =	smul.u32 $0x2800, s6  }
0xa: {  	s12 =	sshll.u32 s6, $0x4;
	s8 =	smul.u32 $0x1400, s8;
	s13 =	sand.u32 $0x380, s13  }
0xb: {  	s6 =	smul.u32 $0x140000, s6;
	s9 =	sshrl.u32 s7, $0x1;
	s12 =	sor.u32 s18, s12  }
0xc: {  	s25 =	sshrl.u32 s14, $0x2;
	s14 =	sadd.s32 $0xC800, s24;
	s16 =	sadd.s32 $0xF000, s24  }
0xd: {  	s7 =	ssub.s32 s7, s9;
	s10 =	sshrl.u32 s10, $0x2;
	s8 =	sadd.s32 s22, s8  }
0xe: {  	s20 =	sadd.s32 s25, s5;
	s26 =	sadd.s32 s6, s24;
	s9 =	sadd.s32 $0x11800, s24  }
0xf: {  	s10 =	sadd.s32 s10, s5;
	s8 =	sor.u32 s13, s8;
	s5 =	sadd.s32 $0x5000, s24  }
0x10: {  	s23 =	sadd.s32 s13, s10;
	s8 =	sshrl.u32 s8, $0x3;
	s13 =	sadd.s32 $0xA000, s24  }
0x11: {  	s10 =	sshrl.u32 s26, $0x3;
	s15 =	sadd.s32 s6, s5;
	[dreg:$0x8] =	wrdreg s23  }
0x12: {  	s4 =	sadd.s32 s4, s8;
	s8 =	sadd.s32 $0x7800, s24;
	s10 =	sadd.s32 s11, s10  }
0x13: {  	s15 =	sshrl.u32 s15, $0x3;
	s22 =	sadd.s32 s6, s13;
	[dreg:$0xa] =	wrdreg s4  }
0x14: {  	s23 =	sadd.s32 s6, s14;
	s4 =	sor.u32 $0x2800, s24;
	[dreg:$0xb] =	wrdreg s10  }
0x15: {  	s17 =	sadd.s32 s6, s8;
	s19 =	sadd.s32 s11, s15;
	s24 =	sadd.s32 s6, s16  }
0x16: {  	s15 =	sshrl.u32 s23, $0x3;
	s29 =	sadd.s32 s6, s4;
	s17 =	sshrl.u32 s17, $0x3  }
0x17: {  	[dreg:$0xd] =	wrdreg s19;
	s25 =	sadd.s32 s11, s15;
	s6 =	sadd.s32 s6, s9  }
0x18: {  	s15 =	rddreg [dreg:$0x4];
	s19 =	smul.u32 $0x50000, s18;
	s10 =	sshrl.u32 s29, $0x3  }
0x19: {  	s21 =	sadd.s32 s11, s17;
	s17 =	sshrl.u32 s24, $0x3;
	[dreg:$0x10] =	wrdreg s25  }
0x1a: {  	s29 =	smul.u32 $0xFA0, s12;
	s10 =	sadd.s32 s11, s10;
	[dreg:$0xe] =	wrdreg s21  }
0x1b: {  	s6 =	sshrl.u32 s6, $0x3;
	s26 =	sadd.s32 s11, s17;
	[dreg:$0xc] =	wrdreg s10  }
0x1c: {  	s6 =	sadd.s32 s11, s6;
	s10 =	sshrl.u32 s22, $0x3;
	[dreg:$0x11] =	wrdreg s26  }
0x1d: {  	s17 =	sadd.s32 $0x2A00, s2;
	[dreg:$0x12] =	wrdreg s6;
	s10 =	sadd.s32 s11, s10  }
0x1e: {  	s18 =	smul.u32 $0x19, s12;
	s2 =	sadd.s32 s17, s29;
	[dreg:$0xf] =	wrdreg s10  }
0x1f: {  	s12 =	smax.u32 s7, $0x1;
	_ =	strace $0x80000047;
	[dreg:$0x13] =	wrdreg s2  }
0x20: {  	s11 =	sshrl.u32 s19, $0x2;
	s19 =	sadd.s32 $0x80, s20;
	[dreg:$0x14] =	wrdreg s12  }
0x21: {  	s29 =	sadd.s32 $0x100, s20;
	[dreg:$0x1d] =	wrdreg s19  }
0x22: {  	s22 =	sadd.s32 s4, s15;
	s4 =	sadd.s32 $0x180, s20;
	[dreg:$0x1e] =	wrdreg s29  }
0x23: {  	s23 =	sadd.s32 s5, s15;
	s5 =	sadd.s32 $0x200, s20;
	[dreg:$0x1f] =	wrdreg s4  }
0x24: {  	s6 =	sadd.s32 $0x280, s20;
	[smem:$0x7F2] =	sst s5  }
0x25: {  	s7 =	sadd.s32 $0x300, s20;
	[smem:$0x7F3] =	sst s6  }
0x26: {  	s24 =	sadd.s32 s8, s15;
	s8 =	sadd.s32 $0x380, s20;
	[smem:$0x7F4] =	sst s7  }
0x27: {  	s28 =	sadd.s32 s9, s15;
	s9 =	sadd.s32 $0x14000, s20;
	[smem:$0x7F5] =	sst s8  }
0x28: {  	s10 =	sadd.s32 $0x14080, s20;
	[smem:$0x7F6] =	sst s9  }
0x29: {  	s21 =	sadd.s32 s11, s15;
	s11 =	sadd.s32 $0x14100, s20;
	[smem:$0x7F7] =	sst s10  }
0x2a: {  	s25 =	sadd.s32 s13, s15;
	s13 =	sadd.s32 $0x14200, s20;
	[smem:$0x7F8] =	sst s11  }
0x2b: {  	s26 =	sadd.s32 s14, s15;
	s14 =	sadd.s32 $0x14280, s20;
	[smem:$0x7FA] =	sst s13  }
0x2c: {  	[smem:$0x7FB] =	sst s14  }
0x2d: {  	[dreg:$0x9] =	wrdreg s20  }
0x2e: {  	[dreg:$0x15] =	wrdreg s21  }
0x2f: {  	[dreg:$0x16] =	wrdreg s22  }
0x30: {  	s30 =	simm.s32 $0x5;
	s31 =	simm.s32 $0x50;
	[dreg:$0x17] =	wrdreg s23  }
0x31: {  	s16 =	sadd.s32 s16, s15;
	s12 =	sadd.s32 $0x14180, s20;
	[dreg:$0x18] =	wrdreg s24  }
0x32: {  	s19 =	sadd.s32 $0x14300, s20;
	s29 =	sadd.s32 $0x14380, s20;
	[dreg:$0x19] =	wrdreg s25  }
0x33: {  	s20 =	simm.s32 $0x17200;
	s2 =	simm.s32 $0x28;
	[dreg:$0x1a] =	wrdreg s26  }
0x34: {  	s4 =	simm.s32 $0x19A00;
	s6 =	simm.s32 $0x1AE00;
	[dreg:$0x1b] =	wrdreg s16  }
0x35: {  	s7 =	simm.s32 $0x2;
	s8 =	simm.s32 $0x1C200;
	[dreg:$0x1c] =	wrdreg s28  }
0x36: {  	s9 =	simm.s32 $0x3;
	s10 =	simm.s32 $0x18600;
	[smem:$0x7F9] =	sst s12  }
0x37: {  	s11 =	simm.s32 $0x4;
	s13 =	simm.s32 $0x80;
	[smem:$0x7FC] =	sst s19  }
0x38: {  	v0 =	vimm.f32 $0.0e+00;
	v1 =	vimm.f32 $1.000000000e+00;
	s14 =	simm.s32 $0x400;
	[smem:$0x7FD] =	sst s29;
	s12 =	simm.s32 $0x1  }
.LBB2_1:
0x39: {  	s5 =	simm.s32 $0x0;
	s19 =	simm.s32 $0x200  }
.LBB2_2:
0x3a: {  	p0 =	sne.s32 s19, $0x9E00;
	[tilespmem:s5+$0x17270] =	vst v0  }
0x3b: {  	[tilespmem:s5+$0x17200] =	vst v0  }
0x3c: {  	[tilespmem:s5+$0x17210] =	vst v0  }
.Ltmp0:
0x3d: {  	[tilespmem:s5+$0x17220] =	vst v0;
	(pc) =	sbr.rel @p0 .LBB2_2-.Ltmp0, $4  }
0x3e: {  	[tilespmem:s5+$0x17230] =	vst v0  }
0x3f: {  	[tilespmem:s5+$0x17240] =	vst v0  }
0x40: {  	[tilespmem:s5+$0x17250] =	vst v0  }
0x41: {  	[tilespmem:s5+$0x17260] =	vst v0;
	s5 =	sshra.s32 s19, $0x2;
	s19 =	sadd.s32 $0x200, s19  }
0x42: {  	[tilespmem:s5+$0x17270] =	vst v0  }
0x43: {  	[tilespmem:s5+$0x17200] =	vst v0  }
0x44: {  	[tilespmem:s5+$0x17210] =	vst v0  }
0x45: {  	[tilespmem:s5+$0x17220] =	vst v0  }
0x46: {  	[tilespmem:s5+$0x17230] =	vst v0  }
0x47: {  	[tilespmem:s5+$0x17240] =	vst v0  }
0x48: {  	[tilespmem:s5+$0x17250] =	vst v0  }
0x49: {  	[dreg:$0x7] =	wrdreg s3;
	[tilespmem:s5+$0x17260] =	vst v0  }
0x4a: {  	[spmem:s21] =	stream.linear.scatter [tilespmem:s20], [sflag:$0x5], $0x2800, $0x38;
	[tilespmem:$0x1EF00] =	vst v63  }
0x4b: {  	_ =	swait.ge [sflag:s30], $0x2800  }
0x4c: {  	[sflag:s30] =	ssyncset.done $0x0  }
0x4d: {  	[sflag:s30] =	ssyncadd.s32 $0xFFFFD800  }
0x4e: {  	[spmem:s22] =	stream.linear.scatter [tilespmem:s20], [sflag:$0x5], $0x2800, $0x38;
	[tilespmem:$0x1EF00] =	vst v63  }
0x4f: {  	_ =	swait.ge [sflag:s30], $0x2800  }
0x50: {  	[sflag:s30] =	ssyncset.done $0x0  }
0x51: {  	[sflag:s30] =	ssyncadd.s32 $0xFFFFD800  }
0x52: {  	[spmem:s23] =	stream.linear.scatter [tilespmem:s20], [sflag:$0x5], $0x2800, $0x38;
	[tilespmem:$0x1EF00] =	vst v63  }
0x53: {  	_ =	swait.ge [sflag:s30], $0x2800  }
0x54: {  	[sflag:s30] =	ssyncset.done $0x0  }
0x55: {  	[sflag:s30] =	ssyncadd.s32 $0xFFFFD800  }
0x56: {  	[spmem:s24] =	stream.linear.scatter [tilespmem:s20], [sflag:$0x5], $0x2800, $0x38;
	[tilespmem:$0x1EF00] =	vst v63  }
0x57: {  	_ =	swait.ge [sflag:s30], $0x2800  }
0x58: {  	[sflag:s30] =	ssyncset.done $0x0  }
0x59: {  	[sflag:s30] =	ssyncadd.s32 $0xFFFFD800  }
0x5a: {  	[spmem:s25] =	stream.linear.scatter [tilespmem:s20], [sflag:$0x5], $0x2800, $0x38;
	[tilespmem:$0x1EF00] =	vst v63  }
0x5b: {  	_ =	swait.ge [sflag:s30], $0x2800  }
0x5c: {  	[sflag:s30] =	ssyncset.done $0x0  }
0x5d: {  	[sflag:s30] =	ssyncadd.s32 $0xFFFFD800  }
0x5e: {  	[spmem:s26] =	stream.linear.scatter [tilespmem:s20], [sflag:$0x5], $0x2800, $0x38;
	[tilespmem:$0x1EF00] =	vst v63  }
0x5f: {  	_ =	swait.ge [sflag:s30], $0x2800  }
0x60: {  	[sflag:s30] =	ssyncset.done $0x0  }
0x61: {  	[sflag:s30] =	ssyncadd.s32 $0xFFFFD800  }
0x62: {  	[spmem:s16] =	stream.linear.scatter [tilespmem:s20], [sflag:$0x5], $0x2800, $0x38;
	[tilespmem:$0x1EF00] =	vst v63  }
0x63: {  	_ =	swait.ge [sflag:s30], $0x2800  }
0x64: {  	[sflag:s30] =	ssyncset.done $0x0  }
0x65: {  	[sflag:s30] =	ssyncadd.s32 $0xFFFFD800  }
0x66: {  	[spmem:s28] =	stream.linear.scatter [tilespmem:s20], [sflag:$0x5], $0x2800, $0x38;
	[tilespmem:$0x1EF00] =	vst v63  }
0x67: {  	_ =	swait.ge [sflag:s30], $0x2800  }
0x68: {  	[sflag:s30] =	ssyncset.done $0x0  }
0x69: {  	s5 =	simm.s32 $0x40;
	s19 =	simm.s32 $0x0;
	[sflag:s30] =	ssyncadd.s32 $0xFFFFD800  }
.LBB2_4:
0x6a: {  	p0 =	sne.s32 s5, $0x9FC0;
	[tilespmem:s19+$0x1C200] =	vst v0;
	s19 =	smov.u32 s5;
	s5 =	sadd.s32 $0x40, s5  }
.Ltmp1:
0x6b: {  	(pc) =	sbr.rel @p0 .LBB2_4-.Ltmp1, $2  }
0x6c: {  	_ =	sdelay $0x2  }
0x6d: {  	s19 =	sshra.s32 s19, $0x2  }
0x6e: {  	[tilespmem:s19+$0x1C200] =	vst v0  }
0x6f: {  	[bflag:$0x0] =	sbarrier.arrive $0xFFFF  }
0x70: {  	s19 =	simm.s32 $0x0;
	s5 =	simm.s32 $0x16800;
	s3 =	rddreg [dreg:$0x13]  }
0x71: {  	[tilespmem:s5], [sflag:$0x5] =	stream.linear.gather [hbm4b:s3+s19], $0x500, $0x38;
	[tilespmem:$0x1EF00] =	vst v63  }
0x72: {  	_ =	swait.ge [sflag:s30], $0x500  }
0x73: {  	[sflag:s30] =	ssyncset.done $0x0  }
0x74: {  	[sflag:s30] =	ssyncadd.s32 $0xFFFFFB00  }
0x75: {  	[tilespmem:s20], [sflag:$0x1] =	stream.indirect.gather [hbm4b:s0+s31], $0x80, s5, s31, $0xb8;
	[tilespmem:$0x1EF00] =	vst v63  }
0x76: {  	_ =	swait.ge [sflag:s12], $0x2800  }
0x77: {  	[sflag:s12] =	ssyncset.done $0x0  }
0x78: {  	s26 =	simm.s32 $0x16880;
	[sflag:s12] =	ssyncadd.s32 $0xFFFFD800  }
0x79: {  	[tilespmem:s20], [sflag:$0x1] =	stream.indirect.gather.add.f32 [hbm:s1], $0x80, s26, s31, $0xb8;
	[tilespmem:$0x1EF00] =	vst v63  }
0x7a: {  	s28 =	simm.s32 $0x16900  }
0x7b: {  	[tilespmem:s4], [sflag:$0x2] =	stream.indirect.gather [hbm4b:s0+s2], $0x80, s28, s2, $0xb8;
	[tilespmem:$0x1EF00] =	vst v63  }
0x7c: {  	s29 =	simm.s32 $0x16928  }
0x7d: {  	[tilespmem:s6], [sflag:$0x2] =	stream.indirect.gather [hbm4b:s0+s2], $0x80, s29, s2, $0xb8;
	[tilespmem:$0x1EF00] =	vst v63  }
.LBB2_6:
0x7e: {  	_ =	swait.ge [sflag:s12], $0x2800  }
0x7f: {  	[sflag:s12] =	ssyncset.done $0x0  }
0x80: {  	s23 =	simm.s32 $0x0;
	[sflag:s12] =	ssyncadd.s32 $0xFFFFD800  }
0x81: {  	v3 =	vld [tilespmem:s23+$0x17200]  }
0x82: {  	v5 =	vld [tilespmem:s23+$0x17210]  }
0x83: {  	v6 =	vld [tilespmem:s23+$0x17220]  }
0x84: {  	v4 =	vld [tilespmem:s23+$0x17230]  }
0x85: {  	v2 =	vld [tilespmem:s23+$0x17240]  }
0x86: {  	v7 =	vmax.f32 v3, $0.0e+00;
	v3 =	vld [tilespmem:s23+$0x17250]  }
0x87: {  	s5 =	simm.s32 $0x200;
	[tilespmem:s23+$0x17200] =	vst v7;
	v7 =	vmax.f32 v5, $0.0e+00;
	v5 =	vld [tilespmem:s23+$0x17260]  }
.LBB2_7:
0x88: {  	s21 =	sshra.s32 s5, $0x2;
	p0 =	sne.s32 s5, $0x9E00;
	[tilespmem:s23+$0x17210] =	vst v7;
	v6 =	vmax.f32 v6, $0.0e+00;
	v7 =	vld [tilespmem:s23+$0x17270]  }
0x89: {  	v8 =	vld [tilespmem:s21+$0x17200];
	[tilespmem:s23+$0x17220] =	vst v6;
	v4 =	vmax.f32 v4, $0.0e+00  }
0x8a: {  	v9 =	vld [tilespmem:s21+$0x17210];
	[tilespmem:s23+$0x17230] =	vst v4;
	v2 =	vmax.f32 v2, $0.0e+00  }
.Ltmp2:
0x8b: {  	v6 =	vld [tilespmem:s21+$0x17220];
	[tilespmem:s23+$0x17240] =	vst v2;
	v2 =	vmax.f32 v3, $0.0e+00;
	(pc) =	sbr.rel @p0 .LBB2_7-.Ltmp2, $4  }
0x8c: {  	v4 =	vld [tilespmem:s21+$0x17230];
	[tilespmem:s23+$0x17250] =	vst v2;
	v3 =	vmax.f32 v5, $0.0e+00  }
0x8d: {  	v2 =	vld [tilespmem:s21+$0x17240];
	[tilespmem:s23+$0x17260] =	vst v3;
	v5 =	vmax.f32 v7, $0.0e+00  }
0x8e: {  	v7 =	vmax.f32 v8, $0.0e+00;
	v3 =	vld [tilespmem:s21+$0x17250];
	[tilespmem:s23+$0x17270] =	vst v5;
	s23 =	smov.u32 s21  }
0x8f: {  	s5 =	sadd.s32 $0x200, s5;
	[tilespmem:s23+$0x17200] =	vst v7;
	v7 =	vmax.f32 v9, $0.0e+00;
	v5 =	vld [tilespmem:s23+$0x17260]  }
0x90: {  	s5 =	sshllo.u32 s19, $0x1  }
0x91: {  	[tilespmem:s23+$0x17210] =	vst v7;
	v6 =	vmax.f32 v6, $0.0e+00;
	v7 =	vld [tilespmem:s23+$0x17270];
	s21 =	smulhi.u32 $0x66666667, s5  }
0x92: {  	[tilespmem:s23+$0x17220] =	vst v6;
	v4 =	vmax.f32 v4, $0.0e+00  }
0x93: {  	[tilespmem:s23+$0x17230] =	vst v4;
	v2 =	vmax.f32 v2, $0.0e+00;
	s21 =	sshrl.u32 s21, $0x1  }
0x94: {  	[tilespmem:s23+$0x17240] =	vst v2;
	v2 =	vmax.f32 v3, $0.0e+00;
	s22 =	smul.u32 $0x5, s21  }
0x95: {  	s26 =	smul.u32 $0x19A, s19;
	[tilespmem:s23+$0x17250] =	vst v2;
	v2 =	vmax.f32 v5, $0.0e+00;
	s24 =	sand.u32 $0x1, s21  }
0x96: {  	[tilespmem:s23+$0x17260] =	vst v2;
	v2 =	vmax.f32 v7, $0.0e+00;
	p0 =	seq.s32 s24, $0x1;
	s24 =	simm.s32 $0x500;
	s25 =	ssub.s32 s5, s22  }
0x97: {  	s26 =	sshrl.u32 s26, $0xA;
	[tilespmem:s23+$0x17270] =	vst v2;
	s24 =	simm.s32 @!p0 $0x0;
	s25 =	sshll.u32 s25, $0x8  }
0x98: {  	s28 =	sand.u32 $0x3F, s26;
	_ =	swait.ge [sflag:s7], $0x2800;
	s25 =	sadd.s32 s25, s24  }
0x99: {  	s29 =	smul.u32 $0x5, s28;
	[sflag:s7] =	ssyncset.done $0x0;
	s24 =	sadd.s32 $0x16800, s25  }
0x9a: {  	s23 =	sshll.u32 s19, $0x1;
	[sflag:s7] =	ssyncadd.s32 $0xFFFFD800;
	s3 =	sor.u32 $0x80, s24  }
0x9b: {  	[tilespmem:s4], [sflag:$0x2] =	stream.indirect.gather.add.f32 [hbm:s1], $0x80, s3, s2, $0xb8;
	[tilespmem:$0x1EF00] =	vst v63  }
0x9c: {  	s26 =	sand.u32 $0x1, s26;
	s16 =	ssub.s32 s23, s29;
	s3 =	sor.u32 $0xA8, s24  }
0x9d: {  	[tilespmem:s6], [sflag:$0x2] =	stream.indirect.gather.add.f32 [hbm:s1], $0x80, s3, s2, $0xb8;
	[tilespmem:$0x1EF00] =	vst v63  }
0x9e: {  	p0 =	seq.s32 s26, $0x1;
	s26 =	simm.s32 $0x500;
	s3 =	sshll.u32 s16, $0xA  }
0x9f: {  	s26 =	simm.s32 @!p0 $0x0;
	s3 =	sshra.s32 s3, $0x2  }
0xa0: {  	s3 =	sadd.s32 s3, s26  }
0xa1: {  	s26 =	sadd.s32 $0x16800, s3  }
0xa2: {  	[spmem:s15] =	stream.indirect.scatter.add.f32 [tilespmem:s20], [sflag:$0x3], $0x80, s26, s31, $0xb8;
	[tilespmem:$0x1EF00] =	vst v63  }
0xa3: {  	v2 =	vld [tilespmem:s3+$0x16800];
	_ =	sdelay $0x7  }
0xa4: {  	[tilespmem:v2+s8+$0x0] =	vst.idx.add.f32.msk $0xffff, v1  }
0xa5: {  	v2 =	vld [tilespmem:s26+$0x10];
	_ =	sdelay $0x7  }
0xa6: {  	[tilespmem:v2+s8+$0x0] =	vst.idx.add.f32.msk $0xffff, v1  }
0xa7: {  	v2 =	vld [tilespmem:s26+$0x20];
	_ =	sdelay $0x7  }
0xa8: {  	[tilespmem:v2+s8+$0x0] =	vst.idx.add.f32.msk $0xffff, v1  }
0xa9: {  	v2 =	vld [tilespmem:s26+$0x30];
	_ =	sdelay $0x7  }
0xaa: {  	[tilespmem:v2+s8+$0x0] =	vst.idx.add.f32.msk $0xffff, v1  }
0xab: {  	v2 =	vld [tilespmem:s26+$0x40]  }
0xac: {  	p0 =	sne.s32 s23, s29  }
0xad: {  	s3 =	sadd.s32 @!p0 s28, s18  }
0xae: {  	s3 =	smin.u32 @!p0 s3, $0x31E;
	s26 =	sxor.u32 @!p0 $0xFFFFFFFF, s28  }
0xaf: {  	s3 =	smul.u32 @!p0 $0x500, s3;
	s26 =	sand.u32 @!p0 $0x1, s26  }
0xb0: {  	s26 =	smul.u32 @!p0 $0x1400, s26  }
0xb1: {  	s29 =	simm.s32 @!p0 $0x0;
	s3 =	sshrl.u32 @!p0 s3, $0x3  }
0xb2: {  	s3 =	sadd.s32 @!p0 s17, s3;
	s28 =	sadd.s32 $0x2, s23;
	s26 =	sshrl.u32 @!p0 s26, $0x2  }
0xb3: {  	s3 =	sadd.s32 @!p0 $0xA0, s3;
	s16 =	smulhi.u32 $0x66666667, s28;
	s26 =	sor.u32 @!p0 $0x16800, s26;
	[tilespmem:v2+s8+$0x0] =	vst.idx.add.f32.msk $0xffff, v1  }
0xb4: {  	[tilespmem:s26], [sflag:$0x5] =	stream.linear.gather @!p0 [hbm4b:s3+s29], $0x500, $0x38;
	[tilespmem:$0x1EF00] =	vst v63  }
0xb5: {  	s16 =	sshrl.u32 s16, $0x1;
	s3 =	simm.s32 @!p0 $0x5  }
0xb6: {  	s26 =	smul.u32 $0x3FFFFB, s16;
	_ =	swait.ge @!p0 [sflag:s3], $0x500  }
0xb7: {  	[sflag:s3] =	ssyncset.done @!p0 $0x0  }
0xb8: {  	s16 =	sand.u32 $0x1, s16;
	s26 =	sadd.s32 s28, s26;
	[sflag:s3] =	ssyncadd.s32 @!p0 $0xFFFFFB00  }
0xb9: {  	p0 =	seq.s32 s16, $0x1;
	s16 =	simm.s32 $0x500;
	s3 =	sshll.u32 s26, $0xA  }
0xba: {  	_ =	swait.ge [sflag:s9], $0x2800;
	s16 =	simm.s32 @!p0 $0x0;
	s3 =	sshra.s32 s3, $0x2  }
0xbb: {  	[sflag:s9] =	ssyncset.done $0x0;
	s3 =	sadd.s32 s3, s16  }
0xbc: {  	[sflag:s9] =	ssyncadd.s32 $0xFFFFD800;
	s26 =	sadd.s32 $0x16800, s3  }
0xbd: {  	[tilespmem:s20], [sflag:$0x1] =	stream.indirect.gather [hbm4b:s0+s2], $0x80, s26, s2, $0xb8;
	[tilespmem:$0x1EF00] =	vst v63  }
0xbe: {  	s3 =	sor.u32 $0x28, s26  }
0xbf: {  	[tilespmem:s10], [sflag:$0x1] =	stream.indirect.gather [hbm4b:s0+s2], $0x80, s3, s2, $0xb8;
	[tilespmem:$0x1EF00] =	vst v63  }
0xc0: {  	_ =	swait.ge [sflag:s7], $0x2800  }
0xc1: {  	[sflag:s7] =	ssyncset.done $0x0  }
0xc2: {  	s28 =	simm.s32 $0x0;
	[sflag:s7] =	ssyncadd.s32 $0xFFFFD800  }
0xc3: {  	v4 =	vld [tilespmem:s28+$0x19A00]  }
0xc4: {  	v6 =	vld [tilespmem:s28+$0x19A10]  }
0xc5: {  	v5 =	vld [tilespmem:s28+$0x19A20]  }
0xc6: {  	v3 =	vld [tilespmem:s28+$0x19A30]  }
0xc7: {  	v2 =	vld [tilespmem:s28+$0x19A40]  }
0xc8: {  	v7 =	vmax.f32 v4, $0.0e+00;
	v4 =	vld [tilespmem:s28+$0x19A50]  }
0xc9: {  	s29 =	simm.s32 $0x200;
	[tilespmem:s28+$0x19A00] =	vst v7;
	v7 =	vmax.f32 v6, $0.0e+00;
	v6 =	vld [tilespmem:s28+$0x19A60]  }
.LBB2_9:
0xca: {  	s3 =	sshra.s32 s29, $0x2;
	p0 =	sne.s32 s29, $0x9E00;
	[tilespmem:s28+$0x19A10] =	vst v7;
	v5 =	vmax.f32 v5, $0.0e+00;
	v7 =	vld [tilespmem:s28+$0x19A70]  }
0xcb: {  	v8 =	vld [tilespmem:s3+$0x19A00];
	[tilespmem:s28+$0x19A20] =	vst v5;
	v3 =	vmax.f32 v3, $0.0e+00  }
0xcc: {  	v9 =	vld [tilespmem:s3+$0x19A10];
	[tilespmem:s28+$0x19A30] =	vst v3;
	v2 =	vmax.f32 v2, $0.0e+00  }
.Ltmp3:
0xcd: {  	v5 =	vld [tilespmem:s3+$0x19A20];
	[tilespmem:s28+$0x19A40] =	vst v2;
	v2 =	vmax.f32 v4, $0.0e+00;
	(pc) =	sbr.rel @p0 .LBB2_9-.Ltmp3, $4  }
0xce: {  	v3 =	vld [tilespmem:s3+$0x19A30];
	[tilespmem:s28+$0x19A50] =	vst v2;
	v4 =	vmax.f32 v6, $0.0e+00  }
0xcf: {  	v2 =	vld [tilespmem:s3+$0x19A40];
	[tilespmem:s28+$0x19A60] =	vst v4;
	v6 =	vmax.f32 v7, $0.0e+00  }
0xd0: {  	v7 =	vmax.f32 v8, $0.0e+00;
	v4 =	vld [tilespmem:s3+$0x19A50];
	[tilespmem:s28+$0x19A70] =	vst v6;
	s28 =	smov.u32 s3  }
0xd1: {  	s29 =	sadd.s32 $0x200, s29;
	[tilespmem:s28+$0x19A00] =	vst v7;
	v7 =	vmax.f32 v9, $0.0e+00;
	v6 =	vld [tilespmem:s28+$0x19A60]  }
0xd2: {  	[tilespmem:s28+$0x19A10] =	vst v7;
	v5 =	vmax.f32 v5, $0.0e+00;
	v63 =	vld [tilespmem:s28+$0x19A70]  }
0xd3: {  	[tilespmem:s28+$0x19A20] =	vst v5;
	v3 =	vmax.f32 v3, $0.0e+00  }
0xd4: {  	[tilespmem:s28+$0x19A30] =	vst v3;
	v2 =	vmax.f32 v2, $0.0e+00  }
0xd5: {  	[tilespmem:s28+$0x19A40] =	vst v2;
	v2 =	vmax.f32 v4, $0.0e+00  }
0xd6: {  	[tilespmem:s28+$0x19A50] =	vst v2;
	v2 =	vmax.f32 v6, $0.0e+00  }
0xd7: {  	[tilespmem:s28+$0x19A60] =	vst v2;
	v2 =	vmax.f32 v63, $0.0e+00  }
0xd8: {  	[tilespmem:s28+$0x19A70] =	vst v2  }
0xd9: {  	_ =	swait.ge [sflag:s12], $0x2800  }
0xda: {  	[sflag:s12] =	ssyncset.done $0x0  }
0xdb: {  	s3 =	sadd.s32 $0x80, s26;
	[sflag:s12] =	ssyncadd.s32 $0xFFFFD800  }
0xdc: {  	[tilespmem:s20], [sflag:$0x1] =	stream.indirect.gather.add.f32 [hbm:s1], $0x80, s3, s2, $0xb8;
	[tilespmem:$0x1EF00] =	vst v63  }
0xdd: {  	s16 =	sadd.s32 $0xA8, s26  }
0xde: {  	[tilespmem:s10], [sflag:$0x1] =	stream.indirect.gather.add.f32 [hbm:s1], $0x80, s16, s2, $0xb8;
	[tilespmem:$0x1EF00] =	vst v63  }
0xdf: {  	_ = 	snop  }
0xe0: {  	[spmem:s15] =	stream.indirect.scatter.add.f32 [tilespmem:s4], [sflag:$0x4], $0x80, s24, s31, $0xb8;
	[tilespmem:$0x1EF00] =	vst v63  }
0xe1: {  	v2 =	vld [tilespmem:s25+$0x16800];
	_ =	sdelay $0x7  }
0xe2: {  	[tilespmem:v2+s8+$0x0] =	vst.idx.add.f32.msk $0xffff, v1  }
0xe3: {  	v2 =	vld [tilespmem:s24+$0x10];
	_ =	sdelay $0x7  }
0xe4: {  	[tilespmem:v2+s8+$0x0] =	vst.idx.add.f32.msk $0xffff, v1  }
0xe5: {  	v2 =	vld [tilespmem:s24+$0x20];
	_ =	sdelay $0x7  }
0xe6: {  	[tilespmem:v2+s8+$0x0] =	vst.idx.add.f32.msk $0xffff, v1  }
0xe7: {  	v2 =	vld [tilespmem:s24+$0x30];
	_ =	sdelay $0x7  }
0xe8: {  	[tilespmem:v2+s8+$0x0] =	vst.idx.add.f32.msk $0xffff, v1  }
0xe9: {  	p0 =	sne.s32 s5, s22;
	v2 =	vld [tilespmem:s24+$0x40]  }
0xea: {  	s5 =	sxor.u32 @!p0 $0xFFFFFFFF, s21  }
0xeb: {  	s5 =	sand.u32 @!p0 $0x1, s5;
	s3 =	sadd.s32 @!p0 s18, s21  }
0xec: {  	s5 =	smul.u32 @!p0 $0x1400, s5;
	s3 =	smin.u32 @!p0 s3, $0x31E  }
0xed: {  	s3 =	smul.u32 @!p0 $0x500, s3;
	_ =	sdelay $0x1  }
0xee: {  	s5 =	sshrl.u32 @!p0 s5, $0x2;
	s3 =	sshrl.u32 @!p0 s3, $0x3  }
0xef: {  	s5 =	sor.u32 @!p0 $0x16800, s5;
	s16 =	sadd.s32 $0x3, s23;
	s3 =	sadd.s32 @!p0 s17, s3  }
0xf0: {  	s21 =	simm.s32 @!p0 $0x0;
	s25 =	smulhi.u32 $0x66666667, s16;
	s3 =	sadd.s32 @!p0 $0xA0, s3;
	[tilespmem:v2+s8+$0x0] =	vst.idx.add.f32.msk $0xffff, v1  }
0xf1: {  	[tilespmem:s5], [sflag:$0x5] =	stream.linear.gather @!p0 [hbm4b:s3+s21], $0x500, $0x38;
	[tilespmem:$0x1EF00] =	vst v63  }
0xf2: {  	s26 =	sshrl.u32 s25, $0x1;
	s3 =	simm.s32 @!p0 $0x5  }
0xf3: {  	s28 =	smul.u32 $0x3FFFFB, s26;
	_ =	swait.ge @!p0 [sflag:s3], $0x500  }
0xf4: {  	s19 =	sadd.s32 $0x1, s19;
	s5 =	sand.u32 $0x1, s26;
	[sflag:s3] =	ssyncset.done @!p0 $0x0  }
0xf5: {  	s29 =	sadd.s32 s16, s28;
	[sflag:s3] =	ssyncadd.s32 @!p0 $0xFFFFFB00;
	p0 =	seq.s32 s5, $0x1  }
0xf6: {  	s5 =	simm.s32 $0x500;
	s3 =	sshll.u32 s29, $0xA;
	_ =	swait.ge [sflag:s11], $0x2800  }
0xf7: {  	s5 =	simm.s32 @!p0 $0x0;
	s3 =	sshra.s32 s3, $0x2;
	p0 =	sne.s32 s19, $0x3E  }
.Ltmp4:
0xf8: {  	[sflag:s11] =	ssyncset.done $0x0;
	s3 =	sadd.s32 s3, s5;
	(pc) =	sbr.rel @p0 .LBB2_6-.Ltmp4, $4  }
0xf9: {  	[sflag:s11] =	ssyncadd.s32 $0xFFFFD800;
	s3 =	sadd.s32 $0x16800, s3  }
0xfa: {  	[tilespmem:s4], [sflag:$0x2] =	stream.indirect.gather [hbm4b:s0+s2], $0x80, s3, s2, $0xb8;
	[tilespmem:$0x1EF00] =	vst v63  }
0xfb: {  	s3 =	sor.u32 $0x28, s3  }
0xfc: {  	[tilespmem:s6], [sflag:$0x2] =	stream.indirect.gather [hbm4b:s0+s2], $0x80, s3, s2, $0xb8;
	[tilespmem:$0x1EF00] =	vst v63  }
0xfd: {  	_ =	swait.ge [sflag:s12], $0x2800  }
0xfe: {  	[sflag:s12] =	ssyncset.done $0x0  }
0xff: {  	s5 =	simm.s32 $0x0;
	[sflag:s12] =	ssyncadd.s32 $0xFFFFD800  }
0x100: {  	v4 =	vld [tilespmem:s5+$0x17200]  }
0x101: {  	v6 =	vld [tilespmem:s5+$0x17210]  }
0x102: {  	v5 =	vld [tilespmem:s5+$0x17220]  }
0x103: {  	v3 =	vld [tilespmem:s5+$0x17230]  }
0x104: {  	v2 =	vld [tilespmem:s5+$0x17240]  }
0x105: {  	v7 =	vmax.f32 v4, $0.0e+00;
	v4 =	vld [tilespmem:s5+$0x17250]  }
0x106: {  	s19 =	simm.s32 $0x200;
	[tilespmem:s5+$0x17200] =	vst v7;
	v7 =	vmax.f32 v6, $0.0e+00;
	v6 =	vld [tilespmem:s5+$0x17260]  }
.LBB2_12:
0x107: {  	s3 =	sshra.s32 s19, $0x2;
	p0 =	sne.s32 s19, $0x9E00;
	[tilespmem:s5+$0x17210] =	vst v7;
	v5 =	vmax.f32 v5, $0.0e+00;
	v7 =	vld [tilespmem:s5+$0x17270]  }
0x108: {  	v8 =	vld [tilespmem:s3+$0x17200];
	[tilespmem:s5+$0x17220] =	vst v5;
	v3 =	vmax.f32 v3, $0.0e+00  }
0x109: {  	v9 =	vld [tilespmem:s3+$0x17210];
	[tilespmem:s5+$0x17230] =	vst v3;
	v2 =	vmax.f32 v2, $0.0e+00  }
.Ltmp5:
0x10a: {  	v5 =	vld [tilespmem:s3+$0x17220];
	[tilespmem:s5+$0x17240] =	vst v2;
	v2 =	vmax.f32 v4, $0.0e+00;
	(pc) =	sbr.rel @p0 .LBB2_12-.Ltmp5, $4  }
0x10b: {  	v3 =	vld [tilespmem:s3+$0x17230];
	[tilespmem:s5+$0x17250] =	vst v2;
	v4 =	vmax.f32 v6, $0.0e+00  }
0x10c: {  	v2 =	vld [tilespmem:s3+$0x17240];
	[tilespmem:s5+$0x17260] =	vst v4;
	v6 =	vmax.f32 v7, $0.0e+00  }
0x10d: {  	v7 =	vmax.f32 v8, $0.0e+00;
	v4 =	vld [tilespmem:s3+$0x17250];
	[tilespmem:s5+$0x17270] =	vst v6;
	s5 =	smov.u32 s3  }
0x10e: {  	s19 =	sadd.s32 $0x200, s19;
	[tilespmem:s5+$0x17200] =	vst v7;
	v7 =	vmax.f32 v9, $0.0e+00;
	v6 =	vld [tilespmem:s5+$0x17260]  }
0x10f: {  	[tilespmem:s5+$0x17210] =	vst v7;
	v5 =	vmax.f32 v5, $0.0e+00;
	v63 =	vld [tilespmem:s5+$0x17270]  }
0x110: {  	[tilespmem:s5+$0x17220] =	vst v5;
	v3 =	vmax.f32 v3, $0.0e+00  }
0x111: {  	[tilespmem:s5+$0x17230] =	vst v3;
	v2 =	vmax.f32 v2, $0.0e+00  }
0x112: {  	[tilespmem:s5+$0x17240] =	vst v2;
	v2 =	vmax.f32 v4, $0.0e+00  }
0x113: {  	[tilespmem:s5+$0x17250] =	vst v2;
	v2 =	vmax.f32 v6, $0.0e+00  }
0x114: {  	[tilespmem:s5+$0x17260] =	vst v2;
	v2 =	vmax.f32 v63, $0.0e+00  }
0x115: {  	s3 =	simm.s32 $0x16C00;
	[tilespmem:s5+$0x17270] =	vst v2  }
0x116: {  	[spmem:s15] =	stream.indirect.scatter.add.f32 [tilespmem:s20], [sflag:$0x3], $0x80, s3, s31, $0xb8;
	[tilespmem:$0x1EF00] =	vst v63  }
0x117: {  	v2 =	vld [tilespmem:$0x16C00];
	_ =	sdelay $0x7  }
0x118: {  	[tilespmem:v2+s8+$0x0] =	vst.idx.add.f32.msk $0xffff, v1  }
0x119: {  	v2 =	vld [tilespmem:$0x16C10];
	_ =	sdelay $0x7  }
0x11a: {  	[tilespmem:v2+s8+$0x0] =	vst.idx.add.f32.msk $0xffff, v1  }
0x11b: {  	v2 =	vld [tilespmem:$0x16C20];
	_ =	sdelay $0x7  }
0x11c: {  	[tilespmem:v2+s8+$0x0] =	vst.idx.add.f32.msk $0xffff, v1  }
0x11d: {  	v2 =	vld [tilespmem:$0x16C30];
	_ =	sdelay $0x7  }
0x11e: {  	[tilespmem:v2+s8+$0x0] =	vst.idx.add.f32.msk $0xffff, v1  }
0x11f: {  	v2 =	vld [tilespmem:$0x16C40];
	_ =	sdelay $0x7  }
0x120: {  	[tilespmem:v2+s8+$0x0] =	vst.idx.add.f32.msk $0xffff, v1  }
0x121: {  	_ =	swait.ge [sflag:s9], $0x2800  }
0x122: {  	[sflag:s9] =	ssyncset.done $0x0  }
0x123: {  	[sflag:s9] =	ssyncadd.s32 $0xFFFFD800  }
0x124: {  	_ =	swait.ge [sflag:s7], $0x2800  }
0x125: {  	[sflag:s7] =	ssyncset.done $0x0  }
0x126: {  	s21 =	rddreg [dreg:$0x8];
	[sflag:s7] =	ssyncadd.s32 $0xFFFFD800  }
0x127: {  	[spmem:s21] =	stream.strided.scatter [tilespmem:s8], [sflag:$0x5], $0x2800, s14, s13, $0x38;
	[tilespmem:$0x1EF00] =	vst v63  }
0x128: {  	_ =	swait.ge [sflag:s30], $0x2800  }
0x129: {  	[sflag:s30] =	ssyncset.done $0x0  }
0x12a: {  	[sflag:s30] =	ssyncadd.s32 $0xFFFFD800  }
0x12b: {  	[bflag:$0x0] =	sbarrier.arrive $0xFFFF  }
0x12c: {  	s21 =	rddreg [dreg:$0x15]  }
0x12d: {  	[tilespmem:s20], [sflag:$0x5] =	stream.linear.gather [spmem:s21], $0x2800, $0x38;
	[tilespmem:$0x1EF00] =	vst v63  }
0x12e: {  	_ =	swait.ge [sflag:s30], $0x2800  }
0x12f: {  	[sflag:s30] =	ssyncset.done $0x0  }
0x130: {  	s3 =	simm.s32 $0x0;
	s22 =	rddreg [dreg:$0xb];
	[sflag:s30] =	ssyncadd.s32 $0xFFFFD800  }
0x131: {  	[hbm4b:s22+s3] =	stream.linear.scatter [tilespmem:s20], [sflag:$0x5], $0x2800, $0x38;
	[tilespmem:$0x1EF00] =	vst v63  }
0x132: {  	_ =	swait.ge [sflag:s30], $0x2800  }
0x133: {  	[sflag:s30] =	ssyncset.done $0x0  }
0x134: {  	s22 =	rddreg [dreg:$0x16];
	[sflag:s30] =	ssyncadd.s32 $0xFFFFD800  }
0x135: {  	[tilespmem:s20], [sflag:$0x5] =	stream.linear.gather [spmem:s22], $0x2800, $0x38;
	[tilespmem:$0x1EF00] =	vst v63  }
0x136: {  	_ =	swait.ge [sflag:s30], $0x2800  }
0x137: {  	[sflag:s30] =	ssyncset.done $0x0  }
0x138: {  	s23 =	rddreg [dreg:$0xc];
	[sflag:s30] =	ssyncadd.s32 $0xFFFFD800  }
0x139: {  	[hbm4b:s23+s3] =	stream.linear.scatter [tilespmem:s20], [sflag:$0x5], $0x2800, $0x38;
	[tilespmem:$0x1EF00] =	vst v63  }
0x13a: {  	_ =	swait.ge [sflag:s30], $0x2800  }
0x13b: {  	[sflag:s30] =	ssyncset.done $0x0  }
0x13c: {  	s23 =	rddreg [dreg:$0x17];
	[sflag:s30] =	ssyncadd.s32 $0xFFFFD800  }
0x13d: {  	[tilespmem:s20], [sflag:$0x5] =	stream.linear.gather [spmem:s23], $0x2800, $0x38;
	[tilespmem:$0x1EF00] =	vst v63  }
0x13e: {  	_ =	swait.ge [sflag:s30], $0x2800  }
0x13f: {  	[sflag:s30] =	ssyncset.done $0x0  }
0x140: {  	s24 =	rddreg [dreg:$0xd];
	[sflag:s30] =	ssyncadd.s32 $0xFFFFD800  }
0x141: {  	[hbm4b:s24+s3] =	stream.linear.scatter [tilespmem:s20], [sflag:$0x5], $0x2800, $0x38;
	[tilespmem:$0x1EF00] =	vst v63  }
0x142: {  	_ =	swait.ge [sflag:s30], $0x2800  }
0x143: {  	[sflag:s30] =	ssyncset.done $0x0  }
0x144: {  	s24 =	rddreg [dreg:$0x18];
	[sflag:s30] =	ssyncadd.s32 $0xFFFFD800  }
0x145: {  	[tilespmem:s20], [sflag:$0x5] =	stream.linear.gather [spmem:s24], $0x2800, $0x38;
	[tilespmem:$0x1EF00] =	vst v63  }
0x146: {  	_ =	swait.ge [sflag:s30], $0x2800  }
0x147: {  	[sflag:s30] =	ssyncset.done $0x0  }
0x148: {  	s25 =	rddreg [dreg:$0xe];
	[sflag:s30] =	ssyncadd.s32 $0xFFFFD800  }
0x149: {  	[hbm4b:s25+s3] =	stream.linear.scatter [tilespmem:s20], [sflag:$0x5], $0x2800, $0x38;
	[tilespmem:$0x1EF00] =	vst v63  }
0x14a: {  	_ =	swait.ge [sflag:s30], $0x2800  }
0x14b: {  	[sflag:s30] =	ssyncset.done $0x0  }
0x14c: {  	s25 =	rddreg [dreg:$0x19];
	[sflag:s30] =	ssyncadd.s32 $0xFFFFD800  }
0x14d: {  	[tilespmem:s20], [sflag:$0x5] =	stream.linear.gather [spmem:s25], $0x2800, $0x38;
	[tilespmem:$0x1EF00] =	vst v63  }
0x14e: {  	_ =	swait.ge [sflag:s30], $0x2800  }
0x14f: {  	[sflag:s30] =	ssyncset.done $0x0  }
0x150: {  	s26 =	rddreg [dreg:$0xf];
	[sflag:s30] =	ssyncadd.s32 $0xFFFFD800  }
0x151: {  	[hbm4b:s26+s3] =	stream.linear.scatter [tilespmem:s20], [sflag:$0x5], $0x2800, $0x38;
	[tilespmem:$0x1EF00] =	vst v63  }
0x152: {  	_ =	swait.ge [sflag:s30], $0x2800  }
0x153: {  	[sflag:s30] =	ssyncset.done $0x0  }
0x154: {  	s26 =	rddreg [dreg:$0x1a];
	[sflag:s30] =	ssyncadd.s32 $0xFFFFD800  }
0x155: {  	[tilespmem:s20], [sflag:$0x5] =	stream.linear.gather [spmem:s26], $0x2800, $0x38;
	[tilespmem:$0x1EF00] =	vst v63  }
0x156: {  	_ =	swait.ge [sflag:s30], $0x2800  }
0x157: {  	[sflag:s30] =	ssyncset.done $0x0  }
0x158: {  	s16 =	rddreg [dreg:$0x10];
	[sflag:s30] =	ssyncadd.s32 $0xFFFFD800  }
0x159: {  	[hbm4b:s16+s3] =	stream.linear.scatter [tilespmem:s20], [sflag:$0x5], $0x2800, $0x38;
	[tilespmem:$0x1EF00] =	vst v63  }
0x15a: {  	_ =	swait.ge [sflag:s30], $0x2800  }
0x15b: {  	[sflag:s30] =	ssyncset.done $0x0  }
0x15c: {  	s16 =	rddreg [dreg:$0x1b];
	[sflag:s30] =	ssyncadd.s32 $0xFFFFD800  }
0x15d: {  	[tilespmem:s20], [sflag:$0x5] =	stream.linear.gather [spmem:s16], $0x2800, $0x38;
	[tilespmem:$0x1EF00] =	vst v63  }
0x15e: {  	_ =	swait.ge [sflag:s30], $0x2800  }
0x15f: {  	[sflag:s30] =	ssyncset.done $0x0  }
0x160: {  	s19 =	rddreg [dreg:$0x11];
	[sflag:s30] =	ssyncadd.s32 $0xFFFFD800  }
0x161: {  	[hbm4b:s19+s3] =	stream.linear.scatter [tilespmem:s20], [sflag:$0x5], $0x2800, $0x38;
	[tilespmem:$0x1EF00] =	vst v63  }
0x162: {  	_ =	swait.ge [sflag:s30], $0x2800  }
0x163: {  	[sflag:s30] =	ssyncset.done $0x0  }
0x164: {  	s28 =	rddreg [dreg:$0x1c];
	[sflag:s30] =	ssyncadd.s32 $0xFFFFD800  }
0x165: {  	[tilespmem:s20], [sflag:$0x5] =	stream.linear.gather [spmem:s28], $0x2800, $0x38;
	[tilespmem:$0x1EF00] =	vst v63  }
0x166: {  	_ =	swait.ge [sflag:s30], $0x2800  }
0x167: {  	[sflag:s30] =	ssyncset.done $0x0  }
0x168: {  	s19 =	rddreg [dreg:$0x12];
	[sflag:s30] =	ssyncadd.s32 $0xFFFFD800  }
0x169: {  	[hbm4b:s19+s3] =	stream.linear.scatter [tilespmem:s20], [sflag:$0x5], $0x2800, $0x38;
	[tilespmem:$0x1EF00] =	vst v63  }
0x16a: {  	_ =	swait.ge [sflag:s30], $0x2800  }
0x16b: {  	[sflag:s30] =	ssyncset.done $0x0  }
0x16c: {  	[sflag:s30] =	ssyncadd.s32 $0xFFFFD800  }
0x16d: {  	[tilespmem:$0x1EC80] =	vst v0  }
0x16e: {  	[tilespmem:$0x1EC90] =	vst v0  }
0x16f: {  	[tilespmem:$0x1ECA0] =	vst v0  }
0x170: {  	[tilespmem:$0x1ECB0] =	vst v0  }
0x171: {  	[tilespmem:$0x1ECC0] =	vst v0  }
0x172: {  	[tilespmem:$0x1ECD0] =	vst v0  }
0x173: {  	[tilespmem:$0x1ECE0] =	vst v0  }
0x174: {  	[tilespmem:$0x1ECF0] =	vst v0  }
0x175: {  	[tilespmem:$0x1ED00] =	vst v0  }
0x176: {  	[tilespmem:$0x1ED10] =	vst v0  }
0x177: {  	[tilespmem:$0x1ED20] =	vst v0  }
0x178: {  	[tilespmem:$0x1ED30] =	vst v0  }
0x179: {  	[tilespmem:$0x1ED40] =	vst v0  }
0x17a: {  	[tilespmem:$0x1ED50] =	vst v0  }
0x17b: {  	[tilespmem:$0x1ED60] =	vst v0  }
0x17c: {  	[tilespmem:$0x1ED70] =	vst v0  }
0x17d: {  	[tilespmem:$0x1ED80] =	vst v0  }
0x17e: {  	[tilespmem:$0x1ED90] =	vst v0  }
0x17f: {  	[tilespmem:$0x1EDA0] =	vst v0  }
0x180: {  	[tilespmem:$0x1EDB0] =	vst v0  }
0x181: {  	[tilespmem:$0x1EDC0] =	vst v0  }
0x182: {  	[tilespmem:$0x1EDD0] =	vst v0  }
0x183: {  	[tilespmem:$0x1EDE0] =	vst v0  }
0x184: {  	[tilespmem:$0x1EDF0] =	vst v0  }
0x185: {  	[tilespmem:$0x1EE00] =	vst v0  }
0x186: {  	[tilespmem:$0x1EE10] =	vst v0  }
0x187: {  	[tilespmem:$0x1EE20] =	vst v0  }
0x188: {  	[tilespmem:$0x1EE30] =	vst v0  }
0x189: {  	[tilespmem:$0x1EE40] =	vst v0  }
0x18a: {  	[tilespmem:$0x1EE50] =	vst v0  }
0x18b: {  	[tilespmem:$0x1EE60] =	vst v0  }
0x18c: {  	[tilespmem:$0x1EE70] =	vst v0  }
0x18d: {  	[tilespmem:$0x1EE80] =	vst v0  }
0x18e: {  	[tilespmem:$0x1EE90] =	vst v0  }
0x18f: {  	[tilespmem:$0x1EEA0] =	vst v0  }
0x190: {  	[tilespmem:$0x1EEB0] =	vst v0  }
0x191: {  	[tilespmem:$0x1EEC0] =	vst v0  }
0x192: {  	[tilespmem:$0x1EED0] =	vst v0  }
0x193: {  	[tilespmem:$0x1EEE0] =	vst v0  }
0x194: {  	s29 =	simm.s32 $0x1EA00;
	s19 =	rddreg [dreg:$0x9];
	[tilespmem:$0x1EEF0] =	vst v0  }
0x195: {  	[tilespmem:s29], [sflag:$0x5] =	stream.strided.gather [spmem:s19], $0x280, s14, s13, $0x38;
	[tilespmem:$0x1EF00] =	vst v63  }
0x196: {  	_ =	swait.ge [sflag:s30], $0x280  }
0x197: {  	[sflag:s30] =	ssyncset.done $0x0  }
0x198: {  	s5 =	simm.s32 $0x0;
	[sflag:s30] =	ssyncadd.s32 $0xFFFFFD80  }
0x199: {  	s19 =	simm.s32 $0x40;
	v2 =	vld [tilespmem:s5+$0x1EA00]  }
.LBB2_14:
0x19a: {  	p0 =	sne.s32 s19, $0x9C0;
	v3 =	vld [tilespmem:s5+$0x1EC80];
	_ =	sdelay $0x2  }
.Ltmp6:
0x19b: {  	(pc) =	sbr.rel @p0 .LBB2_14-.Ltmp6, $4  }
0x19c: {  	_ = 	snop  }
0x19d: {  	v3 =	vadd.f32 v2, v3  }
0x19e: {  	s3 =	sshra.s32 s19, $0x2  }
0x19f: {  	s19 =	sadd.s32 $0x40, s19;
	v2 =	vld [tilespmem:s3+$0x1EA00];
	[tilespmem:s5+$0x1EC80] =	vst v3;
	s5 =	smov.u32 s3  }
0x1a0: {  	v3 =	vld [tilespmem:s5+$0x1EC80];
	_ =	sdelay $0x4  }
0x1a1: {  	v2 =	vadd.f32 v2, v3;
	_ =	sdelay $0x1  }
0x1a2: {  	s3 =	rddreg [dreg:$0x1d];
	[tilespmem:s5+$0x1EC80] =	vst v2  }
0x1a3: {  	[tilespmem:s29], [sflag:$0x5] =	stream.strided.gather [spmem:s3], $0x280, s14, s13, $0x38;
	[tilespmem:$0x1EF00] =	vst v63  }
0x1a4: {  	_ =	swait.ge [sflag:s30], $0x280  }
0x1a5: {  	[sflag:s30] =	ssyncset.done $0x0  }
0x1a6: {  	s5 =	simm.s32 $0x0;
	[sflag:s30] =	ssyncadd.s32 $0xFFFFFD80  }
0x1a7: {  	s19 =	simm.s32 $0x40;
	v2 =	vld [tilespmem:s5+$0x1EA00]  }
.LBB2_16:
0x1a8: {  	p0 =	sne.s32 s19, $0x9C0;
	v3 =	vld [tilespmem:s5+$0x1EC80];
	_ =	sdelay $0x2  }
.Ltmp7:
0x1a9: {  	(pc) =	sbr.rel @p0 .LBB2_16-.Ltmp7, $4  }
0x1aa: {  	_ = 	snop  }
0x1ab: {  	v3 =	vadd.f32 v2, v3  }
0x1ac: {  	s3 =	sshra.s32 s19, $0x2  }
0x1ad: {  	s19 =	sadd.s32 $0x40, s19;
	v2 =	vld [tilespmem:s3+$0x1EA00];
	[tilespmem:s5+$0x1EC80] =	vst v3;
	s5 =	smov.u32 s3  }
0x1ae: {  	v3 =	vld [tilespmem:s5+$0x1EC80];
	_ =	sdelay $0x4  }
0x1af: {  	v2 =	vadd.f32 v2, v3;
	_ =	sdelay $0x1  }
0x1b0: {  	s3 =	rddreg [dreg:$0x1e];
	[tilespmem:s5+$0x1EC80] =	vst v2  }
0x1b1: {  	[tilespmem:s29], [sflag:$0x5] =	stream.strided.gather [spmem:s3], $0x280, s14, s13, $0x38;
	[tilespmem:$0x1EF00] =	vst v63  }
0x1b2: {  	_ =	swait.ge [sflag:s30], $0x280  }
0x1b3: {  	[sflag:s30] =	ssyncset.done $0x0  }
0x1b4: {  	s5 =	simm.s32 $0x0;
	[sflag:s30] =	ssyncadd.s32 $0xFFFFFD80  }
0x1b5: {  	s19 =	simm.s32 $0x40;
	v2 =	vld [tilespmem:s5+$0x1EA00]  }
.LBB2_18:
0x1b6: {  	p0 =	sne.s32 s19, $0x9C0;
	v3 =	vld [tilespmem:s5+$0x1EC80];
	_ =	sdelay $0x2  }
.Ltmp8:
0x1b7: {  	(pc) =	sbr.rel @p0 .LBB2_18-.Ltmp8, $4  }
0x1b8: {  	_ = 	snop  }
0x1b9: {  	v3 =	vadd.f32 v2, v3  }
0x1ba: {  	s3 =	sshra.s32 s19, $0x2  }
0x1bb: {  	s19 =	sadd.s32 $0x40, s19;
	v2 =	vld [tilespmem:s3+$0x1EA00];
	[tilespmem:s5+$0x1EC80] =	vst v3;
	s5 =	smov.u32 s3  }
0x1bc: {  	v3 =	vld [tilespmem:s5+$0x1EC80];
	_ =	sdelay $0x4  }
0x1bd: {  	v2 =	vadd.f32 v2, v3;
	_ =	sdelay $0x1  }
0x1be: {  	s3 =	rddreg [dreg:$0x1f];
	[tilespmem:s5+$0x1EC80] =	vst v2  }
0x1bf: {  	[tilespmem:s29], [sflag:$0x5] =	stream.strided.gather [spmem:s3], $0x280, s14, s13, $0x38;
	[tilespmem:$0x1EF00] =	vst v63  }
0x1c0: {  	_ =	swait.ge [sflag:s30], $0x280  }
0x1c1: {  	[sflag:s30] =	ssyncset.done $0x0  }
0x1c2: {  	s5 =	simm.s32 $0x0;
	[sflag:s30] =	ssyncadd.s32 $0xFFFFFD80  }
0x1c3: {  	s19 =	simm.s32 $0x40;
	v2 =	vld [tilespmem:s5+$0x1EA00]  }
.LBB2_20:
0x1c4: {  	p0 =	sne.s32 s19, $0x9C0;
	v3 =	vld [tilespmem:s5+$0x1EC80];
	_ =	sdelay $0x2  }
.Ltmp9:
0x1c5: {  	(pc) =	sbr.rel @p0 .LBB2_20-.Ltmp9, $4  }
0x1c6: {  	_ = 	snop  }
0x1c7: {  	v3 =	vadd.f32 v2, v3  }
0x1c8: {  	s3 =	sshra.s32 s19, $0x2  }
0x1c9: {  	s19 =	sadd.s32 $0x40, s19;
	v2 =	vld [tilespmem:s3+$0x1EA00];
	[tilespmem:s5+$0x1EC80] =	vst v3;
	s5 =	smov.u32 s3  }
0x1ca: {  	v3 =	vld [tilespmem:s5+$0x1EC80];
	_ =	sdelay $0x4  }
0x1cb: {  	s3 =	sld [smem:$0x7F2];
	v2 =	vadd.f32 v2, v3;
	_ =	sdelay $0x1  }
0x1cc: {  	[tilespmem:s5+$0x1EC80] =	vst v2  }
0x1cd: {  	[tilespmem:s29], [sflag:$0x5] =	stream.strided.gather [spmem:s3], $0x280, s14, s13, $0x38;
	[tilespmem:$0x1EF00] =	vst v63  }
0x1ce: {  	_ =	swait.ge [sflag:s30], $0x280  }
0x1cf: {  	[sflag:s30] =	ssyncset.done $0x0  }
0x1d0: {  	s5 =	simm.s32 $0x0;
	[sflag:s30] =	ssyncadd.s32 $0xFFFFFD80  }
0x1d1: {  	s19 =	simm.s32 $0x40;
	v2 =	vld [tilespmem:s5+$0x1EA00]  }
.LBB2_22:
0x1d2: {  	p0 =	sne.s32 s19, $0x9C0;
	v3 =	vld [tilespmem:s5+$0x1EC80];
	_ =	sdelay $0x2  }
.Ltmp10:
0x1d3: {  	(pc) =	sbr.rel @p0 .LBB2_22-.Ltmp10, $4  }
0x1d4: {  	_ = 	snop  }
0x1d5: {  	v3 =	vadd.f32 v2, v3  }
0x1d6: {  	s3 =	sshra.s32 s19, $0x2  }
0x1d7: {  	s19 =	sadd.s32 $0x40, s19;
	v2 =	vld [tilespmem:s3+$0x1EA00];
	[tilespmem:s5+$0x1EC80] =	vst v3;
	s5 =	smov.u32 s3  }
0x1d8: {  	v3 =	vld [tilespmem:s5+$0x1EC80];
	_ =	sdelay $0x4  }
0x1d9: {  	s3 =	sld [smem:$0x7F3];
	v2 =	vadd.f32 v2, v3;
	_ =	sdelay $0x1  }
0x1da: {  	[tilespmem:s5+$0x1EC80] =	vst v2  }
0x1db: {  	[tilespmem:s29], [sflag:$0x5] =	stream.strided.gather [spmem:s3], $0x280, s14, s13, $0x38;
	[tilespmem:$0x1EF00] =	vst v63  }
0x1dc: {  	_ =	swait.ge [sflag:s30], $0x280  }
0x1dd: {  	[sflag:s30] =	ssyncset.done $0x0  }
0x1de: {  	s5 =	simm.s32 $0x0;
	[sflag:s30] =	ssyncadd.s32 $0xFFFFFD80  }
0x1df: {  	s19 =	simm.s32 $0x40;
	v2 =	vld [tilespmem:s5+$0x1EA00]  }
.LBB2_24:
0x1e0: {  	p0 =	sne.s32 s19, $0x9C0;
	v3 =	vld [tilespmem:s5+$0x1EC80];
	_ =	sdelay $0x2  }
.Ltmp11:
0x1e1: {  	(pc) =	sbr.rel @p0 .LBB2_24-.Ltmp11, $4  }
0x1e2: {  	_ = 	snop  }
0x1e3: {  	v3 =	vadd.f32 v2, v3  }
0x1e4: {  	s3 =	sshra.s32 s19, $0x2  }
0x1e5: {  	s19 =	sadd.s32 $0x40, s19;
	v2 =	vld [tilespmem:s3+$0x1EA00];
	[tilespmem:s5+$0x1EC80] =	vst v3;
	s5 =	smov.u32 s3  }
0x1e6: {  	v3 =	vld [tilespmem:s5+$0x1EC80];
	_ =	sdelay $0x4  }
0x1e7: {  	s3 =	sld [smem:$0x7F4];
	v2 =	vadd.f32 v2, v3;
	_ =	sdelay $0x1  }
0x1e8: {  	[tilespmem:s5+$0x1EC80] =	vst v2  }
0x1e9: {  	[tilespmem:s29], [sflag:$0x5] =	stream.strided.gather [spmem:s3], $0x280, s14, s13, $0x38;
	[tilespmem:$0x1EF00] =	vst v63  }
0x1ea: {  	_ =	swait.ge [sflag:s30], $0x280  }
0x1eb: {  	[sflag:s30] =	ssyncset.done $0x0  }
0x1ec: {  	s5 =	simm.s32 $0x0;
	[sflag:s30] =	ssyncadd.s32 $0xFFFFFD80  }
0x1ed: {  	s19 =	simm.s32 $0x40;
	v2 =	vld [tilespmem:s5+$0x1EA00]  }
.LBB2_26:
0x1ee: {  	p0 =	sne.s32 s19, $0x9C0;
	v3 =	vld [tilespmem:s5+$0x1EC80];
	_ =	sdelay $0x2  }
.Ltmp12:
0x1ef: {  	(pc) =	sbr.rel @p0 .LBB2_26-.Ltmp12, $4  }
0x1f0: {  	_ = 	snop  }
0x1f1: {  	v3 =	vadd.f32 v2, v3  }
0x1f2: {  	s3 =	sshra.s32 s19, $0x2  }
0x1f3: {  	s19 =	sadd.s32 $0x40, s19;
	v2 =	vld [tilespmem:s3+$0x1EA00];
	[tilespmem:s5+$0x1EC80] =	vst v3;
	s5 =	smov.u32 s3  }
0x1f4: {  	v3 =	vld [tilespmem:s5+$0x1EC80];
	_ =	sdelay $0x4  }
0x1f5: {  	s3 =	sld [smem:$0x7F5];
	v2 =	vadd.f32 v2, v3;
	_ =	sdelay $0x1  }
0x1f6: {  	[tilespmem:s5+$0x1EC80] =	vst v2  }
0x1f7: {  	[tilespmem:s29], [sflag:$0x5] =	stream.strided.gather [spmem:s3], $0x280, s14, s13, $0x38;
	[tilespmem:$0x1EF00] =	vst v63  }
0x1f8: {  	_ =	swait.ge [sflag:s30], $0x280  }
0x1f9: {  	[sflag:s30] =	ssyncset.done $0x0  }
0x1fa: {  	s5 =	simm.s32 $0x0;
	[sflag:s30] =	ssyncadd.s32 $0xFFFFFD80  }
0x1fb: {  	s19 =	simm.s32 $0x40;
	v2 =	vld [tilespmem:s5+$0x1EA00]  }
.LBB2_28:
0x1fc: {  	p0 =	sne.s32 s19, $0x9C0;
	v3 =	vld [tilespmem:s5+$0x1EC80];
	_ =	sdelay $0x2  }
.Ltmp13:
0x1fd: {  	(pc) =	sbr.rel @p0 .LBB2_28-.Ltmp13, $4  }
0x1fe: {  	_ = 	snop  }
0x1ff: {  	v3 =	vadd.f32 v2, v3  }
0x200: {  	s3 =	sshra.s32 s19, $0x2  }
0x201: {  	s19 =	sadd.s32 $0x40, s19;
	v2 =	vld [tilespmem:s3+$0x1EA00];
	[tilespmem:s5+$0x1EC80] =	vst v3;
	s5 =	smov.u32 s3  }
0x202: {  	v3 =	vld [tilespmem:s5+$0x1EC80];
	_ =	sdelay $0x4  }
0x203: {  	s3 =	sld [smem:$0x7F6];
	v2 =	vadd.f32 v2, v3;
	_ =	sdelay $0x1  }
0x204: {  	[tilespmem:s5+$0x1EC80] =	vst v2  }
0x205: {  	[tilespmem:s29], [sflag:$0x5] =	stream.strided.gather [spmem:s3], $0x280, s14, s13, $0x38;
	[tilespmem:$0x1EF00] =	vst v63  }
0x206: {  	_ =	swait.ge [sflag:s30], $0x280  }
0x207: {  	[sflag:s30] =	ssyncset.done $0x0  }
0x208: {  	s5 =	simm.s32 $0x0;
	[sflag:s30] =	ssyncadd.s32 $0xFFFFFD80  }
0x209: {  	s19 =	simm.s32 $0x40;
	v2 =	vld [tilespmem:s5+$0x1EA00]  }
.LBB2_30:
0x20a: {  	p0 =	sne.s32 s19, $0x9C0;
	v3 =	vld [tilespmem:s5+$0x1EC80];
	_ =	sdelay $0x2  }
.Ltmp14:
0x20b: {  	(pc) =	sbr.rel @p0 .LBB2_30-.Ltmp14, $4  }
0x20c: {  	_ = 	snop  }
0x20d: {  	v3 =	vadd.f32 v2, v3  }
0x20e: {  	s3 =	sshra.s32 s19, $0x2  }
0x20f: {  	s19 =	sadd.s32 $0x40, s19;
	v2 =	vld [tilespmem:s3+$0x1EA00];
	[tilespmem:s5+$0x1EC80] =	vst v3;
	s5 =	smov.u32 s3  }
0x210: {  	v3 =	vld [tilespmem:s5+$0x1EC80];
	_ =	sdelay $0x4  }
0x211: {  	s3 =	sld [smem:$0x7F7];
	v2 =	vadd.f32 v2, v3;
	_ =	sdelay $0x1  }
0x212: {  	[tilespmem:s5+$0x1EC80] =	vst v2  }
0x213: {  	[tilespmem:s29], [sflag:$0x5] =	stream.strided.gather [spmem:s3], $0x280, s14, s13, $0x38;
	[tilespmem:$0x1EF00] =	vst v63  }
0x214: {  	_ =	swait.ge [sflag:s30], $0x280  }
0x215: {  	[sflag:s30] =	ssyncset.done $0x0  }
0x216: {  	s5 =	simm.s32 $0x0;
	[sflag:s30] =	ssyncadd.s32 $0xFFFFFD80  }
0x217: {  	s19 =	simm.s32 $0x40;
	v2 =	vld [tilespmem:s5+$0x1EA00]  }
.LBB2_32:
0x218: {  	p0 =	sne.s32 s19, $0x9C0;
	v3 =	vld [tilespmem:s5+$0x1EC80];
	_ =	sdelay $0x2  }
.Ltmp15:
0x219: {  	(pc) =	sbr.rel @p0 .LBB2_32-.Ltmp15, $4  }
0x21a: {  	_ = 	snop  }
0x21b: {  	v3 =	vadd.f32 v2, v3  }
0x21c: {  	s3 =	sshra.s32 s19, $0x2  }
0x21d: {  	s19 =	sadd.s32 $0x40, s19;
	v2 =	vld [tilespmem:s3+$0x1EA00];
	[tilespmem:s5+$0x1EC80] =	vst v3;
	s5 =	smov.u32 s3  }
0x21e: {  	v3 =	vld [tilespmem:s5+$0x1EC80];
	_ =	sdelay $0x4  }
0x21f: {  	s3 =	sld [smem:$0x7F8];
	v2 =	vadd.f32 v2, v3;
	_ =	sdelay $0x1  }
0x220: {  	[tilespmem:s5+$0x1EC80] =	vst v2  }
0x221: {  	[tilespmem:s29], [sflag:$0x5] =	stream.strided.gather [spmem:s3], $0x280, s14, s13, $0x38;
	[tilespmem:$0x1EF00] =	vst v63  }
0x222: {  	_ =	swait.ge [sflag:s30], $0x280  }
0x223: {  	[sflag:s30] =	ssyncset.done $0x0  }
0x224: {  	s5 =	simm.s32 $0x0;
	[sflag:s30] =	ssyncadd.s32 $0xFFFFFD80  }
0x225: {  	s19 =	simm.s32 $0x40;
	v2 =	vld [tilespmem:s5+$0x1EA00]  }
.LBB2_34:
0x226: {  	p0 =	sne.s32 s19, $0x9C0;
	v3 =	vld [tilespmem:s5+$0x1EC80];
	_ =	sdelay $0x2  }
.Ltmp16:
0x227: {  	(pc) =	sbr.rel @p0 .LBB2_34-.Ltmp16, $4  }
0x228: {  	_ = 	snop  }
0x229: {  	v3 =	vadd.f32 v2, v3  }
0x22a: {  	s3 =	sshra.s32 s19, $0x2  }
0x22b: {  	s19 =	sadd.s32 $0x40, s19;
	v2 =	vld [tilespmem:s3+$0x1EA00];
	[tilespmem:s5+$0x1EC80] =	vst v3;
	s5 =	smov.u32 s3  }
0x22c: {  	v3 =	vld [tilespmem:s5+$0x1EC80];
	_ =	sdelay $0x4  }
0x22d: {  	s3 =	sld [smem:$0x7F9];
	v2 =	vadd.f32 v2, v3;
	_ =	sdelay $0x1  }
0x22e: {  	[tilespmem:s5+$0x1EC80] =	vst v2  }
0x22f: {  	[tilespmem:s29], [sflag:$0x5] =	stream.strided.gather [spmem:s3], $0x280, s14, s13, $0x38;
	[tilespmem:$0x1EF00] =	vst v63  }
0x230: {  	_ =	swait.ge [sflag:s30], $0x280  }
0x231: {  	[sflag:s30] =	ssyncset.done $0x0  }
0x232: {  	s5 =	simm.s32 $0x0;
	[sflag:s30] =	ssyncadd.s32 $0xFFFFFD80  }
0x233: {  	s19 =	simm.s32 $0x40;
	v2 =	vld [tilespmem:s5+$0x1EA00]  }
.LBB2_36:
0x234: {  	p0 =	sne.s32 s19, $0x9C0;
	v3 =	vld [tilespmem:s5+$0x1EC80];
	_ =	sdelay $0x2  }
.Ltmp17:
0x235: {  	(pc) =	sbr.rel @p0 .LBB2_36-.Ltmp17, $4  }
0x236: {  	_ = 	snop  }
0x237: {  	v3 =	vadd.f32 v2, v3  }
0x238: {  	s3 =	sshra.s32 s19, $0x2  }
0x239: {  	s19 =	sadd.s32 $0x40, s19;
	v2 =	vld [tilespmem:s3+$0x1EA00];
	[tilespmem:s5+$0x1EC80] =	vst v3;
	s5 =	smov.u32 s3  }
0x23a: {  	v3 =	vld [tilespmem:s5+$0x1EC80];
	_ =	sdelay $0x4  }
0x23b: {  	s3 =	sld [smem:$0x7FA];
	v2 =	vadd.f32 v2, v3;
	_ =	sdelay $0x1  }
0x23c: {  	[tilespmem:s5+$0x1EC80] =	vst v2  }
0x23d: {  	[tilespmem:s29], [sflag:$0x5] =	stream.strided.gather [spmem:s3], $0x280, s14, s13, $0x38;
	[tilespmem:$0x1EF00] =	vst v63  }
0x23e: {  	_ =	swait.ge [sflag:s30], $0x280  }
0x23f: {  	[sflag:s30] =	ssyncset.done $0x0  }
0x240: {  	s5 =	simm.s32 $0x0;
	[sflag:s30] =	ssyncadd.s32 $0xFFFFFD80  }
0x241: {  	s19 =	simm.s32 $0x40;
	v2 =	vld [tilespmem:s5+$0x1EA00]  }
.LBB2_38:
0x242: {  	p0 =	sne.s32 s19, $0x9C0;
	v3 =	vld [tilespmem:s5+$0x1EC80];
	_ =	sdelay $0x2  }
.Ltmp18:
0x243: {  	(pc) =	sbr.rel @p0 .LBB2_38-.Ltmp18, $4  }
0x244: {  	_ = 	snop  }
0x245: {  	v3 =	vadd.f32 v2, v3  }
0x246: {  	s3 =	sshra.s32 s19, $0x2  }
0x247: {  	s19 =	sadd.s32 $0x40, s19;
	v2 =	vld [tilespmem:s3+$0x1EA00];
	[tilespmem:s5+$0x1EC80] =	vst v3;
	s5 =	smov.u32 s3  }
0x248: {  	v3 =	vld [tilespmem:s5+$0x1EC80];
	_ =	sdelay $0x4  }
0x249: {  	s3 =	sld [smem:$0x7FB];
	v2 =	vadd.f32 v2, v3;
	_ =	sdelay $0x1  }
0x24a: {  	[tilespmem:s5+$0x1EC80] =	vst v2  }
0x24b: {  	[tilespmem:s29], [sflag:$0x5] =	stream.strided.gather [spmem:s3], $0x280, s14, s13, $0x38;
	[tilespmem:$0x1EF00] =	vst v63  }
0x24c: {  	_ =	swait.ge [sflag:s30], $0x280  }
0x24d: {  	[sflag:s30] =	ssyncset.done $0x0  }
0x24e: {  	s5 =	simm.s32 $0x0;
	[sflag:s30] =	ssyncadd.s32 $0xFFFFFD80  }
0x24f: {  	s19 =	simm.s32 $0x40;
	v2 =	vld [tilespmem:s5+$0x1EA00]  }
.LBB2_40:
0x250: {  	p0 =	sne.s32 s19, $0x9C0;
	v3 =	vld [tilespmem:s5+$0x1EC80];
	_ =	sdelay $0x2  }
.Ltmp19:
0x251: {  	(pc) =	sbr.rel @p0 .LBB2_40-.Ltmp19, $4  }
0x252: {  	_ = 	snop  }
0x253: {  	v3 =	vadd.f32 v2, v3  }
0x254: {  	s3 =	sshra.s32 s19, $0x2  }
0x255: {  	s19 =	sadd.s32 $0x40, s19;
	v2 =	vld [tilespmem:s3+$0x1EA00];
	[tilespmem:s5+$0x1EC80] =	vst v3;
	s5 =	smov.u32 s3  }
0x256: {  	v3 =	vld [tilespmem:s5+$0x1EC80];
	_ =	sdelay $0x4  }
0x257: {  	s3 =	sld [smem:$0x7FC];
	v2 =	vadd.f32 v2, v3;
	_ =	sdelay $0x1  }
0x258: {  	[tilespmem:s5+$0x1EC80] =	vst v2  }
0x259: {  	[tilespmem:s29], [sflag:$0x5] =	stream.strided.gather [spmem:s3], $0x280, s14, s13, $0x38;
	[tilespmem:$0x1EF00] =	vst v63  }
0x25a: {  	_ =	swait.ge [sflag:s30], $0x280  }
0x25b: {  	[sflag:s30] =	ssyncset.done $0x0  }
0x25c: {  	s5 =	simm.s32 $0x0;
	[sflag:s30] =	ssyncadd.s32 $0xFFFFFD80  }
0x25d: {  	s19 =	simm.s32 $0x40;
	v2 =	vld [tilespmem:s5+$0x1EA00]  }
.LBB2_42:
0x25e: {  	p0 =	sne.s32 s19, $0x9C0;
	v3 =	vld [tilespmem:s5+$0x1EC80];
	_ =	sdelay $0x2  }
.Ltmp20:
0x25f: {  	(pc) =	sbr.rel @p0 .LBB2_42-.Ltmp20, $4  }
0x260: {  	_ = 	snop  }
0x261: {  	v3 =	vadd.f32 v2, v3  }
0x262: {  	s3 =	sshra.s32 s19, $0x2  }
0x263: {  	s19 =	sadd.s32 $0x40, s19;
	v2 =	vld [tilespmem:s3+$0x1EA00];
	[tilespmem:s5+$0x1EC80] =	vst v3;
	s5 =	smov.u32 s3  }
0x264: {  	v3 =	vld [tilespmem:s5+$0x1EC80];
	_ =	sdelay $0x4  }
0x265: {  	s3 =	sld [smem:$0x7FD];
	v2 =	vadd.f32 v2, v3;
	_ =	sdelay $0x1  }
0x266: {  	[tilespmem:s5+$0x1EC80] =	vst v2  }
0x267: {  	[tilespmem:s29], [sflag:$0x5] =	stream.strided.gather [spmem:s3], $0x280, s14, s13, $0x38;
	[tilespmem:$0x1EF00] =	vst v63  }
0x268: {  	_ =	swait.ge [sflag:s30], $0x280  }
0x269: {  	[sflag:s30] =	ssyncset.done $0x0  }
0x26a: {  	s5 =	simm.s32 $0x0;
	[sflag:s30] =	ssyncadd.s32 $0xFFFFFD80  }
0x26b: {  	s19 =	simm.s32 $0x40;
	v2 =	vld [tilespmem:s5+$0x1EA00]  }
.LBB2_44:
0x26c: {  	p0 =	sne.s32 s19, $0x9C0;
	v3 =	vld [tilespmem:s5+$0x1EC80];
	_ =	sdelay $0x2  }
.Ltmp21:
0x26d: {  	(pc) =	sbr.rel @p0 .LBB2_44-.Ltmp21, $4  }
0x26e: {  	_ = 	snop  }
0x26f: {  	v3 =	vadd.f32 v2, v3  }
0x270: {  	s3 =	sshra.s32 s19, $0x2  }
0x271: {  	s19 =	sadd.s32 $0x40, s19;
	v2 =	vld [tilespmem:s3+$0x1EA00];
	[tilespmem:s5+$0x1EC80] =	vst v3;
	s5 =	smov.u32 s3  }
0x272: {  	v3 =	vld [tilespmem:s5+$0x1EC80];
	_ =	sdelay $0x4  }
0x273: {  	v2 =	vadd.f32 v2, v3;
	_ =	sdelay $0x1  }
0x274: {  	s3 =	rddreg [dreg:$0xa];
	s29 =	simm.s32 $0x1EC80;
	[tilespmem:s5+$0x1EC80] =	vst v2  }
0x275: {  	[hbm4b:s3+s13] =	stream.strided.scatter [tilespmem:s29], [sflag:$0x5], $0x280, s14, s13, $0x38;
	[tilespmem:$0x1EF00] =	vst v63  }
0x276: {  	_ =	swait.ge [sflag:s30], $0x280  }
0x277: {  	s19 =	rddreg [dreg:$0x7]  }
0x278: {  	s29 =	rddreg [dreg:$0x14];
	s3 =	sadd.s32 $0x1, s19  }
0x279: {  	p0 =	sne.s32 s3, s29  }
.Ltmp22:
0x27a: {  	_ = 	snop;
	(pc) =	sbr.rel @p0 .LBB2_1-.Ltmp22, $3  }
0x27b: {  	_ =	sdelay $0x1  }
0x27c: {  	[sflag:s30] =	ssyncset.done $0x0  }
0x27d: {  	[sflag:s30] =	ssyncadd.s32 $0xFFFFFD80  }
0x27e: {  	_ =	sfence.sel $0x180000  }
0x27f: {  	[bflag:$0x0] =	sbarrier.arrive $0xFFFF  }
0x280: {  	_ =	strace $0x90000047  }
0x281: {  	s0 =	stileid.u32;
	[bflag:$0x2] =	sbarrier.arrive $0xFFFF  }
0x282: {  	p0 =	sne.s32 s0, $0x0;
	s0 =	rddreg [dreg:$0x6]  }
0x283: {  	s0 =	sadd.s32 @!p0 $0x100000, s0  }
0x284: {  	[sflag:s0] =	ssyncadd.tile.s32 @!p0 $0x1;
	_ =	shalt  }
.Lfunc_end2:
_tile_overlayer_lowered:
.L_overlay_start_2:
0x285: {  	(tag) =	ssettag $0x2  }
0x286: {  	s0 =	rddreg [dreg:$0x0];
	s2 =	stileid.u32  }
0x287: {  	s1 =	rddreg [dreg:$0x1];
	p0 =	sne.s32 s2, $0x0  }
0x288: {  	s3 =	rddreg [dreg:$0x2];
	[bflag:$0x3] =	sbarrier.arrive $0xFFFF;
	s2 =	simm.s32 @!p0 $0x1C05  }
0x289: {  	[timem:s3], [sflag:s2] =	dma.local @!p0 [hbm:s0], s1  }
0x28a: {  	s0 =	simm.s32 @!p0 $0x5  }
0x28b: {  	_ =	swait.ge @!p0 [sflag:s0], s1  }
0x28c: {  	s1 =	ssub.s32 @!p0 $0x0, s1;
	[sflag:s0] =	ssyncset.done @!p0 $0x0  }
0x28d: {  	[sflag:s0] =	ssyncadd.s32 @!p0 s1  }
0x28e: {  	[bflag:$0x3] =	sbarrier.arrive $0xFFFF  }
0x28f: {  	_ =	shalt  }

</sc_bundles>
